<compile_context>
chip_gen: v7x
topology: tpu7x:2x2x1
jax: 0.10.2.dev20260603
libtpu: 0.0.44.dev20260713+nightly
codegen_flags: <defaults>
</compile_context>

<pallas_src>
import functools

import jax
import jax.numpy as jnp
from jax import lax
from jax.experimental import pallas as pl
from jax.experimental.pallas import tpu as pltpu
from jax.experimental.pallas import tpu_sc as plsc

_BATCH = 4096
_NF = 26
_NV = 100
_D = _NF * _NV
_NC = 2
_NS = 16
_CROWS = 2 * _NV
_CB = 128
_NCH = _NF // 2


def _sc_body(idx_hbm, out_hbm, buf0, buf1, idx_v, sem0, sem1):
    wid = lax.axis_index("s") * _NC + lax.axis_index("c")
    c0 = wid * _CB

    zeros = jnp.zeros((16,), jnp.int32)
    ones = jnp.ones((16,), jnp.int32)
    lane = lax.iota(jnp.int32, 16)

    pltpu.sync_copy(idx_hbm.at[:, pl.ds(c0, _CB)], idx_v)

    def zero_body(i, carry):
        for rr in range(4):
            for s in range(8):
                buf0[i * 4 + rr, pl.ds(s * 16, 16)] = zeros
                buf1[i * 4 + rr, pl.ds(s * 16, 16)] = zeros
        return carry

    lax.fori_loop(0, _CROWS // 4, zero_body, 0)

    bufs = (buf0, buf1)
    sems = (sem0, sem1)

    def win(p):
        r = pl.multiple_of(p * _CROWS, _CROWS)
        return out_hbm.at[pl.ds(r, _CROWS), pl.ds(c0, _CB)]

    def scat(buf, p, x):
        for fi in range(2):
            for g in range(8):
                vals = idx_v[2 * p + fi, pl.ds(g * 16, 16)]
                plsc.store_scatter(
                    buf, [vals + (fi * _NV), lane + (g * 16)], x)

    def step(buf, sem, p):
        pltpu.make_async_copy(buf, win(p - 2), sem).wait()
        scat(buf, p - 2, zeros)
        scat(buf, p, ones)
        pltpu.async_copy(buf, win(p), sem)

    scat(buf0, 0, ones)
    pltpu.async_copy(buf0, win(0), sem0)
    scat(buf1, 1, ones)
    pltpu.async_copy(buf1, win(1), sem1)

    def pair_body(j, carry):
        step(buf0, sem0, 2 * j + 2)
        step(buf1, sem1, 2 * j + 3)
        return carry

    lax.fori_loop(0, (_NCH - 3) // 2, pair_body, 0)

    step(buf0, sem0, _NCH - 1)
    pltpu.make_async_copy(buf1, win(_NCH - 2), sem1).wait()
    pltpu.make_async_copy(buf0, win(_NCH - 1), sem0).wait()


@functools.partial(
    pl.kernel,
    out_type=jax.ShapeDtypeStruct((_D, _BATCH), jnp.int32),
    mesh=plsc.VectorSubcoreMesh(
        core_axis_name="c", subcore_axis_name="s",
        num_cores=_NC, num_subcores=_NS,
    ),
    scratch_types=[
        pltpu.VMEM((_CROWS, _CB), jnp.int32),
        pltpu.VMEM((_CROWS, _CB), jnp.int32),
        pltpu.VMEM((_NF, _CB), jnp.int32),
        pltpu.SemaphoreType.DMA,
        pltpu.SemaphoreType.DMA,
    ],
    compiler_params=pltpu.CompilerParams(needs_layout_passes=False),
)
def _sc_multi_one_hot(idx_hbm, out_hbm, buf0, buf1, idx_v, sem0, sem1):
    _sc_body(idx_hbm, out_hbm, buf0, buf1, idx_v, sem0, sem1)


@jax.jit
def kernel(index_list):
    return _sc_multi_one_hot(index_list.T).T

# --- scband reference (transcript-rebuilt; emitter-appended) ---
"""Pipeline reference for scband-multi-one-hot-encoding-83923660963923 (READ-ONLY COPY).

The authoritative reference and input builder live on the scoring server;
editing this copy changes nothing except your own understanding.
"""

import jax, jax.numpy as jnp
import numpy as np

N_EMBEDDING_LIST = [100] * 26
BATCH = 4096
N_FIELDS = 26


def setup_inputs(seed: int = 0) -> dict:
    key = jax.random.key(seed)
    index_list = jax.random.randint(key, (BATCH, N_FIELDS), 0, 100, dtype=jnp.int32)
    return {"index_list": index_list}


def reference(index_list):
    # Faithful translation of MultiOneHotEncoding.forward:
    # one-hot encode each categorical field, concatenate along last dim.
    # torch F.one_hot returns int64; with default jax config int64 -> int32,
    # so we emit int32 one-hots (same values 0/1).
    assert index_list.shape[-1] == len(N_EMBEDDING_LIST)
    parts = [
        jax.nn.one_hot(index_list[..., i], n_embedding, dtype=jnp.int32)
        for i, n_embedding in enumerate(N_EMBEDDING_LIST)
    ]
    result = jnp.concatenate(parts, axis=-1)
    return result

if __name__ == "__main__":
    import jax
    _d = setup_inputs()
    print(jax.jit(kernel)(*tuple(_d.values())))

</pallas_src>

<mosaic_0001>
#map = affine_map<(d0, d1) -> (0, 0)>
module attributes {stable_mosaic.version = 14 : i64} {
  func.func @_sc_multi_one_hot(%arg0: i32, %arg1: i32, %arg2: memref<26x4096xi32, #tpu.memory_space<hbm>>, %arg3: memref<2600x4096xi32, #tpu.memory_space<hbm>>, %arg4: memref<200x128xi32, #tpu.memory_space<vmem>>, %arg5: memref<200x128xi32, #tpu.memory_space<vmem>>, %arg6: memref<26x128xi32, #tpu.memory_space<vmem>>, %arg7: memref<!tpu.dma_semaphore, #tpu.memory_space<semaphore_mem>>, %arg8: memref<!tpu.dma_semaphore, #tpu.memory_space<semaphore_mem>>) attributes {dimension_semantics = [#tpu.dimension_semantics<core_parallel>, #tpu.dimension_semantics<subcore_parallel>], iteration_bounds = array<i64: 2, 16>, scalar_prefetch = 0 : i64, scratch_operands = 5 : i64, tpu.core_type = #tpu.core_type<sc_vector_subcore>, window_params = [{transform_indices = #map}, {transform_indices = #map}]} {
    %mul3A = arith.constant 2 : i32
    %mul3A_0 = arith.muli %arg1, %mul3A : i32
    %add3A = arith.addi %mul3A_0, %arg0 : i32
    %mul3A_1 = arith.constant 128 : i32
    %mul3A_2 = arith.muli %add3A, %mul3A_1 : i32
    %broadcast_in_dim3A = arith.constant 0 : i32
    %broadcast_in_dim3A_3 = vector.broadcast %broadcast_in_dim3A : i32 to vector<16xi32>
    %broadcast_in_dim3A_4 = arith.constant 1 : i32
    %broadcast_in_dim3A_5 = vector.broadcast %broadcast_in_dim3A_4 : i32 to vector<16xi32>
    %iota3A = tpu.iota {dimensions = array<i32: 0>} : vector<16xi32>
    "tpu.region"() ({
      %run_scoped3A = tpu.sem_alloc : memref<!tpu.dma_semaphore, #tpu.memory_space<semaphore_mem>>
      %dma_start3A_677 = arith.constant 0 : i32
      %dma_start3A_678 = tpu.memref_slice %arg2[%dma_start3A_677, %mul3A_2] : memref<26x4096xi32, #tpu.memory_space<hbm>> -> memref<26x128xi32, #tpu.memory_space<hbm>>
      %dma_start3A_679 = arith.constant 0 : i32
      %dma_start3A_680 = tpu.memref_slice %arg2[%dma_start3A_679, %mul3A_2] : memref<26x4096xi32, #tpu.memory_space<hbm>> -> memref<26x128xi32, #tpu.memory_space<hbm>>
      tpu.enqueue_dma source(%dma_start3A_680 : memref<26x128xi32, #tpu.memory_space<hbm>>) target(%arg6 : memref<26x128xi32, #tpu.memory_space<vmem>>) target_semaphore(%run_scoped3A : memref<!tpu.dma_semaphore, #tpu.memory_space<semaphore_mem>>)
      %dma_wait3A_681 = arith.constant 0 : i32
      %dma_wait3A_682 = tpu.memref_slice %arg2[%dma_wait3A_681, %mul3A_2] : memref<26x4096xi32, #tpu.memory_space<hbm>> -> memref<26x128xi32, #tpu.memory_space<hbm>>
      %dma_wait3A_683 = arith.constant 0 : i32
      %dma_wait3A_684 = tpu.memref_slice %arg2[%dma_wait3A_683, %mul3A_2] : memref<26x4096xi32, #tpu.memory_space<hbm>> -> memref<26x128xi32, #tpu.memory_space<hbm>>
      tpu.wait_dma2 semaphore(%run_scoped3A : memref<!tpu.dma_semaphore, #tpu.memory_space<semaphore_mem>>) src(%dma_wait3A_684 : memref<26x128xi32, #tpu.memory_space<hbm>>) dst(%arg6 : memref<26x128xi32, #tpu.memory_space<vmem>>)
      tpu.yield
    }) : () -> ()
    %scan3A = arith.constant 0 : i32
    %scan3A_6 = arith.constant 0 : i32
    %scan3A_7 = arith.constant 50 : i32
    %scan3A_8 = arith.addi %scan3A_6, %scan3A_7 : i32
    %scan3A_9 = arith.constant 1 : i32
    scf.for %scan3A_677 = %scan3A_6 to %scan3A_8 step %scan3A_9  : i32 {
      %mul3A_678 = arith.constant 4 : i32
      %mul3A_679 = arith.muli %scan3A_677, %mul3A_678 : i32
      %add3A_680 = arith.constant 0 : i32
      %add3A_681 = arith.addi %mul3A_679, %add3A_680 : i32
      %swap3A = arith.index_cast %add3A_681 : i32 to index
      %swap3A_682 = arith.constant 0 : index
      %swap3A_683 = tpu.vector_load %arg4[%swap3A, %swap3A_682] {strides = array<i32>} : memref<200x128xi32, #tpu.memory_space<vmem>>, vector<16xi32>,
      tpu.vector_store %arg4[%swap3A, %swap3A_682], %broadcast_in_dim3A_3 {strides = array<i32>} : memref<200x128xi32, #tpu.memory_space<vmem>>, vector<16xi32>,
      %mul3A_684 = arith.constant 4 : i32
      %mul3A_685 = arith.muli %scan3A_677, %mul3A_684 : i32
      %add3A_686 = arith.constant 0 : i32
      %add3A_687 = arith.addi %mul3A_685, %add3A_686 : i32
      %swap3A_688 = arith.index_cast %add3A_687 : i32 to index
      %swap3A_689 = arith.constant 0 : index
      %swap3A_690 = tpu.vector_load %arg5[%swap3A_688, %swap3A_689] {strides = array<i32>} : memref<200x128xi32, #tpu.memory_space<vmem>>, vector<16xi32>,
      tpu.vector_store %arg5[%swap3A_688, %swap3A_689], %broadcast_in_dim3A_3 {strides = array<i32>} : memref<200x128xi32, #tpu.memory_space<vmem>>, vector<16xi32>,
      %mul3A_691 = arith.constant 4 : i32
      %mul3A_692 = arith.muli %scan3A_677, %mul3A_691 : i32
      %add3A_693 = arith.constant 0 : i32
      %add3A_694 = arith.addi %mul3A_692, %add3A_693 : i32
      %swap3A_695 = arith.index_cast %add3A_694 : i32 to index
      %swap3A_696 = arith.constant 16 : index
      %swap3A_697 = tpu.vector_load %arg4[%swap3A_695, %swap3A_696] {strides = array<i32>} : memref<200x128xi32, #tpu.memory_space<vmem>>, vector<16xi32>,
      tpu.vector_store %arg4[%swap3A_695, %swap3A_696], %broadcast_in_dim3A_3 {strides = array<i32>} : memref<200x128xi32, #tpu.memory_space<vmem>>, vector<16xi32>,
      %mul3A_698 = arith.constant 4 : i32
      %mul3A_699 = arith.muli %scan3A_677, %mul3A_698 : i32
      %add3A_700 = arith.constant 0 : i32
      %add3A_701 = arith.addi %mul3A_699, %add3A_700 : i32
      %swap3A_702 = arith.index_cast %add3A_701 : i32 to index
      %swap3A_703 = arith.constant 16 : index
      %swap3A_704 = tpu.vector_load %arg5[%swap3A_702, %swap3A_703] {strides = array<i32>} : memref<200x128xi32, #tpu.memory_space<vmem>>, vector<16xi32>,
      tpu.vector_store %arg5[%swap3A_702, %swap3A_703], %broadcast_in_dim3A_3 {strides = array<i32>} : memref<200x128xi32, #tpu.memory_space<vmem>>, vector<16xi32>,
      %mul3A_705 = arith.constant 4 : i32
      %mul3A_706 = arith.muli %scan3A_677, %mul3A_705 : i32
      %add3A_707 = arith.constant 0 : i32
      %add3A_708 = arith.addi %mul3A_706, %add3A_707 : i32
      %swap3A_709 = arith.index_cast %add3A_708 : i32 to index
      %swap3A_710 = arith.constant 32 : index
      %swap3A_711 = tpu.vector_load %arg4[%swap3A_709, %swap3A_710] {strides = array<i32>} : memref<200x128xi32, #tpu.memory_space<vmem>>, vector<16xi32>,
      tpu.vector_store %arg4[%swap3A_709, %swap3A_710], %broadcast_in_dim3A_3 {strides = array<i32>} : memref<200x128xi32, #tpu.memory_space<vmem>>, vector<16xi32>,
      %mul3A_712 = arith.constant 4 : i32
      %mul3A_713 = arith.muli %scan3A_677, %mul3A_712 : i32
      %add3A_714 = arith.constant 0 : i32
      %add3A_715 = arith.addi %mul3A_713, %add3A_714 : i32
      %swap3A_716 = arith.index_cast %add3A_715 : i32 to index
      %swap3A_717 = arith.constant 32 : index
      %swap3A_718 = tpu.vector_load %arg5[%swap3A_716, %swap3A_717] {strides = array<i32>} : memref<200x128xi32, #tpu.memory_space<vmem>>, vector<16xi32>,
      tpu.vector_store %arg5[%swap3A_716, %swap3A_717], %broadcast_in_dim3A_3 {strides = array<i32>} : memref<200x128xi32, #tpu.memory_space<vmem>>, vector<16xi32>,
      %mul3A_719 = arith.constant 4 : i32
      %mul3A_720 = arith.muli %scan3A_677, %mul3A_719 : i32
      %add3A_721 = arith.constant 0 : i32
      %add3A_722 = arith.addi %mul3A_720, %add3A_721 : i32
      %swap3A_723 = arith.index_cast %add3A_722 : i32 to index
      %swap3A_724 = arith.constant 48 : index
      %swap3A_725 = tpu.vector_load %arg4[%swap3A_723, %swap3A_724] {strides = array<i32>} : memref<200x128xi32, #tpu.memory_space<vmem>>, vector<16xi32>,
      tpu.vector_store %arg4[%swap3A_723, %swap3A_724], %broadcast_in_dim3A_3 {strides = array<i32>} : memref<200x128xi32, #tpu.memory_space<vmem>>, vector<16xi32>,
      %mul3A_726 = arith.constant 4 : i32
      %mul3A_727 = arith.muli %scan3A_677, %mul3A_726 : i32
      %add3A_728 = arith.constant 0 : i32
      %add3A_729 = arith.addi %mul3A_727, %add3A_728 : i32
      %swap3A_730 = arith.index_cast %add3A_729 : i32 to index
      %swap3A_731 = arith.constant 48 : index
      %swap3A_732 = tpu.vector_load %arg5[%swap3A_730, %swap3A_731] {strides = array<i32>} : memref<200x128xi32, #tpu.memory_space<vmem>>, vector<16xi32>,
      tpu.vector_store %arg5[%swap3A_730, %swap3A_731], %broadcast_in_dim3A_3 {strides = array<i32>} : memref<200x128xi32, #tpu.memory_space<vmem>>, vector<16xi32>,
      %mul3A_733 = arith.constant 4 : i32
      %mul3A_734 = arith.muli %scan3A_677, %mul3A_733 : i32
      %add3A_735 = arith.constant 0 : i32
      %add3A_736 = arith.addi %mul3A_734, %add3A_735 : i32
      %swap3A_737 = arith.index_cast %add3A_736 : i32 to index
      %swap3A_738 = arith.constant 64 : index
      %swap3A_739 = tpu.vector_load %arg4[%swap3A_737, %swap3A_738] {strides = array<i32>} : memref<200x128xi32, #tpu.memory_space<vmem>>, vector<16xi32>,
      tpu.vector_store %arg4[%swap3A_737, %swap3A_738], %broadcast_in_dim3A_3 {strides = array<i32>} : memref<200x128xi32, #tpu.memory_space<vmem>>, vector<16xi32>,
      %mul3A_740 = arith.constant 4 : i32
      %mul3A_741 = arith.muli %scan3A_677, %mul3A_740 : i32
      %add3A_742 = arith.constant 0 : i32
      %add3A_743 = arith.addi %mul3A_741, %add3A_742 : i32
      %swap3A_744 = arith.index_cast %add3A_743 : i32 to index
      %swap3A_745 = arith.constant 64 : index
      %swap3A_746 = tpu.vector_load %arg5[%swap3A_744, %swap3A_745] {strides = array<i32>} : memref<200x128xi32, #tpu.memory_space<vmem>>, vector<16xi32>,
      tpu.vector_store %arg5[%swap3A_744, %swap3A_745], %broadcast_in_dim3A_3 {strides = array<i32>} : memref<200x128xi32, #tpu.memory_space<vmem>>, vector<16xi32>,
      %mul3A_747 = arith.constant 4 : i32
      %mul3A_748 = arith.muli %scan3A_677, %mul3A_747 : i32
      %add3A_749 = arith.constant 0 : i32
      %add3A_750 = arith.addi %mul3A_748, %add3A_749 : i32
      %swap3A_751 = arith.index_cast %add3A_750 : i32 to index
      %swap3A_752 = arith.constant 80 : index
      %swap3A_753 = tpu.vector_load %arg4[%swap3A_751, %swap3A_752] {strides = array<i32>} : memref<200x128xi32, #tpu.memory_space<vmem>>, vector<16xi32>,
      tpu.vector_store %arg4[%swap3A_751, %swap3A_752], %broadcast_in_dim3A_3 {strides = array<i32>} : memref<200x128xi32, #tpu.memory_space<vmem>>, vector<16xi32>,
      %mul3A_754 = arith.constant 4 : i32
      %mul3A_755 = arith.muli %scan3A_677, %mul3A_754 : i32
      %add3A_756 = arith.constant 0 : i32
      %add3A_757 = arith.addi %mul3A_755, %add3A_756 : i32
      %swap3A_758 = arith.index_cast %add3A_757 : i32 to index
      %swap3A_759 = arith.constant 80 : index
      %swap3A_760 = tpu.vector_load %arg5[%swap3A_758, %swap3A_759] {strides = array<i32>} : memref<200x128xi32, #tpu.memory_space<vmem>>, vector<16xi32>,
      tpu.vector_store %arg5[%swap3A_758, %swap3A_759], %broadcast_in_dim3A_3 {strides = array<i32>} : memref<200x128xi32, #tpu.memory_space<vmem>>, vector<16xi32>,
      %mul3A_761 = arith.constant 4 : i32
      %mul3A_762 = arith.muli %scan3A_677, %mul3A_761 : i32
      %add3A_763 = arith.constant 0 : i32
      %add3A_764 = arith.addi %mul3A_762, %add3A_763 : i32
      %swap3A_765 = arith.index_cast %add3A_764 : i32 to index
      %swap3A_766 = arith.constant 96 : index
      %swap3A_767 = tpu.vector_load %arg4[%swap3A_765, %swap3A_766] {strides = array<i32>} : memref<200x128xi32, #tpu.memory_space<vmem>>, vector<16xi32>,
      tpu.vector_store %arg4[%swap3A_765, %swap3A_766], %broadcast_in_dim3A_3 {strides = array<i32>} : memref<200x128xi32, #tpu.memory_space<vmem>>, vector<16xi32>,
      %mul3A_768 = arith.constant 4 : i32
      %mul3A_769 = arith.muli %scan3A_677, %mul3A_768 : i32
      %add3A_770 = arith.constant 0 : i32
      %add3A_771 = arith.addi %mul3A_769, %add3A_770 : i32
      %swap3A_772 = arith.index_cast %add3A_771 : i32 to index
      %swap3A_773 = arith.constant 96 : index
      %swap3A_774 = tpu.vector_load %arg5[%swap3A_772, %swap3A_773] {strides = array<i32>} : memref<200x128xi32, #tpu.memory_space<vmem>>, vector<16xi32>,
      tpu.vector_store %arg5[%swap3A_772, %swap3A_773], %broadcast_in_dim3A_3 {strides = array<i32>} : memref<200x128xi32, #tpu.memory_space<vmem>>, vector<16xi32>,
      %mul3A_775 = arith.constant 4 : i32
      %mul3A_776 = arith.muli %scan3A_677, %mul3A_775 : i32
      %add3A_777 = arith.constant 0 : i32
      %add3A_778 = arith.addi %mul3A_776, %add3A_777 : i32
      %swap3A_779 = arith.index_cast %add3A_778 : i32 to index
      %swap3A_780 = arith.constant 112 : index
      %swap3A_781 = tpu.vector_load %arg4[%swap3A_779, %swap3A_780] {strides = array<i32>} : memref<200x128xi32, #tpu.memory_space<vmem>>, vector<16xi32>,
      tpu.vector_store %arg4[%swap3A_779, %swap3A_780], %broadcast_in_dim3A_3 {strides = array<i32>} : memref<200x128xi32, #tpu.memory_space<vmem>>, vector<16xi32>,
      %mul3A_782 = arith.constant 4 : i32
      %mul3A_783 = arith.muli %scan3A_677, %mul3A_782 : i32
      %add3A_784 = arith.constant 0 : i32
      %add3A_785 = arith.addi %mul3A_783, %add3A_784 : i32
      %swap3A_786 = arith.index_cast %add3A_785 : i32 to index
      %swap3A_787 = arith.constant 112 : index
      %swap3A_788 = tpu.vector_load %arg5[%swap3A_786, %swap3A_787] {strides = array<i32>} : memref<200x128xi32, #tpu.memory_space<vmem>>, vector<16xi32>,
      tpu.vector_store %arg5[%swap3A_786, %swap3A_787], %broadcast_in_dim3A_3 {strides = array<i32>} : memref<200x128xi32, #tpu.memory_space<vmem>>, vector<16xi32>,
      %mul3A_789 = arith.constant 4 : i32
      %mul3A_790 = arith.muli %scan3A_677, %mul3A_789 : i32
      %add3A_791 = arith.constant 1 : i32
      %add3A_792 = arith.addi %mul3A_790, %add3A_791 : i32
      %swap3A_793 = arith.index_cast %add3A_792 : i32 to index
      %swap3A_794 = arith.constant 0 : index
      %swap3A_795 = tpu.vector_load %arg4[%swap3A_793, %swap3A_794] {strides = array<i32>} : memref<200x128xi32, #tpu.memory_space<vmem>>, vector<16xi32>,
      tpu.vector_store %arg4[%swap3A_793, %swap3A_794], %broadcast_in_dim3A_3 {strides = array<i32>} : memref<200x128xi32, #tpu.memory_space<vmem>>, vector<16xi32>,
      %mul3A_796 = arith.constant 4 : i32
      %mul3A_797 = arith.muli %scan3A_677, %mul3A_796 : i32
      %add3A_798 = arith.constant 1 : i32
      %add3A_799 = arith.addi %mul3A_797, %add3A_798 : i32
      %swap3A_800 = arith.index_cast %add3A_799 : i32 to index
      %swap3A_801 = arith.constant 0 : index
      %swap3A_802 = tpu.vector_load %arg5[%swap3A_800, %swap3A_801] {strides = array<i32>} : memref<200x128xi32, #tpu.memory_space<vmem>>, vector<16xi32>,
      tpu.vector_store %arg5[%swap3A_800, %swap3A_801], %broadcast_in_dim3A_3 {strides = array<i32>} : memref<200x128xi32, #tpu.memory_space<vmem>>, vector<16xi32>,
      %mul3A_803 = arith.constant 4 : i32
      %mul3A_804 = arith.muli %scan3A_677, %mul3A_803 : i32
      %add3A_805 = arith.constant 1 : i32
      %add3A_806 = arith.addi %mul3A_804, %add3A_805 : i32
      %swap3A_807 = arith.index_cast %add3A_806 : i32 to index
      %swap3A_808 = arith.constant 16 : index
      %swap3A_809 = tpu.vector_load %arg4[%swap3A_807, %swap3A_808] {strides = array<i32>} : memref<200x128xi32, #tpu.memory_space<vmem>>, vector<16xi32>,
      tpu.vector_store %arg4[%swap3A_807, %swap3A_808], %broadcast_in_dim3A_3 {strides = array<i32>} : memref<200x128xi32, #tpu.memory_space<vmem>>, vector<16xi32>,
      %mul3A_810 = arith.constant 4 : i32
      %mul3A_811 = arith.muli %scan3A_677, %mul3A_810 : i32
      %add3A_812 = arith.constant 1 : i32
      %add3A_813 = arith.addi %mul3A_811, %add3A_812 : i32
      %swap3A_814 = arith.index_cast %add3A_813 : i32 to index
      %swap3A_815 = arith.constant 16 : index
      %swap3A_816 = tpu.vector_load %arg5[%swap3A_814, %swap3A_815] {strides = array<i32>} : memref<200x128xi32, #tpu.memory_space<vmem>>, vector<16xi32>,
      tpu.vector_store %arg5[%swap3A_814, %swap3A_815], %broadcast_in_dim3A_3 {strides = array<i32>} : memref<200x128xi32, #tpu.memory_space<vmem>>, vector<16xi32>,
      %mul3A_817 = arith.constant 4 : i32
      %mul3A_818 = arith.muli %scan3A_677, %mul3A_817 : i32
      %add3A_819 = arith.constant 1 : i32
      %add3A_820 = arith.addi %mul3A_818, %add3A_819 : i32
      %swap3A_821 = arith.index_cast %add3A_820 : i32 to index
      %swap3A_822 = arith.constant 32 : index
      %swap3A_823 = tpu.vector_load %arg4[%swap3A_821, %swap3A_822] {strides = array<i32>} : memref<200x128xi32, #tpu.memory_space<vmem>>, vector<16xi32>,
      tpu.vector_store %arg4[%swap3A_821, %swap3A_822], %broadcast_in_dim3A_3 {strides = array<i32>} : memref<200x128xi32, #tpu.memory_space<vmem>>, vector<16xi32>,
      %mul3A_824 = arith.constant 4 : i32
      %mul3A_825 = arith.muli %scan3A_677, %mul3A_824 : i32
      %add3A_826 = arith.constant 1 : i32
      %add3A_827 = arith.addi %mul3A_825, %add3A_826 : i32
      %swap3A_828 = arith.index_cast %add3A_827 : i32 to index
      %swap3A_829 = arith.constant 32 : index
      %swap3A_830 = tpu.vector_load %arg5[%swap3A_828, %swap3A_829] {strides = array<i32>} : memref<200x128xi32, #tpu.memory_space<vmem>>, vector<16xi32>,
      tpu.vector_store %arg5[%swap3A_828, %swap3A_829], %broadcast_in_dim3A_3 {strides = array<i32>} : memref<200x128xi32, #tpu.memory_space<vmem>>, vector<16xi32>,
      %mul3A_831 = arith.constant 4 : i32
      %mul3A_832 = arith.muli %scan3A_677, %mul3A_831 : i32
      %add3A_833 = arith.constant 1 : i32
      %add3A_834 = arith.addi %mul3A_832, %add3A_833 : i32
      %swap3A_835 = arith.index_cast %add3A_834 : i32 to index
      %swap3A_836 = arith.constant 48 : index
      %swap3A_837 = tpu.vector_load %arg4[%swap3A_835, %swap3A_836] {strides = array<i32>} : memref<200x128xi32, #tpu.memory_space<vmem>>, vector<16xi32>,
      tpu.vector_store %arg4[%swap3A_835, %swap3A_836], %broadcast_in_dim3A_3 {strides = array<i32>} : memref<200x128xi32, #tpu.memory_space<vmem>>, vector<16xi32>,
      %mul3A_838 = arith.constant 4 : i32
      %mul3A_839 = arith.muli %scan3A_677, %mul3A_838 : i32
      %add3A_840 = arith.constant 1 : i32
      %add3A_841 = arith.addi %mul3A_839, %add3A_840 : i32
      %swap3A_842 = arith.index_cast %add3A_841 : i32 to index
      %swap3A_843 = arith.constant 48 : index
      %swap3A_844 = tpu.vector_load %arg5[%swap3A_842, %swap3A_843] {strides = array<i32>} : memref<200x128xi32, #tpu.memory_space<vmem>>, vector<16xi32>,
      tpu.vector_store %arg5[%swap3A_842, %swap3A_843], %broadcast_in_dim3A_3 {strides = array<i32>} : memref<200x128xi32, #tpu.memory_space<vmem>>, vector<16xi32>,
      %mul3A_845 = arith.constant 4 : i32
      %mul3A_846 = arith.muli %scan3A_677, %mul3A_845 : i32
      %add3A_847 = arith.constant 1 : i32
      %add3A_848 = arith.addi %mul3A_846, %add3A_847 : i32
      %swap3A_849 = arith.index_cast %add3A_848 : i32 to index
      %swap3A_850 = arith.constant 64 : index
      %swap3A_851 = tpu.vector_load %arg4[%swap3A_849, %swap3A_850] {strides = array<i32>} : memref<200x128xi32, #tpu.memory_space<vmem>>, vector<16xi32>,
      tpu.vector_store %arg4[%swap3A_849, %swap3A_850], %broadcast_in_dim3A_3 {strides = array<i32>} : memref<200x128xi32, #tpu.memory_space<vmem>>, vector<16xi32>,
      %mul3A_852 = arith.constant 4 : i32
      %mul3A_853 = arith.muli %scan3A_677, %mul3A_852 : i32
      %add3A_854 = arith.constant 1 : i32
      %add3A_855 = arith.addi %mul3A_853, %add3A_854 : i32
      %swap3A_856 = arith.index_cast %add3A_855 : i32 to index
      %swap3A_857 = arith.constant 64 : index
      %swap3A_858 = tpu.vector_load %arg5[%swap3A_856, %swap3A_857] {strides = array<i32>} : memref<200x128xi32, #tpu.memory_space<vmem>>, vector<16xi32>,
      tpu.vector_store %arg5[%swap3A_856, %swap3A_857], %broadcast_in_dim3A_3 {strides = array<i32>} : memref<200x128xi32, #tpu.memory_space<vmem>>, vector<16xi32>,
      %mul3A_859 = arith.constant 4 : i32
      %mul3A_860 = arith.muli %scan3A_677, %mul3A_859 : i32
      %add3A_861 = arith.constant 1 : i32
      %add3A_862 = arith.addi %mul3A_860, %add3A_861 : i32
      %swap3A_863 = arith.index_cast %add3A_862 : i32 to index
      %swap3A_864 = arith.constant 80 : index
      %swap3A_865 = tpu.vector_load %arg4[%swap3A_863, %swap3A_864] {strides = array<i32>} : memref<200x128xi32, #tpu.memory_space<vmem>>, vector<16xi32>,
      tpu.vector_store %arg4[%swap3A_863, %swap3A_864], %broadcast_in_dim3A_3 {strides = array<i32>} : memref<200x128xi32, #tpu.memory_space<vmem>>, vector<16xi32>,
      %mul3A_866 = arith.constant 4 : i32
      %mul3A_867 = arith.muli %scan3A_677, %mul3A_866 : i32
      %add3A_868 = arith.constant 1 : i32
      %add3A_869 = arith.addi %mul3A_867, %add3A_868 : i32
      %swap3A_870 = arith.index_cast %add3A_869 : i32 to index
      %swap3A_871 = arith.constant 80 : index
      %swap3A_872 = tpu.vector_load %arg5[%swap3A_870, %swap3A_871] {strides = array<i32>} : memref<200x128xi32, #tpu.memory_space<vmem>>, vector<16xi32>,
      tpu.vector_store %arg5[%swap3A_870, %swap3A_871], %broadcast_in_dim3A_3 {strides = array<i32>} : memref<200x128xi32, #tpu.memory_space<vmem>>, vector<16xi32>,
      %mul3A_873 = arith.constant 4 : i32
      %mul3A_874 = arith.muli %scan3A_677, %mul3A_873 : i32
      %add3A_875 = arith.constant 1 : i32
      %add3A_876 = arith.addi %mul3A_874, %add3A_875 : i32
      %swap3A_877 = arith.index_cast %add3A_876 : i32 to index
      %swap3A_878 = arith.constant 96 : index
      %swap3A_879 = tpu.vector_load %arg4[%swap3A_877, %swap3A_878] {strides = array<i32>} : memref<200x128xi32, #tpu.memory_space<vmem>>, vector<16xi32>,
      tpu.vector_store %arg4[%swap3A_877, %swap3A_878], %broadcast_in_dim3A_3 {strides = array<i32>} : memref<200x128xi32, #tpu.memory_space<vmem>>, vector<16xi32>,
      %mul3A_880 = arith.constant 4 : i32
      %mul3A_881 = arith.muli %scan3A_677, %mul3A_880 : i32
      %add3A_882 = arith.constant 1 : i32
      %add3A_883 = arith.addi %mul3A_881, %add3A_882 : i32
      %swap3A_884 = arith.index_cast %add3A_883 : i32 to index
      %swap3A_885 = arith.constant 96 : index
      %swap3A_886 = tpu.vector_load %arg5[%swap3A_884, %swap3A_885] {strides = array<i32>} : memref<200x128xi32, #tpu.memory_space<vmem>>, vector<16xi32>,
      tpu.vector_store %arg5[%swap3A_884, %swap3A_885], %broadcast_in_dim3A_3 {strides = array<i32>} : memref<200x128xi32, #tpu.memory_space<vmem>>, vector<16xi32>,
      %mul3A_887 = arith.constant 4 : i32
      %mul3A_888 = arith.muli %scan3A_677, %mul3A_887 : i32
      %add3A_889 = arith.constant 1 : i32
      %add3A_890 = arith.addi %mul3A_888, %add3A_889 : i32
      %swap3A_891 = arith.index_cast %add3A_890 : i32 to index
      %swap3A_892 = arith.constant 112 : index
      %swap3A_893 = tpu.vector_load %arg4[%swap3A_891, %swap3A_892] {strides = array<i32>} : memref<200x128xi32, #tpu.memory_space<vmem>>, vector<16xi32>,
      tpu.vector_store %arg4[%swap3A_891, %swap3A_892], %broadcast_in_dim3A_3 {strides = array<i32>} : memref<200x128xi32, #tpu.memory_space<vmem>>, vector<16xi32>,
      %mul3A_894 = arith.constant 4 : i32
      %mul3A_895 = arith.muli %scan3A_677, %mul3A_894 : i32
      %add3A_896 = arith.constant 1 : i32
      %add3A_897 = arith.addi %mul3A_895, %add3A_896 : i32
      %swap3A_898 = arith.index_cast %add3A_897 : i32 to index
      %swap3A_899 = arith.constant 112 : index
      %swap3A_900 = tpu.vector_load %arg5[%swap3A_898, %swap3A_899] {strides = array<i32>} : memref<200x128xi32, #tpu.memory_space<vmem>>, vector<16xi32>,
      tpu.vector_store %arg5[%swap3A_898, %swap3A_899], %broadcast_in_dim3A_3 {strides = array<i32>} : memref<200x128xi32, #tpu.memory_space<vmem>>, vector<16xi32>,
      %mul3A_901 = arith.constant 4 : i32
      %mul3A_902 = arith.muli %scan3A_677, %mul3A_901 : i32
      %add3A_903 = arith.constant 2 : i32
      %add3A_904 = arith.addi %mul3A_902, %add3A_903 : i32
      %swap3A_905 = arith.index_cast %add3A_904 : i32 to index
      %swap3A_906 = arith.constant 0 : index
      %swap3A_907 = tpu.vector_load %arg4[%swap3A_905, %swap3A_906] {strides = array<i32>} : memref<200x128xi32, #tpu.memory_space<vmem>>, vector<16xi32>,
      tpu.vector_store %arg4[%swap3A_905, %swap3A_906], %broadcast_in_dim3A_3 {strides = array<i32>} : memref<200x128xi32, #tpu.memory_space<vmem>>, vector<16xi32>,
      %mul3A_908 = arith.constant 4 : i32
      %mul3A_909 = arith.muli %scan3A_677, %mul3A_908 : i32
      %add3A_910 = arith.constant 2 : i32
      %add3A_911 = arith.addi %mul3A_909, %add3A_910 : i32
      %swap3A_912 = arith.index_cast %add3A_911 : i32 to index
      %swap3A_913 = arith.constant 0 : index
      %swap3A_914 = tpu.vector_load %arg5[%swap3A_912, %swap3A_913] {strides = array<i32>} : memref<200x128xi32, #tpu.memory_space<vmem>>, vector<16xi32>,
      tpu.vector_store %arg5[%swap3A_912, %swap3A_913], %broadcast_in_dim3A_3 {strides = array<i32>} : memref<200x128xi32, #tpu.memory_space<vmem>>, vector<16xi32>,
      %mul3A_915 = arith.constant 4 : i32
      %mul3A_916 = arith.muli %scan3A_677, %mul3A_915 : i32
      %add3A_917 = arith.constant 2 : i32
      %add3A_918 = arith.addi %mul3A_916, %add3A_917 : i32
      %swap3A_919 = arith.index_cast %add3A_918 : i32 to index
      %swap3A_920 = arith.constant 16 : index
      %swap3A_921 = tpu.vector_load %arg4[%swap3A_919, %swap3A_920] {strides = array<i32>} : memref<200x128xi32, #tpu.memory_space<vmem>>, vector<16xi32>,
      tpu.vector_store %arg4[%swap3A_919, %swap3A_920], %broadcast_in_dim3A_3 {strides = array<i32>} : memref<200x128xi32, #tpu.memory_space<vmem>>, vector<16xi32>,
      %mul3A_922 = arith.constant 4 : i32
      %mul3A_923 = arith.muli %scan3A_677, %mul3A_922 : i32
      %add3A_924 = arith.constant 2 : i32
      %add3A_925 = arith.addi %mul3A_923, %add3A_924 : i32
      %swap3A_926 = arith.index_cast %add3A_925 : i32 to index
      %swap3A_927 = arith.constant 16 : index
      %swap3A_928 = tpu.vector_load %arg5[%swap3A_926, %swap3A_927] {strides = array<i32>} : memref<200x128xi32, #tpu.memory_space<vmem>>, vector<16xi32>,
      tpu.vector_store %arg5[%swap3A_926, %swap3A_927], %broadcast_in_dim3A_3 {strides = array<i32>} : memref<200x128xi32, #tpu.memory_space<vmem>>, vector<16xi32>,
      %mul3A_929 = arith.constant 4 : i32
      %mul3A_930 = arith.muli %scan3A_677, %mul3A_929 : i32
      %add3A_931 = arith.constant 2 : i32
      %add3A_932 = arith.addi %mul3A_930, %add3A_931 : i32
      %swap3A_933 = arith.index_cast %add3A_932 : i32 to index
      %swap3A_934 = arith.constant 32 : index
      %swap3A_935 = tpu.vector_load %arg4[%swap3A_933, %swap3A_934] {strides = array<i32>} : memref<200x128xi32, #tpu.memory_space<vmem>>, vector<16xi32>,
      tpu.vector_store %arg4[%swap3A_933, %swap3A_934], %broadcast_in_dim3A_3 {strides = array<i32>} : memref<200x128xi32, #tpu.memory_space<vmem>>, vector<16xi32>,
      %mul3A_936 = arith.constant 4 : i32
      %mul3A_937 = arith.muli %scan3A_677, %mul3A_936 : i32
      %add3A_938 = arith.constant 2 : i32
      %add3A_939 = arith.addi %mul3A_937, %add3A_938 : i32
      %swap3A_940 = arith.index_cast %add3A_939 : i32 to index
      %swap3A_941 = arith.constant 32 : index
      %swap3A_942 = tpu.vector_load %arg5[%swap3A_940, %swap3A_941] {strides = array<i32>} : memref<200x128xi32, #tpu.memory_space<vmem>>, vector<16xi32>,
      tpu.vector_store %arg5[%swap3A_940, %swap3A_941], %broadcast_in_dim3A_3 {strides = array<i32>} : memref<200x128xi32, #tpu.memory_space<vmem>>, vector<16xi32>,
      %mul3A_943 = arith.constant 4 : i32
      %mul3A_944 = arith.muli %scan3A_677, %mul3A_943 : i32
      %add3A_945 = arith.constant 2 : i32
      %add3A_946 = arith.addi %mul3A_944, %add3A_945 : i32
      %swap3A_947 = arith.index_cast %add3A_946 : i32 to index
      %swap3A_948 = arith.constant 48 : index
      %swap3A_949 = tpu.vector_load %arg4[%swap3A_947, %swap3A_948] {strides = array<i32>} : memref<200x128xi32, #tpu.memory_space<vmem>>, vector<16xi32>,
      tpu.vector_store %arg4[%swap3A_947, %swap3A_948], %broadcast_in_dim3A_3 {strides = array<i32>} : memref<200x128xi32, #tpu.memory_space<vmem>>, vector<16xi32>,
      %mul3A_950 = arith.constant 4 : i32
      %mul3A_951 = arith.muli %scan3A_677, %mul3A_950 : i32
      %add3A_952 = arith.constant 2 : i32
      %add3A_953 = arith.addi %mul3A_951, %add3A_952 : i32
      %swap3A_954 = arith.index_cast %add3A_953 : i32 to index
      %swap3A_955 = arith.constant 48 : index
      %swap3A_956 = tpu.vector_load %arg5[%swap3A_954, %swap3A_955] {strides = array<i32>} : memref<200x128xi32, #tpu.memory_space<vmem>>, vector<16xi32>,
      tpu.vector_store %arg5[%swap3A_954, %swap3A_955], %broadcast_in_dim3A_3 {strides = array<i32>} : memref<200x128xi32, #tpu.memory_space<vmem>>, vector<16xi32>,
      %mul3A_957 = arith.constant 4 : i32
      %mul3A_958 = arith.muli %scan3A_677, %mul3A_957 : i32
      %add3A_959 = arith.constant 2 : i32
      %add3A_960 = arith.addi %mul3A_958, %add3A_959 : i32
      %swap3A_961 = arith.index_cast %add3A_960 : i32 to index
      %swap3A_962 = arith.constant 64 : index
      %swap3A_963 = tpu.vector_load %arg4[%swap3A_961, %swap3A_962] {strides = array<i32>} : memref<200x128xi32, #tpu.memory_space<vmem>>, vector<16xi32>,
      tpu.vector_store %arg4[%swap3A_961, %swap3A_962], %broadcast_in_dim3A_3 {strides = array<i32>} : memref<200x128xi32, #tpu.memory_space<vmem>>, vector<16xi32>,
      %mul3A_964 = arith.constant 4 : i32
      %mul3A_965 = arith.muli %scan3A_677, %mul3A_964 : i32
      %add3A_966 = arith.constant 2 : i32
      %add3A_967 = arith.addi %mul3A_965, %add3A_966 : i32
      %swap3A_968 = arith.index_cast %add3A_967 : i32 to index
      %swap3A_969 = arith.constant 64 : index
      %swap3A_970 = tpu.vector_load %arg5[%swap3A_968, %swap3A_969] {strides = array<i32>} : memref<200x128xi32, #tpu.memory_space<vmem>>, vector<16xi32>,
      tpu.vector_store %arg5[%swap3A_968, %swap3A_969], %broadcast_in_dim3A_3 {strides = array<i32>} : memref<200x128xi32, #tpu.memory_space<vmem>>, vector<16xi32>,
      %mul3A_971 = arith.constant 4 : i32
      %mul3A_972 = arith.muli %scan3A_677, %mul3A_971 : i32
      %add3A_973 = arith.constant 2 : i32
      %add3A_974 = arith.addi %mul3A_972, %add3A_973 : i32
      %swap3A_975 = arith.index_cast %add3A_974 : i32 to index
      %swap3A_976 = arith.constant 80 : index
      %swap3A_977 = tpu.vector_load %arg4[%swap3A_975, %swap3A_976] {strides = array<i32>} : memref<200x128xi32, #tpu.memory_space<vmem>>, vector<16xi32>,
      tpu.vector_store %arg4[%swap3A_975, %swap3A_976], %broadcast_in_dim3A_3 {strides = array<i32>} : memref<200x128xi32, #tpu.memory_space<vmem>>, vector<16xi32>,
      %mul3A_978 = arith.constant 4 : i32
      %mul3A_979 = arith.muli %scan3A_677, %mul3A_978 : i32
      %add3A_980 = arith.constant 2 : i32
      %add3A_981 = arith.addi %mul3A_979, %add3A_980 : i32
      %swap3A_982 = arith.index_cast %add3A_981 : i32 to index
      %swap3A_983 = arith.constant 80 : index
      %swap3A_984 = tpu.vector_load %arg5[%swap3A_982, %swap3A_983] {strides = array<i32>} : memref<200x128xi32, #tpu.memory_space<vmem>>, vector<16xi32>,
      tpu.vector_store %arg5[%swap3A_982, %swap3A_983], %broadcast_in_dim3A_3 {strides = array<i32>} : memref<200x128xi32, #tpu.memory_space<vmem>>, vector<16xi32>,
      %mul3A_985 = arith.constant 4 : i32
      %mul3A_986 = arith.muli %scan3A_677, %mul3A_985 : i32
      %add3A_987 = arith.constant 2 : i32
      %add3A_988 = arith.addi %mul3A_986, %add3A_987 : i32
      %swap3A_989 = arith.index_cast %add3A_988 : i32 to index
      %swap3A_990 = arith.constant 96 : index
      %swap3A_991 = tpu.vector_load %arg4[%swap3A_989, %swap3A_990] {strides = array<i32>} : memref<200x128xi32, #tpu.memory_space<vmem>>, vector<16xi32>,
      tpu.vector_store %arg4[%swap3A_989, %swap3A_990], %broadcast_in_dim3A_3 {strides = array<i32>} : memref<200x128xi32, #tpu.memory_space<vmem>>, vector<16xi32>,
      %mul3A_992 = arith.constant 4 : i32
      %mul3A_993 = arith.muli %scan3A_677, %mul3A_992 : i32
      %add3A_994 = arith.constant 2 : i32
      %add3A_995 = arith.addi %mul3A_993, %add3A_994 : i32
      %swap3A_996 = arith.index_cast %add3A_995 : i32 to index
      %swap3A_997 = arith.constant 96 : index
      %swap3A_998 = tpu.vector_load %arg5[%swap3A_996, %swap3A_997] {strides = array<i32>} : memref<200x128xi32, #tpu.memory_space<vmem>>, vector<16xi32>,
      tpu.vector_store %arg5[%swap3A_996, %swap3A_997], %broadcast_in_dim3A_3 {strides = array<i32>} : memref<200x128xi32, #tpu.memory_space<vmem>>, vector<16xi32>,
      %mul3A_999 = arith.constant 4 : i32
      %mul3A_1000 = arith.muli %scan3A_677, %mul3A_999 : i32
      %add3A_1001 = arith.constant 2 : i32
      %add3A_1002 = arith.addi %mul3A_1000, %add3A_1001 : i32
      %swap3A_1003 = arith.index_cast %add3A_1002 : i32 to index
      %swap3A_1004 = arith.constant 112 : index
      %swap3A_1005 = tpu.vector_load %arg4[%swap3A_1003, %swap3A_1004] {strides = array<i32>} : memref<200x128xi32, #tpu.memory_space<vmem>>, vector<16xi32>,
      tpu.vector_store %arg4[%swap3A_1003, %swap3A_1004], %broadcast_in_dim3A_3 {strides = array<i32>} : memref<200x128xi32, #tpu.memory_space<vmem>>, vector<16xi32>,
      %mul3A_1006 = arith.constant 4 : i32
      %mul3A_1007 = arith.muli %scan3A_677, %mul3A_1006 : i32
      %add3A_1008 = arith.constant 2 : i32
      %add3A_1009 = arith.addi %mul3A_1007, %add3A_1008 : i32
      %swap3A_1010 = arith.index_cast %add3A_1009 : i32 to index
      %swap3A_1011 = arith.constant 112 : index
      %swap3A_1012 = tpu.vector_load %arg5[%swap3A_1010, %swap3A_1011] {strides = array<i32>} : memref<200x128xi32, #tpu.memory_space<vmem>>, vector<16xi32>,
      tpu.vector_store %arg5[%swap3A_1010, %swap3A_1011], %broadcast_in_dim3A_3 {strides = array<i32>} : memref<200x128xi32, #tpu.memory_space<vmem>>, vector<16xi32>,
      %mul3A_1013 = arith.constant 4 : i32
      %mul3A_1014 = arith.muli %scan3A_677, %mul3A_1013 : i32
      %add3A_1015 = arith.constant 3 : i32
      %add3A_1016 = arith.addi %mul3A_1014, %add3A_1015 : i32
      %swap3A_1017 = arith.index_cast %add3A_1016 : i32 to index
      %swap3A_1018 = arith.constant 0 : index
      %swap3A_1019 = tpu.vector_load %arg4[%swap3A_1017, %swap3A_1018] {strides = array<i32>} : memref<200x128xi32, #tpu.memory_space<vmem>>, vector<16xi32>,
      tpu.vector_store %arg4[%swap3A_1017, %swap3A_1018], %broadcast_in_dim3A_3 {strides = array<i32>} : memref<200x128xi32, #tpu.memory_space<vmem>>, vector<16xi32>,
      %mul3A_1020 = arith.constant 4 : i32
      %mul3A_1021 = arith.muli %scan3A_677, %mul3A_1020 : i32
      %add3A_1022 = arith.constant 3 : i32
      %add3A_1023 = arith.addi %mul3A_1021, %add3A_1022 : i32
      %swap3A_1024 = arith.index_cast %add3A_1023 : i32 to index
      %swap3A_1025 = arith.constant 0 : index
      %swap3A_1026 = tpu.vector_load %arg5[%swap3A_1024, %swap3A_1025] {strides = array<i32>} : memref<200x128xi32, #tpu.memory_space<vmem>>, vector<16xi32>,
      tpu.vector_store %arg5[%swap3A_1024, %swap3A_1025], %broadcast_in_dim3A_3 {strides = array<i32>} : memref<200x128xi32, #tpu.memory_space<vmem>>, vector<16xi32>,
      %mul3A_1027 = arith.constant 4 : i32
      %mul3A_1028 = arith.muli %scan3A_677, %mul3A_1027 : i32
      %add3A_1029 = arith.constant 3 : i32
      %add3A_1030 = arith.addi %mul3A_1028, %add3A_1029 : i32
      %swap3A_1031 = arith.index_cast %add3A_1030 : i32 to index
      %swap3A_1032 = arith.constant 16 : index
      %swap3A_1033 = tpu.vector_load %arg4[%swap3A_1031, %swap3A_1032] {strides = array<i32>} : memref<200x128xi32, #tpu.memory_space<vmem>>, vector<16xi32>,
      tpu.vector_store %arg4[%swap3A_1031, %swap3A_1032], %broadcast_in_dim3A_3 {strides = array<i32>} : memref<200x128xi32, #tpu.memory_space<vmem>>, vector<16xi32>,
      %mul3A_1034 = arith.constant 4 : i32
      %mul3A_1035 = arith.muli %scan3A_677, %mul3A_1034 : i32
      %add3A_1036 = arith.constant 3 : i32
      %add3A_1037 = arith.addi %mul3A_1035, %add3A_1036 : i32
      %swap3A_1038 = arith.index_cast %add3A_1037 : i32 to index
      %swap3A_1039 = arith.constant 16 : index
      %swap3A_1040 = tpu.vector_load %arg5[%swap3A_1038, %swap3A_1039] {strides = array<i32>} : memref<200x128xi32, #tpu.memory_space<vmem>>, vector<16xi32>,
      tpu.vector_store %arg5[%swap3A_1038, %swap3A_1039], %broadcast_in_dim3A_3 {strides = array<i32>} : memref<200x128xi32, #tpu.memory_space<vmem>>, vector<16xi32>,
      %mul3A_1041 = arith.constant 4 : i32
      %mul3A_1042 = arith.muli %scan3A_677, %mul3A_1041 : i32
      %add3A_1043 = arith.constant 3 : i32
      %add3A_1044 = arith.addi %mul3A_1042, %add3A_1043 : i32
      %swap3A_1045 = arith.index_cast %add3A_1044 : i32 to index
      %swap3A_1046 = arith.constant 32 : index
      %swap3A_1047 = tpu.vector_load %arg4[%swap3A_1045, %swap3A_1046] {strides = array<i32>} : memref<200x128xi32, #tpu.memory_space<vmem>>, vector<16xi32>,
      tpu.vector_store %arg4[%swap3A_1045, %swap3A_1046], %broadcast_in_dim3A_3 {strides = array<i32>} : memref<200x128xi32, #tpu.memory_space<vmem>>, vector<16xi32>,
      %mul3A_1048 = arith.constant 4 : i32
      %mul3A_1049 = arith.muli %scan3A_677, %mul3A_1048 : i32
      %add3A_1050 = arith.constant 3 : i32
      %add3A_1051 = arith.addi %mul3A_1049, %add3A_1050 : i32
      %swap3A_1052 = arith.index_cast %add3A_1051 : i32 to index
      %swap3A_1053 = arith.constant 32 : index
      %swap3A_1054 = tpu.vector_load %arg5[%swap3A_1052, %swap3A_1053] {strides = array<i32>} : memref<200x128xi32, #tpu.memory_space<vmem>>, vector<16xi32>,
      tpu.vector_store %arg5[%swap3A_1052, %swap3A_1053], %broadcast_in_dim3A_3 {strides = array<i32>} : memref<200x128xi32, #tpu.memory_space<vmem>>, vector<16xi32>,
      %mul3A_1055 = arith.constant 4 : i32
      %mul3A_1056 = arith.muli %scan3A_677, %mul3A_1055 : i32
      %add3A_1057 = arith.constant 3 : i32
      %add3A_1058 = arith.addi %mul3A_1056, %add3A_1057 : i32
      %swap3A_1059 = arith.index_cast %add3A_1058 : i32 to index
      %swap3A_1060 = arith.constant 48 : index
      %swap3A_1061 = tpu.vector_load %arg4[%swap3A_1059, %swap3A_1060] {strides = array<i32>} : memref<200x128xi32, #tpu.memory_space<vmem>>, vector<16xi32>,
      tpu.vector_store %arg4[%swap3A_1059, %swap3A_1060], %broadcast_in_dim3A_3 {strides = array<i32>} : memref<200x128xi32, #tpu.memory_space<vmem>>, vector<16xi32>,
      %mul3A_1062 = arith.constant 4 : i32
      %mul3A_1063 = arith.muli %scan3A_677, %mul3A_1062 : i32
      %add3A_1064 = arith.constant 3 : i32
      %add3A_1065 = arith.addi %mul3A_1063, %add3A_1064 : i32
      %swap3A_1066 = arith.index_cast %add3A_1065 : i32 to index
      %swap3A_1067 = arith.constant 48 : index
      %swap3A_1068 = tpu.vector_load %arg5[%swap3A_1066, %swap3A_1067] {strides = array<i32>} : memref<200x128xi32, #tpu.memory_space<vmem>>, vector<16xi32>,
      tpu.vector_store %arg5[%swap3A_1066, %swap3A_1067], %broadcast_in_dim3A_3 {strides = array<i32>} : memref<200x128xi32, #tpu.memory_space<vmem>>, vector<16xi32>,
      %mul3A_1069 = arith.constant 4 : i32
      %mul3A_1070 = arith.muli %scan3A_677, %mul3A_1069 : i32
      %add3A_1071 = arith.constant 3 : i32
      %add3A_1072 = arith.addi %mul3A_1070, %add3A_1071 : i32
      %swap3A_1073 = arith.index_cast %add3A_1072 : i32 to index
      %swap3A_1074 = arith.constant 64 : index
      %swap3A_1075 = tpu.vector_load %arg4[%swap3A_1073, %swap3A_1074] {strides = array<i32>} : memref<200x128xi32, #tpu.memory_space<vmem>>, vector<16xi32>,
      tpu.vector_store %arg4[%swap3A_1073, %swap3A_1074], %broadcast_in_dim3A_3 {strides = array<i32>} : memref<200x128xi32, #tpu.memory_space<vmem>>, vector<16xi32>,
      %mul3A_1076 = arith.constant 4 : i32
      %mul3A_1077 = arith.muli %scan3A_677, %mul3A_1076 : i32
      %add3A_1078 = arith.constant 3 : i32
      %add3A_1079 = arith.addi %mul3A_1077, %add3A_1078 : i32
      %swap3A_1080 = arith.index_cast %add3A_1079 : i32 to index
      %swap3A_1081 = arith.constant 64 : index
      %swap3A_1082 = tpu.vector_load %arg5[%swap3A_1080, %swap3A_1081] {strides = array<i32>} : memref<200x128xi32, #tpu.memory_space<vmem>>, vector<16xi32>,
      tpu.vector_store %arg5[%swap3A_1080, %swap3A_1081], %broadcast_in_dim3A_3 {strides = array<i32>} : memref<200x128xi32, #tpu.memory_space<vmem>>, vector<16xi32>,
      %mul3A_1083 = arith.constant 4 : i32
      %mul3A_1084 = arith.muli %scan3A_677, %mul3A_1083 : i32
      %add3A_1085 = arith.constant 3 : i32
      %add3A_1086 = arith.addi %mul3A_1084, %add3A_1085 : i32
      %swap3A_1087 = arith.index_cast %add3A_1086 : i32 to index
      %swap3A_1088 = arith.constant 80 : index
      %swap3A_1089 = tpu.vector_load %arg4[%swap3A_1087, %swap3A_1088] {strides = array<i32>} : memref<200x128xi32, #tpu.memory_space<vmem>>, vector<16xi32>,
      tpu.vector_store %arg4[%swap3A_1087, %swap3A_1088], %broadcast_in_dim3A_3 {strides = array<i32>} : memref<200x128xi32, #tpu.memory_space<vmem>>, vector<16xi32>,
      %mul3A_1090 = arith.constant 4 : i32
      %mul3A_1091 = arith.muli %scan3A_677, %mul3A_1090 : i32
      %add3A_1092 = arith.constant 3 : i32
      %add3A_1093 = arith.addi %mul3A_1091, %add3A_1092 : i32
      %swap3A_1094 = arith.index_cast %add3A_1093 : i32 to index
      %swap3A_1095 = arith.constant 80 : index
      %swap3A_1096 = tpu.vector_load %arg5[%swap3A_1094, %swap3A_1095] {strides = array<i32>} : memref<200x128xi32, #tpu.memory_space<vmem>>, vector<16xi32>,
      tpu.vector_store %arg5[%swap3A_1094, %swap3A_1095], %broadcast_in_dim3A_3 {strides = array<i32>} : memref<200x128xi32, #tpu.memory_space<vmem>>, vector<16xi32>,
      %mul3A_1097 = arith.constant 4 : i32
      %mul3A_1098 = arith.muli %scan3A_677, %mul3A_1097 : i32
      %add3A_1099 = arith.constant 3 : i32
      %add3A_1100 = arith.addi %mul3A_1098, %add3A_1099 : i32
      %swap3A_1101 = arith.index_cast %add3A_1100 : i32 to index
      %swap3A_1102 = arith.constant 96 : index
      %swap3A_1103 = tpu.vector_load %arg4[%swap3A_1101, %swap3A_1102] {strides = array<i32>} : memref<200x128xi32, #tpu.memory_space<vmem>>, vector<16xi32>,
      tpu.vector_store %arg4[%swap3A_1101, %swap3A_1102], %broadcast_in_dim3A_3 {strides = array<i32>} : memref<200x128xi32, #tpu.memory_space<vmem>>, vector<16xi32>,
      %mul3A_1104 = arith.constant 4 : i32
      %mul3A_1105 = arith.muli %scan3A_677, %mul3A_1104 : i32
      %add3A_1106 = arith.constant 3 : i32
      %add3A_1107 = arith.addi %mul3A_1105, %add3A_1106 : i32
      %swap3A_1108 = arith.index_cast %add3A_1107 : i32 to index
      %swap3A_1109 = arith.constant 96 : index
      %swap3A_1110 = tpu.vector_load %arg5[%swap3A_1108, %swap3A_1109] {strides = array<i32>} : memref<200x128xi32, #tpu.memory_space<vmem>>, vector<16xi32>,
      tpu.vector_store %arg5[%swap3A_1108, %swap3A_1109], %broadcast_in_dim3A_3 {strides = array<i32>} : memref<200x128xi32, #tpu.memory_space<vmem>>, vector<16xi32>,
      %mul3A_1111 = arith.constant 4 : i32
      %mul3A_1112 = arith.muli %scan3A_677, %mul3A_1111 : i32
      %add3A_1113 = arith.constant 3 : i32
      %add3A_1114 = arith.addi %mul3A_1112, %add3A_1113 : i32
      %swap3A_1115 = arith.index_cast %add3A_1114 : i32 to index
      %swap3A_1116 = arith.constant 112 : index
      %swap3A_1117 = tpu.vector_load %arg4[%swap3A_1115, %swap3A_1116] {strides = array<i32>} : memref<200x128xi32, #tpu.memory_space<vmem>>, vector<16xi32>,
      tpu.vector_store %arg4[%swap3A_1115, %swap3A_1116], %broadcast_in_dim3A_3 {strides = array<i32>} : memref<200x128xi32, #tpu.memory_space<vmem>>, vector<16xi32>,
      %mul3A_1118 = arith.constant 4 : i32
      %mul3A_1119 = arith.muli %scan3A_677, %mul3A_1118 : i32
      %add3A_1120 = arith.constant 3 : i32
      %add3A_1121 = arith.addi %mul3A_1119, %add3A_1120 : i32
      %swap3A_1122 = arith.index_cast %add3A_1121 : i32 to index
      %swap3A_1123 = arith.constant 112 : index
      %swap3A_1124 = tpu.vector_load %arg5[%swap3A_1122, %swap3A_1123] {strides = array<i32>} : memref<200x128xi32, #tpu.memory_space<vmem>>, vector<16xi32>,
      tpu.vector_store %arg5[%swap3A_1122, %swap3A_1123], %broadcast_in_dim3A_3 {strides = array<i32>} : memref<200x128xi32, #tpu.memory_space<vmem>>, vector<16xi32>,
    }
    %scan3A_10 = arith.constant 50 : i32
    %get3A = arith.constant 0 : i32
    %get3A_11 = arith.index_cast %get3A : i32 to index
    %get3A_12 = arith.constant 0 : index
    %get3A_13 = tpu.vector_load %arg6[%get3A_11, %get3A_12] {strides = array<i32>} : memref<26x128xi32, #tpu.memory_space<vmem>>, vector<16xi32>,
    %add3A_14 = arith.constant 0 : i32
    %add3A_15 = vector.broadcast %add3A_14 : i32 to vector<16xi32>
    %add3A_16 = arith.addi %get3A_13, %add3A_15 : vector<16xi32>
    %add3A_17 = arith.constant 0 : i32
    %add3A_18 = vector.broadcast %add3A_17 : i32 to vector<16xi32>
    %add3A_19 = arith.addi %iota3A, %add3A_18 : vector<16xi32>
    tpu.vector_store_idx %arg4[%add3A_16, %add3A_19], %broadcast_in_dim3A_5 : memref<200x128xi32, #tpu.memory_space<vmem>>[vector<16xi32>, vector<16xi32>], vector<16xi32>,
    %get3A_20 = arith.constant 0 : i32
    %get3A_21 = arith.index_cast %get3A_20 : i32 to index
    %get3A_22 = arith.constant 16 : index
    %get3A_23 = tpu.vector_load %arg6[%get3A_21, %get3A_22] {strides = array<i32>} : memref<26x128xi32, #tpu.memory_space<vmem>>, vector<16xi32>,
    %add3A_24 = arith.constant 0 : i32
    %add3A_25 = vector.broadcast %add3A_24 : i32 to vector<16xi32>
    %add3A_26 = arith.addi %get3A_23, %add3A_25 : vector<16xi32>
    %add3A_27 = arith.constant 16 : i32
    %add3A_28 = vector.broadcast %add3A_27 : i32 to vector<16xi32>
    %add3A_29 = arith.addi %iota3A, %add3A_28 : vector<16xi32>
    tpu.vector_store_idx %arg4[%add3A_26, %add3A_29], %broadcast_in_dim3A_5 : memref<200x128xi32, #tpu.memory_space<vmem>>[vector<16xi32>, vector<16xi32>], vector<16xi32>,
    %get3A_30 = arith.constant 0 : i32
    %get3A_31 = arith.index_cast %get3A_30 : i32 to index
    %get3A_32 = arith.constant 32 : index
    %get3A_33 = tpu.vector_load %arg6[%get3A_31, %get3A_32] {strides = array<i32>} : memref<26x128xi32, #tpu.memory_space<vmem>>, vector<16xi32>,
    %add3A_34 = arith.constant 0 : i32
    %add3A_35 = vector.broadcast %add3A_34 : i32 to vector<16xi32>
    %add3A_36 = arith.addi %get3A_33, %add3A_35 : vector<16xi32>
    %add3A_37 = arith.constant 32 : i32
    %add3A_38 = vector.broadcast %add3A_37 : i32 to vector<16xi32>
    %add3A_39 = arith.addi %iota3A, %add3A_38 : vector<16xi32>
    tpu.vector_store_idx %arg4[%add3A_36, %add3A_39], %broadcast_in_dim3A_5 : memref<200x128xi32, #tpu.memory_space<vmem>>[vector<16xi32>, vector<16xi32>], vector<16xi32>,
    %get3A_40 = arith.constant 0 : i32
    %get3A_41 = arith.index_cast %get3A_40 : i32 to index
    %get3A_42 = arith.constant 48 : index
    %get3A_43 = tpu.vector_load %arg6[%get3A_41, %get3A_42] {strides = array<i32>} : memref<26x128xi32, #tpu.memory_space<vmem>>, vector<16xi32>,
    %add3A_44 = arith.constant 0 : i32
    %add3A_45 = vector.broadcast %add3A_44 : i32 to vector<16xi32>
    %add3A_46 = arith.addi %get3A_43, %add3A_45 : vector<16xi32>
    %add3A_47 = arith.constant 48 : i32
    %add3A_48 = vector.broadcast %add3A_47 : i32 to vector<16xi32>
    %add3A_49 = arith.addi %iota3A, %add3A_48 : vector<16xi32>
    tpu.vector_store_idx %arg4[%add3A_46, %add3A_49], %broadcast_in_dim3A_5 : memref<200x128xi32, #tpu.memory_space<vmem>>[vector<16xi32>, vector<16xi32>], vector<16xi32>,
    %get3A_50 = arith.constant 0 : i32
    %get3A_51 = arith.index_cast %get3A_50 : i32 to index
    %get3A_52 = arith.constant 64 : index
    %get3A_53 = tpu.vector_load %arg6[%get3A_51, %get3A_52] {strides = array<i32>} : memref<26x128xi32, #tpu.memory_space<vmem>>, vector<16xi32>,
    %add3A_54 = arith.constant 0 : i32
    %add3A_55 = vector.broadcast %add3A_54 : i32 to vector<16xi32>
    %add3A_56 = arith.addi %get3A_53, %add3A_55 : vector<16xi32>
    %add3A_57 = arith.constant 64 : i32
    %add3A_58 = vector.broadcast %add3A_57 : i32 to vector<16xi32>
    %add3A_59 = arith.addi %iota3A, %add3A_58 : vector<16xi32>
    tpu.vector_store_idx %arg4[%add3A_56, %add3A_59], %broadcast_in_dim3A_5 : memref<200x128xi32, #tpu.memory_space<vmem>>[vector<16xi32>, vector<16xi32>], vector<16xi32>,
    %get3A_60 = arith.constant 0 : i32
    %get3A_61 = arith.index_cast %get3A_60 : i32 to index
    %get3A_62 = arith.constant 80 : index
    %get3A_63 = tpu.vector_load %arg6[%get3A_61, %get3A_62] {strides = array<i32>} : memref<26x128xi32, #tpu.memory_space<vmem>>, vector<16xi32>,
    %add3A_64 = arith.constant 0 : i32
    %add3A_65 = vector.broadcast %add3A_64 : i32 to vector<16xi32>
    %add3A_66 = arith.addi %get3A_63, %add3A_65 : vector<16xi32>
    %add3A_67 = arith.constant 80 : i32
    %add3A_68 = vector.broadcast %add3A_67 : i32 to vector<16xi32>
    %add3A_69 = arith.addi %iota3A, %add3A_68 : vector<16xi32>
    tpu.vector_store_idx %arg4[%add3A_66, %add3A_69], %broadcast_in_dim3A_5 : memref<200x128xi32, #tpu.memory_space<vmem>>[vector<16xi32>, vector<16xi32>], vector<16xi32>,
    %get3A_70 = arith.constant 0 : i32
    %get3A_71 = arith.index_cast %get3A_70 : i32 to index
    %get3A_72 = arith.constant 96 : index
    %get3A_73 = tpu.vector_load %arg6[%get3A_71, %get3A_72] {strides = array<i32>} : memref<26x128xi32, #tpu.memory_space<vmem>>, vector<16xi32>,
    %add3A_74 = arith.constant 0 : i32
    %add3A_75 = vector.broadcast %add3A_74 : i32 to vector<16xi32>
    %add3A_76 = arith.addi %get3A_73, %add3A_75 : vector<16xi32>
    %add3A_77 = arith.constant 96 : i32
    %add3A_78 = vector.broadcast %add3A_77 : i32 to vector<16xi32>
    %add3A_79 = arith.addi %iota3A, %add3A_78 : vector<16xi32>
    tpu.vector_store_idx %arg4[%add3A_76, %add3A_79], %broadcast_in_dim3A_5 : memref<200x128xi32, #tpu.memory_space<vmem>>[vector<16xi32>, vector<16xi32>], vector<16xi32>,
    %get3A_80 = arith.constant 0 : i32
    %get3A_81 = arith.index_cast %get3A_80 : i32 to index
    %get3A_82 = arith.constant 112 : index
    %get3A_83 = tpu.vector_load %arg6[%get3A_81, %get3A_82] {strides = array<i32>} : memref<26x128xi32, #tpu.memory_space<vmem>>, vector<16xi32>,
    %add3A_84 = arith.constant 0 : i32
    %add3A_85 = vector.broadcast %add3A_84 : i32 to vector<16xi32>
    %add3A_86 = arith.addi %get3A_83, %add3A_85 : vector<16xi32>
    %add3A_87 = arith.constant 112 : i32
    %add3A_88 = vector.broadcast %add3A_87 : i32 to vector<16xi32>
    %add3A_89 = arith.addi %iota3A, %add3A_88 : vector<16xi32>
    tpu.vector_store_idx %arg4[%add3A_86, %add3A_89], %broadcast_in_dim3A_5 : memref<200x128xi32, #tpu.memory_space<vmem>>[vector<16xi32>, vector<16xi32>], vector<16xi32>,
    %get3A_90 = arith.constant 1 : i32
    %get3A_91 = arith.index_cast %get3A_90 : i32 to index
    %get3A_92 = arith.constant 0 : index
    %get3A_93 = tpu.vector_load %arg6[%get3A_91, %get3A_92] {strides = array<i32>} : memref<26x128xi32, #tpu.memory_space<vmem>>, vector<16xi32>,
    %add3A_94 = arith.constant 100 : i32
    %add3A_95 = vector.broadcast %add3A_94 : i32 to vector<16xi32>
    %add3A_96 = arith.addi %get3A_93, %add3A_95 : vector<16xi32>
    %add3A_97 = arith.constant 0 : i32
    %add3A_98 = vector.broadcast %add3A_97 : i32 to vector<16xi32>
    %add3A_99 = arith.addi %iota3A, %add3A_98 : vector<16xi32>
    tpu.vector_store_idx %arg4[%add3A_96, %add3A_99], %broadcast_in_dim3A_5 : memref<200x128xi32, #tpu.memory_space<vmem>>[vector<16xi32>, vector<16xi32>], vector<16xi32>,
    %get3A_100 = arith.constant 1 : i32
    %get3A_101 = arith.index_cast %get3A_100 : i32 to index
    %get3A_102 = arith.constant 16 : index
    %get3A_103 = tpu.vector_load %arg6[%get3A_101, %get3A_102] {strides = array<i32>} : memref<26x128xi32, #tpu.memory_space<vmem>>, vector<16xi32>,
    %add3A_104 = arith.constant 100 : i32
    %add3A_105 = vector.broadcast %add3A_104 : i32 to vector<16xi32>
    %add3A_106 = arith.addi %get3A_103, %add3A_105 : vector<16xi32>
    %add3A_107 = arith.constant 16 : i32
    %add3A_108 = vector.broadcast %add3A_107 : i32 to vector<16xi32>
    %add3A_109 = arith.addi %iota3A, %add3A_108 : vector<16xi32>
    tpu.vector_store_idx %arg4[%add3A_106, %add3A_109], %broadcast_in_dim3A_5 : memref<200x128xi32, #tpu.memory_space<vmem>>[vector<16xi32>, vector<16xi32>], vector<16xi32>,
    %get3A_110 = arith.constant 1 : i32
    %get3A_111 = arith.index_cast %get3A_110 : i32 to index
    %get3A_112 = arith.constant 32 : index
    %get3A_113 = tpu.vector_load %arg6[%get3A_111, %get3A_112] {strides = array<i32>} : memref<26x128xi32, #tpu.memory_space<vmem>>, vector<16xi32>,
    %add3A_114 = arith.constant 100 : i32
    %add3A_115 = vector.broadcast %add3A_114 : i32 to vector<16xi32>
    %add3A_116 = arith.addi %get3A_113, %add3A_115 : vector<16xi32>
    %add3A_117 = arith.constant 32 : i32
    %add3A_118 = vector.broadcast %add3A_117 : i32 to vector<16xi32>
    %add3A_119 = arith.addi %iota3A, %add3A_118 : vector<16xi32>
    tpu.vector_store_idx %arg4[%add3A_116, %add3A_119], %broadcast_in_dim3A_5 : memref<200x128xi32, #tpu.memory_space<vmem>>[vector<16xi32>, vector<16xi32>], vector<16xi32>,
    %get3A_120 = arith.constant 1 : i32
    %get3A_121 = arith.index_cast %get3A_120 : i32 to index
    %get3A_122 = arith.constant 48 : index
    %get3A_123 = tpu.vector_load %arg6[%get3A_121, %get3A_122] {strides = array<i32>} : memref<26x128xi32, #tpu.memory_space<vmem>>, vector<16xi32>,
    %add3A_124 = arith.constant 100 : i32
    %add3A_125 = vector.broadcast %add3A_124 : i32 to vector<16xi32>
    %add3A_126 = arith.addi %get3A_123, %add3A_125 : vector<16xi32>
    %add3A_127 = arith.constant 48 : i32
    %add3A_128 = vector.broadcast %add3A_127 : i32 to vector<16xi32>
    %add3A_129 = arith.addi %iota3A, %add3A_128 : vector<16xi32>
    tpu.vector_store_idx %arg4[%add3A_126, %add3A_129], %broadcast_in_dim3A_5 : memref<200x128xi32, #tpu.memory_space<vmem>>[vector<16xi32>, vector<16xi32>], vector<16xi32>,
    %get3A_130 = arith.constant 1 : i32
    %get3A_131 = arith.index_cast %get3A_130 : i32 to index
    %get3A_132 = arith.constant 64 : index
    %get3A_133 = tpu.vector_load %arg6[%get3A_131, %get3A_132] {strides = array<i32>} : memref<26x128xi32, #tpu.memory_space<vmem>>, vector<16xi32>,
    %add3A_134 = arith.constant 100 : i32
    %add3A_135 = vector.broadcast %add3A_134 : i32 to vector<16xi32>
    %add3A_136 = arith.addi %get3A_133, %add3A_135 : vector<16xi32>
    %add3A_137 = arith.constant 64 : i32
    %add3A_138 = vector.broadcast %add3A_137 : i32 to vector<16xi32>
    %add3A_139 = arith.addi %iota3A, %add3A_138 : vector<16xi32>
    tpu.vector_store_idx %arg4[%add3A_136, %add3A_139], %broadcast_in_dim3A_5 : memref<200x128xi32, #tpu.memory_space<vmem>>[vector<16xi32>, vector<16xi32>], vector<16xi32>,
    %get3A_140 = arith.constant 1 : i32
    %get3A_141 = arith.index_cast %get3A_140 : i32 to index
    %get3A_142 = arith.constant 80 : index
    %get3A_143 = tpu.vector_load %arg6[%get3A_141, %get3A_142] {strides = array<i32>} : memref<26x128xi32, #tpu.memory_space<vmem>>, vector<16xi32>,
    %add3A_144 = arith.constant 100 : i32
    %add3A_145 = vector.broadcast %add3A_144 : i32 to vector<16xi32>
    %add3A_146 = arith.addi %get3A_143, %add3A_145 : vector<16xi32>
    %add3A_147 = arith.constant 80 : i32
    %add3A_148 = vector.broadcast %add3A_147 : i32 to vector<16xi32>
    %add3A_149 = arith.addi %iota3A, %add3A_148 : vector<16xi32>
    tpu.vector_store_idx %arg4[%add3A_146, %add3A_149], %broadcast_in_dim3A_5 : memref<200x128xi32, #tpu.memory_space<vmem>>[vector<16xi32>, vector<16xi32>], vector<16xi32>,
    %get3A_150 = arith.constant 1 : i32
    %get3A_151 = arith.index_cast %get3A_150 : i32 to index
    %get3A_152 = arith.constant 96 : index
    %get3A_153 = tpu.vector_load %arg6[%get3A_151, %get3A_152] {strides = array<i32>} : memref<26x128xi32, #tpu.memory_space<vmem>>, vector<16xi32>,
    %add3A_154 = arith.constant 100 : i32
    %add3A_155 = vector.broadcast %add3A_154 : i32 to vector<16xi32>
    %add3A_156 = arith.addi %get3A_153, %add3A_155 : vector<16xi32>
    %add3A_157 = arith.constant 96 : i32
    %add3A_158 = vector.broadcast %add3A_157 : i32 to vector<16xi32>
    %add3A_159 = arith.addi %iota3A, %add3A_158 : vector<16xi32>
    tpu.vector_store_idx %arg4[%add3A_156, %add3A_159], %broadcast_in_dim3A_5 : memref<200x128xi32, #tpu.memory_space<vmem>>[vector<16xi32>, vector<16xi32>], vector<16xi32>,
    %get3A_160 = arith.constant 1 : i32
    %get3A_161 = arith.index_cast %get3A_160 : i32 to index
    %get3A_162 = arith.constant 112 : index
    %get3A_163 = tpu.vector_load %arg6[%get3A_161, %get3A_162] {strides = array<i32>} : memref<26x128xi32, #tpu.memory_space<vmem>>, vector<16xi32>,
    %add3A_164 = arith.constant 100 : i32
    %add3A_165 = vector.broadcast %add3A_164 : i32 to vector<16xi32>
    %add3A_166 = arith.addi %get3A_163, %add3A_165 : vector<16xi32>
    %add3A_167 = arith.constant 112 : i32
    %add3A_168 = vector.broadcast %add3A_167 : i32 to vector<16xi32>
    %add3A_169 = arith.addi %iota3A, %add3A_168 : vector<16xi32>
    tpu.vector_store_idx %arg4[%add3A_166, %add3A_169], %broadcast_in_dim3A_5 : memref<200x128xi32, #tpu.memory_space<vmem>>[vector<16xi32>, vector<16xi32>], vector<16xi32>,
    %multiple_of3A = arith.constant 0 : i32
    %multiple_of3A_170 = tpu.assume_multiple %multiple_of3A, 200 : i32
    %dma_start3A = tpu.memref_slice %arg3[%multiple_of3A_170, %mul3A_2] : memref<2600x4096xi32, #tpu.memory_space<hbm>> -> memref<200x128xi32, #tpu.memory_space<hbm>>
    %dma_start3A_171 = tpu.memref_slice %arg3[%multiple_of3A_170, %mul3A_2] : memref<2600x4096xi32, #tpu.memory_space<hbm>> -> memref<200x128xi32, #tpu.memory_space<hbm>>
    tpu.enqueue_dma source(%arg4 : memref<200x128xi32, #tpu.memory_space<vmem>>) target(%dma_start3A_171 : memref<200x128xi32, #tpu.memory_space<hbm>>) target_semaphore(%arg7 : memref<!tpu.dma_semaphore, #tpu.memory_space<semaphore_mem>>)
    %get3A_172 = arith.constant 2 : i32
    %get3A_173 = arith.index_cast %get3A_172 : i32 to index
    %get3A_174 = arith.constant 0 : index
    %get3A_175 = tpu.vector_load %arg6[%get3A_173, %get3A_174] {strides = array<i32>} : memref<26x128xi32, #tpu.memory_space<vmem>>, vector<16xi32>,
    %add3A_176 = arith.constant 0 : i32
    %add3A_177 = vector.broadcast %add3A_176 : i32 to vector<16xi32>
    %add3A_178 = arith.addi %get3A_175, %add3A_177 : vector<16xi32>
    %add3A_179 = arith.constant 0 : i32
    %add3A_180 = vector.broadcast %add3A_179 : i32 to vector<16xi32>
    %add3A_181 = arith.addi %iota3A, %add3A_180 : vector<16xi32>
    tpu.vector_store_idx %arg5[%add3A_178, %add3A_181], %broadcast_in_dim3A_5 : memref<200x128xi32, #tpu.memory_space<vmem>>[vector<16xi32>, vector<16xi32>], vector<16xi32>,
    %get3A_182 = arith.constant 2 : i32
    %get3A_183 = arith.index_cast %get3A_182 : i32 to index
    %get3A_184 = arith.constant 16 : index
    %get3A_185 = tpu.vector_load %arg6[%get3A_183, %get3A_184] {strides = array<i32>} : memref<26x128xi32, #tpu.memory_space<vmem>>, vector<16xi32>,
    %add3A_186 = arith.constant 0 : i32
    %add3A_187 = vector.broadcast %add3A_186 : i32 to vector<16xi32>
    %add3A_188 = arith.addi %get3A_185, %add3A_187 : vector<16xi32>
    %add3A_189 = arith.constant 16 : i32
    %add3A_190 = vector.broadcast %add3A_189 : i32 to vector<16xi32>
    %add3A_191 = arith.addi %iota3A, %add3A_190 : vector<16xi32>
    tpu.vector_store_idx %arg5[%add3A_188, %add3A_191], %broadcast_in_dim3A_5 : memref<200x128xi32, #tpu.memory_space<vmem>>[vector<16xi32>, vector<16xi32>], vector<16xi32>,
    %get3A_192 = arith.constant 2 : i32
    %get3A_193 = arith.index_cast %get3A_192 : i32 to index
    %get3A_194 = arith.constant 32 : index
    %get3A_195 = tpu.vector_load %arg6[%get3A_193, %get3A_194] {strides = array<i32>} : memref<26x128xi32, #tpu.memory_space<vmem>>, vector<16xi32>,
    %add3A_196 = arith.constant 0 : i32
    %add3A_197 = vector.broadcast %add3A_196 : i32 to vector<16xi32>
    %add3A_198 = arith.addi %get3A_195, %add3A_197 : vector<16xi32>
    %add3A_199 = arith.constant 32 : i32
    %add3A_200 = vector.broadcast %add3A_199 : i32 to vector<16xi32>
    %add3A_201 = arith.addi %iota3A, %add3A_200 : vector<16xi32>
    tpu.vector_store_idx %arg5[%add3A_198, %add3A_201], %broadcast_in_dim3A_5 : memref<200x128xi32, #tpu.memory_space<vmem>>[vector<16xi32>, vector<16xi32>], vector<16xi32>,
    %get3A_202 = arith.constant 2 : i32
    %get3A_203 = arith.index_cast %get3A_202 : i32 to index
    %get3A_204 = arith.constant 48 : index
    %get3A_205 = tpu.vector_load %arg6[%get3A_203, %get3A_204] {strides = array<i32>} : memref<26x128xi32, #tpu.memory_space<vmem>>, vector<16xi32>,
    %add3A_206 = arith.constant 0 : i32
    %add3A_207 = vector.broadcast %add3A_206 : i32 to vector<16xi32>
    %add3A_208 = arith.addi %get3A_205, %add3A_207 : vector<16xi32>
    %add3A_209 = arith.constant 48 : i32
    %add3A_210 = vector.broadcast %add3A_209 : i32 to vector<16xi32>
    %add3A_211 = arith.addi %iota3A, %add3A_210 : vector<16xi32>
    tpu.vector_store_idx %arg5[%add3A_208, %add3A_211], %broadcast_in_dim3A_5 : memref<200x128xi32, #tpu.memory_space<vmem>>[vector<16xi32>, vector<16xi32>], vector<16xi32>,
    %get3A_212 = arith.constant 2 : i32
    %get3A_213 = arith.index_cast %get3A_212 : i32 to index
    %get3A_214 = arith.constant 64 : index
    %get3A_215 = tpu.vector_load %arg6[%get3A_213, %get3A_214] {strides = array<i32>} : memref<26x128xi32, #tpu.memory_space<vmem>>, vector<16xi32>,
    %add3A_216 = arith.constant 0 : i32
    %add3A_217 = vector.broadcast %add3A_216 : i32 to vector<16xi32>
    %add3A_218 = arith.addi %get3A_215, %add3A_217 : vector<16xi32>
    %add3A_219 = arith.constant 64 : i32
    %add3A_220 = vector.broadcast %add3A_219 : i32 to vector<16xi32>
    %add3A_221 = arith.addi %iota3A, %add3A_220 : vector<16xi32>
    tpu.vector_store_idx %arg5[%add3A_218, %add3A_221], %broadcast_in_dim3A_5 : memref<200x128xi32, #tpu.memory_space<vmem>>[vector<16xi32>, vector<16xi32>], vector<16xi32>,
    %get3A_222 = arith.constant 2 : i32
    %get3A_223 = arith.index_cast %get3A_222 : i32 to index
    %get3A_224 = arith.constant 80 : index
    %get3A_225 = tpu.vector_load %arg6[%get3A_223, %get3A_224] {strides = array<i32>} : memref<26x128xi32, #tpu.memory_space<vmem>>, vector<16xi32>,
    %add3A_226 = arith.constant 0 : i32
    %add3A_227 = vector.broadcast %add3A_226 : i32 to vector<16xi32>
    %add3A_228 = arith.addi %get3A_225, %add3A_227 : vector<16xi32>
    %add3A_229 = arith.constant 80 : i32
    %add3A_230 = vector.broadcast %add3A_229 : i32 to vector<16xi32>
    %add3A_231 = arith.addi %iota3A, %add3A_230 : vector<16xi32>
    tpu.vector_store_idx %arg5[%add3A_228, %add3A_231], %broadcast_in_dim3A_5 : memref<200x128xi32, #tpu.memory_space<vmem>>[vector<16xi32>, vector<16xi32>], vector<16xi32>,
    %get3A_232 = arith.constant 2 : i32
    %get3A_233 = arith.index_cast %get3A_232 : i32 to index
    %get3A_234 = arith.constant 96 : index
    %get3A_235 = tpu.vector_load %arg6[%get3A_233, %get3A_234] {strides = array<i32>} : memref<26x128xi32, #tpu.memory_space<vmem>>, vector<16xi32>,
    %add3A_236 = arith.constant 0 : i32
    %add3A_237 = vector.broadcast %add3A_236 : i32 to vector<16xi32>
    %add3A_238 = arith.addi %get3A_235, %add3A_237 : vector<16xi32>
    %add3A_239 = arith.constant 96 : i32
    %add3A_240 = vector.broadcast %add3A_239 : i32 to vector<16xi32>
    %add3A_241 = arith.addi %iota3A, %add3A_240 : vector<16xi32>
    tpu.vector_store_idx %arg5[%add3A_238, %add3A_241], %broadcast_in_dim3A_5 : memref<200x128xi32, #tpu.memory_space<vmem>>[vector<16xi32>, vector<16xi32>], vector<16xi32>,
    %get3A_242 = arith.constant 2 : i32
    %get3A_243 = arith.index_cast %get3A_242 : i32 to index
    %get3A_244 = arith.constant 112 : index
    %get3A_245 = tpu.vector_load %arg6[%get3A_243, %get3A_244] {strides = array<i32>} : memref<26x128xi32, #tpu.memory_space<vmem>>, vector<16xi32>,
    %add3A_246 = arith.constant 0 : i32
    %add3A_247 = vector.broadcast %add3A_246 : i32 to vector<16xi32>
    %add3A_248 = arith.addi %get3A_245, %add3A_247 : vector<16xi32>
    %add3A_249 = arith.constant 112 : i32
    %add3A_250 = vector.broadcast %add3A_249 : i32 to vector<16xi32>
    %add3A_251 = arith.addi %iota3A, %add3A_250 : vector<16xi32>
    tpu.vector_store_idx %arg5[%add3A_248, %add3A_251], %broadcast_in_dim3A_5 : memref<200x128xi32, #tpu.memory_space<vmem>>[vector<16xi32>, vector<16xi32>], vector<16xi32>,
    %get3A_252 = arith.constant 3 : i32
    %get3A_253 = arith.index_cast %get3A_252 : i32 to index
    %get3A_254 = arith.constant 0 : index
    %get3A_255 = tpu.vector_load %arg6[%get3A_253, %get3A_254] {strides = array<i32>} : memref<26x128xi32, #tpu.memory_space<vmem>>, vector<16xi32>,
    %add3A_256 = arith.constant 100 : i32
    %add3A_257 = vector.broadcast %add3A_256 : i32 to vector<16xi32>
    %add3A_258 = arith.addi %get3A_255, %add3A_257 : vector<16xi32>
    %add3A_259 = arith.constant 0 : i32
    %add3A_260 = vector.broadcast %add3A_259 : i32 to vector<16xi32>
    %add3A_261 = arith.addi %iota3A, %add3A_260 : vector<16xi32>
    tpu.vector_store_idx %arg5[%add3A_258, %add3A_261], %broadcast_in_dim3A_5 : memref<200x128xi32, #tpu.memory_space<vmem>>[vector<16xi32>, vector<16xi32>], vector<16xi32>,
    %get3A_262 = arith.constant 3 : i32
    %get3A_263 = arith.index_cast %get3A_262 : i32 to index
    %get3A_264 = arith.constant 16 : index
    %get3A_265 = tpu.vector_load %arg6[%get3A_263, %get3A_264] {strides = array<i32>} : memref<26x128xi32, #tpu.memory_space<vmem>>, vector<16xi32>,
    %add3A_266 = arith.constant 100 : i32
    %add3A_267 = vector.broadcast %add3A_266 : i32 to vector<16xi32>
    %add3A_268 = arith.addi %get3A_265, %add3A_267 : vector<16xi32>
    %add3A_269 = arith.constant 16 : i32
    %add3A_270 = vector.broadcast %add3A_269 : i32 to vector<16xi32>
    %add3A_271 = arith.addi %iota3A, %add3A_270 : vector<16xi32>
    tpu.vector_store_idx %arg5[%add3A_268, %add3A_271], %broadcast_in_dim3A_5 : memref<200x128xi32, #tpu.memory_space<vmem>>[vector<16xi32>, vector<16xi32>], vector<16xi32>,
    %get3A_272 = arith.constant 3 : i32
    %get3A_273 = arith.index_cast %get3A_272 : i32 to index
    %get3A_274 = arith.constant 32 : index
    %get3A_275 = tpu.vector_load %arg6[%get3A_273, %get3A_274] {strides = array<i32>} : memref<26x128xi32, #tpu.memory_space<vmem>>, vector<16xi32>,
    %add3A_276 = arith.constant 100 : i32
    %add3A_277 = vector.broadcast %add3A_276 : i32 to vector<16xi32>
    %add3A_278 = arith.addi %get3A_275, %add3A_277 : vector<16xi32>
    %add3A_279 = arith.constant 32 : i32
    %add3A_280 = vector.broadcast %add3A_279 : i32 to vector<16xi32>
    %add3A_281 = arith.addi %iota3A, %add3A_280 : vector<16xi32>
    tpu.vector_store_idx %arg5[%add3A_278, %add3A_281], %broadcast_in_dim3A_5 : memref<200x128xi32, #tpu.memory_space<vmem>>[vector<16xi32>, vector<16xi32>], vector<16xi32>,
    %get3A_282 = arith.constant 3 : i32
    %get3A_283 = arith.index_cast %get3A_282 : i32 to index
    %get3A_284 = arith.constant 48 : index
    %get3A_285 = tpu.vector_load %arg6[%get3A_283, %get3A_284] {strides = array<i32>} : memref<26x128xi32, #tpu.memory_space<vmem>>, vector<16xi32>,
    %add3A_286 = arith.constant 100 : i32
    %add3A_287 = vector.broadcast %add3A_286 : i32 to vector<16xi32>
    %add3A_288 = arith.addi %get3A_285, %add3A_287 : vector<16xi32>
    %add3A_289 = arith.constant 48 : i32
    %add3A_290 = vector.broadcast %add3A_289 : i32 to vector<16xi32>
    %add3A_291 = arith.addi %iota3A, %add3A_290 : vector<16xi32>
    tpu.vector_store_idx %arg5[%add3A_288, %add3A_291], %broadcast_in_dim3A_5 : memref<200x128xi32, #tpu.memory_space<vmem>>[vector<16xi32>, vector<16xi32>], vector<16xi32>,
    %get3A_292 = arith.constant 3 : i32
    %get3A_293 = arith.index_cast %get3A_292 : i32 to index
    %get3A_294 = arith.constant 64 : index
    %get3A_295 = tpu.vector_load %arg6[%get3A_293, %get3A_294] {strides = array<i32>} : memref<26x128xi32, #tpu.memory_space<vmem>>, vector<16xi32>,
    %add3A_296 = arith.constant 100 : i32
    %add3A_297 = vector.broadcast %add3A_296 : i32 to vector<16xi32>
    %add3A_298 = arith.addi %get3A_295, %add3A_297 : vector<16xi32>
    %add3A_299 = arith.constant 64 : i32
    %add3A_300 = vector.broadcast %add3A_299 : i32 to vector<16xi32>
    %add3A_301 = arith.addi %iota3A, %add3A_300 : vector<16xi32>
    tpu.vector_store_idx %arg5[%add3A_298, %add3A_301], %broadcast_in_dim3A_5 : memref<200x128xi32, #tpu.memory_space<vmem>>[vector<16xi32>, vector<16xi32>], vector<16xi32>,
    %get3A_302 = arith.constant 3 : i32
    %get3A_303 = arith.index_cast %get3A_302 : i32 to index
    %get3A_304 = arith.constant 80 : index
    %get3A_305 = tpu.vector_load %arg6[%get3A_303, %get3A_304] {strides = array<i32>} : memref<26x128xi32, #tpu.memory_space<vmem>>, vector<16xi32>,
    %add3A_306 = arith.constant 100 : i32
    %add3A_307 = vector.broadcast %add3A_306 : i32 to vector<16xi32>
    %add3A_308 = arith.addi %get3A_305, %add3A_307 : vector<16xi32>
    %add3A_309 = arith.constant 80 : i32
    %add3A_310 = vector.broadcast %add3A_309 : i32 to vector<16xi32>
    %add3A_311 = arith.addi %iota3A, %add3A_310 : vector<16xi32>
    tpu.vector_store_idx %arg5[%add3A_308, %add3A_311], %broadcast_in_dim3A_5 : memref<200x128xi32, #tpu.memory_space<vmem>>[vector<16xi32>, vector<16xi32>], vector<16xi32>,
    %get3A_312 = arith.constant 3 : i32
    %get3A_313 = arith.index_cast %get3A_312 : i32 to index
    %get3A_314 = arith.constant 96 : index
    %get3A_315 = tpu.vector_load %arg6[%get3A_313, %get3A_314] {strides = array<i32>} : memref<26x128xi32, #tpu.memory_space<vmem>>, vector<16xi32>,
    %add3A_316 = arith.constant 100 : i32
    %add3A_317 = vector.broadcast %add3A_316 : i32 to vector<16xi32>
    %add3A_318 = arith.addi %get3A_315, %add3A_317 : vector<16xi32>
    %add3A_319 = arith.constant 96 : i32
    %add3A_320 = vector.broadcast %add3A_319 : i32 to vector<16xi32>
    %add3A_321 = arith.addi %iota3A, %add3A_320 : vector<16xi32>
    tpu.vector_store_idx %arg5[%add3A_318, %add3A_321], %broadcast_in_dim3A_5 : memref<200x128xi32, #tpu.memory_space<vmem>>[vector<16xi32>, vector<16xi32>], vector<16xi32>,
    %get3A_322 = arith.constant 3 : i32
    %get3A_323 = arith.index_cast %get3A_322 : i32 to index
    %get3A_324 = arith.constant 112 : index
    %get3A_325 = tpu.vector_load %arg6[%get3A_323, %get3A_324] {strides = array<i32>} : memref<26x128xi32, #tpu.memory_space<vmem>>, vector<16xi32>,
    %add3A_326 = arith.constant 100 : i32
    %add3A_327 = vector.broadcast %add3A_326 : i32 to vector<16xi32>
    %add3A_328 = arith.addi %get3A_325, %add3A_327 : vector<16xi32>
    %add3A_329 = arith.constant 112 : i32
    %add3A_330 = vector.broadcast %add3A_329 : i32 to vector<16xi32>
    %add3A_331 = arith.addi %iota3A, %add3A_330 : vector<16xi32>
    tpu.vector_store_idx %arg5[%add3A_328, %add3A_331], %broadcast_in_dim3A_5 : memref<200x128xi32, #tpu.memory_space<vmem>>[vector<16xi32>, vector<16xi32>], vector<16xi32>,
    %multiple_of3A_332 = arith.constant 200 : i32
    %multiple_of3A_333 = tpu.assume_multiple %multiple_of3A_332, 200 : i32
    %dma_start3A_334 = tpu.memref_slice %arg3[%multiple_of3A_333, %mul3A_2] : memref<2600x4096xi32, #tpu.memory_space<hbm>> -> memref<200x128xi32, #tpu.memory_space<hbm>>
    %dma_start3A_335 = tpu.memref_slice %arg3[%multiple_of3A_333, %mul3A_2] : memref<2600x4096xi32, #tpu.memory_space<hbm>> -> memref<200x128xi32, #tpu.memory_space<hbm>>
    tpu.enqueue_dma source(%arg5 : memref<200x128xi32, #tpu.memory_space<vmem>>) target(%dma_start3A_335 : memref<200x128xi32, #tpu.memory_space<hbm>>) target_semaphore(%arg8 : memref<!tpu.dma_semaphore, #tpu.memory_space<semaphore_mem>>)
    %scan3A_336 = arith.constant 0 : i32
    %scan3A_337 = arith.constant 0 : i32
    %scan3A_338 = arith.constant 5 : i32
    %scan3A_339 = arith.addi %scan3A_337, %scan3A_338 : i32
    %scan3A_340 = arith.constant 1 : i32
    scf.for %scan3A_677 = %scan3A_337 to %scan3A_339 step %scan3A_340  : i32 {
      %mul3A_678 = arith.constant 2 : i32
      %mul3A_679 = arith.muli %mul3A_678, %scan3A_677 : i32
      %add3A_680 = arith.constant 2 : i32
      %add3A_681 = arith.addi %mul3A_679, %add3A_680 : i32
      %sub3A = arith.constant 2 : i32
      %sub3A_682 = arith.subi %add3A_681, %sub3A : i32
      %mul3A_683 = arith.constant 200 : i32
      %mul3A_684 = arith.muli %sub3A_682, %mul3A_683 : i32
      %multiple_of3A_685 = tpu.assume_multiple %mul3A_684, 200 : i32
      %dma_wait3A_686 = tpu.memref_slice %arg3[%multiple_of3A_685, %mul3A_2] : memref<2600x4096xi32, #tpu.memory_space<hbm>> -> memref<200x128xi32, #tpu.memory_space<hbm>>
      %dma_wait3A_687 = tpu.memref_slice %arg3[%multiple_of3A_685, %mul3A_2] : memref<2600x4096xi32, #tpu.memory_space<hbm>> -> memref<200x128xi32, #tpu.memory_space<hbm>>
      tpu.wait_dma2 semaphore(%arg7 : memref<!tpu.dma_semaphore, #tpu.memory_space<semaphore_mem>>) src(%arg4 : memref<200x128xi32, #tpu.memory_space<vmem>>) dst(%dma_wait3A_687 : memref<200x128xi32, #tpu.memory_space<hbm>>)
      %sub3A_688 = arith.constant 2 : i32
      %sub3A_689 = arith.subi %add3A_681, %sub3A_688 : i32
      %mul3A_690 = arith.constant 2 : i32
      %mul3A_691 = arith.muli %mul3A_690, %sub3A_689 : i32
      %add3A_692 = arith.constant 0 : i32
      %add3A_693 = arith.addi %mul3A_691, %add3A_692 : i32
      %get3A_694 = arith.index_cast %add3A_693 : i32 to index
      %get3A_695 = arith.constant 0 : index
      %get3A_696 = tpu.vector_load %arg6[%get3A_694, %get3A_695] {strides = array<i32>} : memref<26x128xi32, #tpu.memory_space<vmem>>, vector<16xi32>,
      %add3A_697 = arith.constant 0 : i32
      %add3A_698 = vector.broadcast %add3A_697 : i32 to vector<16xi32>
      %add3A_699 = arith.addi %get3A_696, %add3A_698 : vector<16xi32>
      %add3A_700 = arith.constant 0 : i32
      %add3A_701 = vector.broadcast %add3A_700 : i32 to vector<16xi32>
      %add3A_702 = arith.addi %iota3A, %add3A_701 : vector<16xi32>
      tpu.vector_store_idx %arg4[%add3A_699, %add3A_702], %broadcast_in_dim3A_3 : memref<200x128xi32, #tpu.memory_space<vmem>>[vector<16xi32>, vector<16xi32>], vector<16xi32>,
      %mul3A_703 = arith.constant 2 : i32
      %mul3A_704 = arith.muli %mul3A_703, %sub3A_689 : i32
      %add3A_705 = arith.constant 0 : i32
      %add3A_706 = arith.addi %mul3A_704, %add3A_705 : i32
      %get3A_707 = arith.index_cast %add3A_706 : i32 to index
      %get3A_708 = arith.constant 16 : index
      %get3A_709 = tpu.vector_load %arg6[%get3A_707, %get3A_708] {strides = array<i32>} : memref<26x128xi32, #tpu.memory_space<vmem>>, vector<16xi32>,
      %add3A_710 = arith.constant 0 : i32
      %add3A_711 = vector.broadcast %add3A_710 : i32 to vector<16xi32>
      %add3A_712 = arith.addi %get3A_709, %add3A_711 : vector<16xi32>
      %add3A_713 = arith.constant 16 : i32
      %add3A_714 = vector.broadcast %add3A_713 : i32 to vector<16xi32>
      %add3A_715 = arith.addi %iota3A, %add3A_714 : vector<16xi32>
      tpu.vector_store_idx %arg4[%add3A_712, %add3A_715], %broadcast_in_dim3A_3 : memref<200x128xi32, #tpu.memory_space<vmem>>[vector<16xi32>, vector<16xi32>], vector<16xi32>,
      %mul3A_716 = arith.constant 2 : i32
      %mul3A_717 = arith.muli %mul3A_716, %sub3A_689 : i32
      %add3A_718 = arith.constant 0 : i32
      %add3A_719 = arith.addi %mul3A_717, %add3A_718 : i32
      %get3A_720 = arith.index_cast %add3A_719 : i32 to index
      %get3A_721 = arith.constant 32 : index
      %get3A_722 = tpu.vector_load %arg6[%get3A_720, %get3A_721] {strides = array<i32>} : memref<26x128xi32, #tpu.memory_space<vmem>>, vector<16xi32>,
      %add3A_723 = arith.constant 0 : i32
      %add3A_724 = vector.broadcast %add3A_723 : i32 to vector<16xi32>
      %add3A_725 = arith.addi %get3A_722, %add3A_724 : vector<16xi32>
      %add3A_726 = arith.constant 32 : i32
      %add3A_727 = vector.broadcast %add3A_726 : i32 to vector<16xi32>
      %add3A_728 = arith.addi %iota3A, %add3A_727 : vector<16xi32>
      tpu.vector_store_idx %arg4[%add3A_725, %add3A_728], %broadcast_in_dim3A_3 : memref<200x128xi32, #tpu.memory_space<vmem>>[vector<16xi32>, vector<16xi32>], vector<16xi32>,
      %mul3A_729 = arith.constant 2 : i32
      %mul3A_730 = arith.muli %mul3A_729, %sub3A_689 : i32
      %add3A_731 = arith.constant 0 : i32
      %add3A_732 = arith.addi %mul3A_730, %add3A_731 : i32
      %get3A_733 = arith.index_cast %add3A_732 : i32 to index
      %get3A_734 = arith.constant 48 : index
      %get3A_735 = tpu.vector_load %arg6[%get3A_733, %get3A_734] {strides = array<i32>} : memref<26x128xi32, #tpu.memory_space<vmem>>, vector<16xi32>,
      %add3A_736 = arith.constant 0 : i32
      %add3A_737 = vector.broadcast %add3A_736 : i32 to vector<16xi32>
      %add3A_738 = arith.addi %get3A_735, %add3A_737 : vector<16xi32>
      %add3A_739 = arith.constant 48 : i32
      %add3A_740 = vector.broadcast %add3A_739 : i32 to vector<16xi32>
      %add3A_741 = arith.addi %iota3A, %add3A_740 : vector<16xi32>
      tpu.vector_store_idx %arg4[%add3A_738, %add3A_741], %broadcast_in_dim3A_3 : memref<200x128xi32, #tpu.memory_space<vmem>>[vector<16xi32>, vector<16xi32>], vector<16xi32>,
      %mul3A_742 = arith.constant 2 : i32
      %mul3A_743 = arith.muli %mul3A_742, %sub3A_689 : i32
      %add3A_744 = arith.constant 0 : i32
      %add3A_745 = arith.addi %mul3A_743, %add3A_744 : i32
      %get3A_746 = arith.index_cast %add3A_745 : i32 to index
      %get3A_747 = arith.constant 64 : index
      %get3A_748 = tpu.vector_load %arg6[%get3A_746, %get3A_747] {strides = array<i32>} : memref<26x128xi32, #tpu.memory_space<vmem>>, vector<16xi32>,
      %add3A_749 = arith.constant 0 : i32
      %add3A_750 = vector.broadcast %add3A_749 : i32 to vector<16xi32>
      %add3A_751 = arith.addi %get3A_748, %add3A_750 : vector<16xi32>
      %add3A_752 = arith.constant 64 : i32
      %add3A_753 = vector.broadcast %add3A_752 : i32 to vector<16xi32>
      %add3A_754 = arith.addi %iota3A, %add3A_753 : vector<16xi32>
      tpu.vector_store_idx %arg4[%add3A_751, %add3A_754], %broadcast_in_dim3A_3 : memref<200x128xi32, #tpu.memory_space<vmem>>[vector<16xi32>, vector<16xi32>], vector<16xi32>,
      %mul3A_755 = arith.constant 2 : i32
      %mul3A_756 = arith.muli %mul3A_755, %sub3A_689 : i32
      %add3A_757 = arith.constant 0 : i32
      %add3A_758 = arith.addi %mul3A_756, %add3A_757 : i32
      %get3A_759 = arith.index_cast %add3A_758 : i32 to index
      %get3A_760 = arith.constant 80 : index
      %get3A_761 = tpu.vector_load %arg6[%get3A_759, %get3A_760] {strides = array<i32>} : memref<26x128xi32, #tpu.memory_space<vmem>>, vector<16xi32>,
      %add3A_762 = arith.constant 0 : i32
      %add3A_763 = vector.broadcast %add3A_762 : i32 to vector<16xi32>
      %add3A_764 = arith.addi %get3A_761, %add3A_763 : vector<16xi32>
      %add3A_765 = arith.constant 80 : i32
      %add3A_766 = vector.broadcast %add3A_765 : i32 to vector<16xi32>
      %add3A_767 = arith.addi %iota3A, %add3A_766 : vector<16xi32>
      tpu.vector_store_idx %arg4[%add3A_764, %add3A_767], %broadcast_in_dim3A_3 : memref<200x128xi32, #tpu.memory_space<vmem>>[vector<16xi32>, vector<16xi32>], vector<16xi32>,
      %mul3A_768 = arith.constant 2 : i32
      %mul3A_769 = arith.muli %mul3A_768, %sub3A_689 : i32
      %add3A_770 = arith.constant 0 : i32
      %add3A_771 = arith.addi %mul3A_769, %add3A_770 : i32
      %get3A_772 = arith.index_cast %add3A_771 : i32 to index
      %get3A_773 = arith.constant 96 : index
      %get3A_774 = tpu.vector_load %arg6[%get3A_772, %get3A_773] {strides = array<i32>} : memref<26x128xi32, #tpu.memory_space<vmem>>, vector<16xi32>,
      %add3A_775 = arith.constant 0 : i32
      %add3A_776 = vector.broadcast %add3A_775 : i32 to vector<16xi32>
      %add3A_777 = arith.addi %get3A_774, %add3A_776 : vector<16xi32>
      %add3A_778 = arith.constant 96 : i32
      %add3A_779 = vector.broadcast %add3A_778 : i32 to vector<16xi32>
      %add3A_780 = arith.addi %iota3A, %add3A_779 : vector<16xi32>
      tpu.vector_store_idx %arg4[%add3A_777, %add3A_780], %broadcast_in_dim3A_3 : memref<200x128xi32, #tpu.memory_space<vmem>>[vector<16xi32>, vector<16xi32>], vector<16xi32>,
      %mul3A_781 = arith.constant 2 : i32
      %mul3A_782 = arith.muli %mul3A_781, %sub3A_689 : i32
      %add3A_783 = arith.constant 0 : i32
      %add3A_784 = arith.addi %mul3A_782, %add3A_783 : i32
      %get3A_785 = arith.index_cast %add3A_784 : i32 to index
      %get3A_786 = arith.constant 112 : index
      %get3A_787 = tpu.vector_load %arg6[%get3A_785, %get3A_786] {strides = array<i32>} : memref<26x128xi32, #tpu.memory_space<vmem>>, vector<16xi32>,
      %add3A_788 = arith.constant 0 : i32
      %add3A_789 = vector.broadcast %add3A_788 : i32 to vector<16xi32>
      %add3A_790 = arith.addi %get3A_787, %add3A_789 : vector<16xi32>
      %add3A_791 = arith.constant 112 : i32
      %add3A_792 = vector.broadcast %add3A_791 : i32 to vector<16xi32>
      %add3A_793 = arith.addi %iota3A, %add3A_792 : vector<16xi32>
      tpu.vector_store_idx %arg4[%add3A_790, %add3A_793], %broadcast_in_dim3A_3 : memref<200x128xi32, #tpu.memory_space<vmem>>[vector<16xi32>, vector<16xi32>], vector<16xi32>,
      %mul3A_794 = arith.constant 2 : i32
      %mul3A_795 = arith.muli %mul3A_794, %sub3A_689 : i32
      %add3A_796 = arith.constant 1 : i32
      %add3A_797 = arith.addi %mul3A_795, %add3A_796 : i32
      %get3A_798 = arith.index_cast %add3A_797 : i32 to index
      %get3A_799 = arith.constant 0 : index
      %get3A_800 = tpu.vector_load %arg6[%get3A_798, %get3A_799] {strides = array<i32>} : memref<26x128xi32, #tpu.memory_space<vmem>>, vector<16xi32>,
      %add3A_801 = arith.constant 100 : i32
      %add3A_802 = vector.broadcast %add3A_801 : i32 to vector<16xi32>
      %add3A_803 = arith.addi %get3A_800, %add3A_802 : vector<16xi32>
      %add3A_804 = arith.constant 0 : i32
      %add3A_805 = vector.broadcast %add3A_804 : i32 to vector<16xi32>
      %add3A_806 = arith.addi %iota3A, %add3A_805 : vector<16xi32>
      tpu.vector_store_idx %arg4[%add3A_803, %add3A_806], %broadcast_in_dim3A_3 : memref<200x128xi32, #tpu.memory_space<vmem>>[vector<16xi32>, vector<16xi32>], vector<16xi32>,
      %mul3A_807 = arith.constant 2 : i32
      %mul3A_808 = arith.muli %mul3A_807, %sub3A_689 : i32
      %add3A_809 = arith.constant 1 : i32
      %add3A_810 = arith.addi %mul3A_808, %add3A_809 : i32
      %get3A_811 = arith.index_cast %add3A_810 : i32 to index
      %get3A_812 = arith.constant 16 : index
      %get3A_813 = tpu.vector_load %arg6[%get3A_811, %get3A_812] {strides = array<i32>} : memref<26x128xi32, #tpu.memory_space<vmem>>, vector<16xi32>,
      %add3A_814 = arith.constant 100 : i32
      %add3A_815 = vector.broadcast %add3A_814 : i32 to vector<16xi32>
      %add3A_816 = arith.addi %get3A_813, %add3A_815 : vector<16xi32>
      %add3A_817 = arith.constant 16 : i32
      %add3A_818 = vector.broadcast %add3A_817 : i32 to vector<16xi32>
      %add3A_819 = arith.addi %iota3A, %add3A_818 : vector<16xi32>
      tpu.vector_store_idx %arg4[%add3A_816, %add3A_819], %broadcast_in_dim3A_3 : memref<200x128xi32, #tpu.memory_space<vmem>>[vector<16xi32>, vector<16xi32>], vector<16xi32>,
      %mul3A_820 = arith.constant 2 : i32
      %mul3A_821 = arith.muli %mul3A_820, %sub3A_689 : i32
      %add3A_822 = arith.constant 1 : i32
      %add3A_823 = arith.addi %mul3A_821, %add3A_822 : i32
      %get3A_824 = arith.index_cast %add3A_823 : i32 to index
      %get3A_825 = arith.constant 32 : index
      %get3A_826 = tpu.vector_load %arg6[%get3A_824, %get3A_825] {strides = array<i32>} : memref<26x128xi32, #tpu.memory_space<vmem>>, vector<16xi32>,
      %add3A_827 = arith.constant 100 : i32
      %add3A_828 = vector.broadcast %add3A_827 : i32 to vector<16xi32>
      %add3A_829 = arith.addi %get3A_826, %add3A_828 : vector<16xi32>
      %add3A_830 = arith.constant 32 : i32
      %add3A_831 = vector.broadcast %add3A_830 : i32 to vector<16xi32>
      %add3A_832 = arith.addi %iota3A, %add3A_831 : vector<16xi32>
      tpu.vector_store_idx %arg4[%add3A_829, %add3A_832], %broadcast_in_dim3A_3 : memref<200x128xi32, #tpu.memory_space<vmem>>[vector<16xi32>, vector<16xi32>], vector<16xi32>,
      %mul3A_833 = arith.constant 2 : i32
      %mul3A_834 = arith.muli %mul3A_833, %sub3A_689 : i32
      %add3A_835 = arith.constant 1 : i32
      %add3A_836 = arith.addi %mul3A_834, %add3A_835 : i32
      %get3A_837 = arith.index_cast %add3A_836 : i32 to index
      %get3A_838 = arith.constant 48 : index
      %get3A_839 = tpu.vector_load %arg6[%get3A_837, %get3A_838] {strides = array<i32>} : memref<26x128xi32, #tpu.memory_space<vmem>>, vector<16xi32>,
      %add3A_840 = arith.constant 100 : i32
      %add3A_841 = vector.broadcast %add3A_840 : i32 to vector<16xi32>
      %add3A_842 = arith.addi %get3A_839, %add3A_841 : vector<16xi32>
      %add3A_843 = arith.constant 48 : i32
      %add3A_844 = vector.broadcast %add3A_843 : i32 to vector<16xi32>
      %add3A_845 = arith.addi %iota3A, %add3A_844 : vector<16xi32>
      tpu.vector_store_idx %arg4[%add3A_842, %add3A_845], %broadcast_in_dim3A_3 : memref<200x128xi32, #tpu.memory_space<vmem>>[vector<16xi32>, vector<16xi32>], vector<16xi32>,
      %mul3A_846 = arith.constant 2 : i32
      %mul3A_847 = arith.muli %mul3A_846, %sub3A_689 : i32
      %add3A_848 = arith.constant 1 : i32
      %add3A_849 = arith.addi %mul3A_847, %add3A_848 : i32
      %get3A_850 = arith.index_cast %add3A_849 : i32 to index
      %get3A_851 = arith.constant 64 : index
      %get3A_852 = tpu.vector_load %arg6[%get3A_850, %get3A_851] {strides = array<i32>} : memref<26x128xi32, #tpu.memory_space<vmem>>, vector<16xi32>,
      %add3A_853 = arith.constant 100 : i32
      %add3A_854 = vector.broadcast %add3A_853 : i32 to vector<16xi32>
      %add3A_855 = arith.addi %get3A_852, %add3A_854 : vector<16xi32>
      %add3A_856 = arith.constant 64 : i32
      %add3A_857 = vector.broadcast %add3A_856 : i32 to vector<16xi32>
      %add3A_858 = arith.addi %iota3A, %add3A_857 : vector<16xi32>
      tpu.vector_store_idx %arg4[%add3A_855, %add3A_858], %broadcast_in_dim3A_3 : memref<200x128xi32, #tpu.memory_space<vmem>>[vector<16xi32>, vector<16xi32>], vector<16xi32>,
      %mul3A_859 = arith.constant 2 : i32
      %mul3A_860 = arith.muli %mul3A_859, %sub3A_689 : i32
      %add3A_861 = arith.constant 1 : i32
      %add3A_862 = arith.addi %mul3A_860, %add3A_861 : i32
      %get3A_863 = arith.index_cast %add3A_862 : i32 to index
      %get3A_864 = arith.constant 80 : index
      %get3A_865 = tpu.vector_load %arg6[%get3A_863, %get3A_864] {strides = array<i32>} : memref<26x128xi32, #tpu.memory_space<vmem>>, vector<16xi32>,
      %add3A_866 = arith.constant 100 : i32
      %add3A_867 = vector.broadcast %add3A_866 : i32 to vector<16xi32>
      %add3A_868 = arith.addi %get3A_865, %add3A_867 : vector<16xi32>
      %add3A_869 = arith.constant 80 : i32
      %add3A_870 = vector.broadcast %add3A_869 : i32 to vector<16xi32>
      %add3A_871 = arith.addi %iota3A, %add3A_870 : vector<16xi32>
      tpu.vector_store_idx %arg4[%add3A_868, %add3A_871], %broadcast_in_dim3A_3 : memref<200x128xi32, #tpu.memory_space<vmem>>[vector<16xi32>, vector<16xi32>], vector<16xi32>,
      %mul3A_872 = arith.constant 2 : i32
      %mul3A_873 = arith.muli %mul3A_872, %sub3A_689 : i32
      %add3A_874 = arith.constant 1 : i32
      %add3A_875 = arith.addi %mul3A_873, %add3A_874 : i32
      %get3A_876 = arith.index_cast %add3A_875 : i32 to index
      %get3A_877 = arith.constant 96 : index
      %get3A_878 = tpu.vector_load %arg6[%get3A_876, %get3A_877] {strides = array<i32>} : memref<26x128xi32, #tpu.memory_space<vmem>>, vector<16xi32>,
      %add3A_879 = arith.constant 100 : i32
      %add3A_880 = vector.broadcast %add3A_879 : i32 to vector<16xi32>
      %add3A_881 = arith.addi %get3A_878, %add3A_880 : vector<16xi32>
      %add3A_882 = arith.constant 96 : i32
      %add3A_883 = vector.broadcast %add3A_882 : i32 to vector<16xi32>
      %add3A_884 = arith.addi %iota3A, %add3A_883 : vector<16xi32>
      tpu.vector_store_idx %arg4[%add3A_881, %add3A_884], %broadcast_in_dim3A_3 : memref<200x128xi32, #tpu.memory_space<vmem>>[vector<16xi32>, vector<16xi32>], vector<16xi32>,
      %mul3A_885 = arith.constant 2 : i32
      %mul3A_886 = arith.muli %mul3A_885, %sub3A_689 : i32
      %add3A_887 = arith.constant 1 : i32
      %add3A_888 = arith.addi %mul3A_886, %add3A_887 : i32
      %get3A_889 = arith.index_cast %add3A_888 : i32 to index
      %get3A_890 = arith.constant 112 : index
      %get3A_891 = tpu.vector_load %arg6[%get3A_889, %get3A_890] {strides = array<i32>} : memref<26x128xi32, #tpu.memory_space<vmem>>, vector<16xi32>,
      %add3A_892 = arith.constant 100 : i32
      %add3A_893 = vector.broadcast %add3A_892 : i32 to vector<16xi32>
      %add3A_894 = arith.addi %get3A_891, %add3A_893 : vector<16xi32>
      %add3A_895 = arith.constant 112 : i32
      %add3A_896 = vector.broadcast %add3A_895 : i32 to vector<16xi32>
      %add3A_897 = arith.addi %iota3A, %add3A_896 : vector<16xi32>
      tpu.vector_store_idx %arg4[%add3A_894, %add3A_897], %broadcast_in_dim3A_3 : memref<200x128xi32, #tpu.memory_space<vmem>>[vector<16xi32>, vector<16xi32>], vector<16xi32>,
      %mul3A_898 = arith.constant 2 : i32
      %mul3A_899 = arith.muli %mul3A_898, %add3A_681 : i32
      %add3A_900 = arith.constant 0 : i32
      %add3A_901 = arith.addi %mul3A_899, %add3A_900 : i32
      %get3A_902 = arith.index_cast %add3A_901 : i32 to index
      %get3A_903 = arith.constant 0 : index
      %get3A_904 = tpu.vector_load %arg6[%get3A_902, %get3A_903] {strides = array<i32>} : memref<26x128xi32, #tpu.memory_space<vmem>>, vector<16xi32>,
      %add3A_905 = arith.constant 0 : i32
      %add3A_906 = vector.broadcast %add3A_905 : i32 to vector<16xi32>
      %add3A_907 = arith.addi %get3A_904, %add3A_906 : vector<16xi32>
      %add3A_908 = arith.constant 0 : i32
      %add3A_909 = vector.broadcast %add3A_908 : i32 to vector<16xi32>
      %add3A_910 = arith.addi %iota3A, %add3A_909 : vector<16xi32>
      tpu.vector_store_idx %arg4[%add3A_907, %add3A_910], %broadcast_in_dim3A_5 : memref<200x128xi32, #tpu.memory_space<vmem>>[vector<16xi32>, vector<16xi32>], vector<16xi32>,
      %mul3A_911 = arith.constant 2 : i32
      %mul3A_912 = arith.muli %mul3A_911, %add3A_681 : i32
      %add3A_913 = arith.constant 0 : i32
      %add3A_914 = arith.addi %mul3A_912, %add3A_913 : i32
      %get3A_915 = arith.index_cast %add3A_914 : i32 to index
      %get3A_916 = arith.constant 16 : index
      %get3A_917 = tpu.vector_load %arg6[%get3A_915, %get3A_916] {strides = array<i32>} : memref<26x128xi32, #tpu.memory_space<vmem>>, vector<16xi32>,
      %add3A_918 = arith.constant 0 : i32
      %add3A_919 = vector.broadcast %add3A_918 : i32 to vector<16xi32>
      %add3A_920 = arith.addi %get3A_917, %add3A_919 : vector<16xi32>
      %add3A_921 = arith.constant 16 : i32
      %add3A_922 = vector.broadcast %add3A_921 : i32 to vector<16xi32>
      %add3A_923 = arith.addi %iota3A, %add3A_922 : vector<16xi32>
      tpu.vector_store_idx %arg4[%add3A_920, %add3A_923], %broadcast_in_dim3A_5 : memref<200x128xi32, #tpu.memory_space<vmem>>[vector<16xi32>, vector<16xi32>], vector<16xi32>,
      %mul3A_924 = arith.constant 2 : i32
      %mul3A_925 = arith.muli %mul3A_924, %add3A_681 : i32
      %add3A_926 = arith.constant 0 : i32
      %add3A_927 = arith.addi %mul3A_925, %add3A_926 : i32
      %get3A_928 = arith.index_cast %add3A_927 : i32 to index
      %get3A_929 = arith.constant 32 : index
      %get3A_930 = tpu.vector_load %arg6[%get3A_928, %get3A_929] {strides = array<i32>} : memref<26x128xi32, #tpu.memory_space<vmem>>, vector<16xi32>,
      %add3A_931 = arith.constant 0 : i32
      %add3A_932 = vector.broadcast %add3A_931 : i32 to vector<16xi32>
      %add3A_933 = arith.addi %get3A_930, %add3A_932 : vector<16xi32>
      %add3A_934 = arith.constant 32 : i32
      %add3A_935 = vector.broadcast %add3A_934 : i32 to vector<16xi32>
      %add3A_936 = arith.addi %iota3A, %add3A_935 : vector<16xi32>
      tpu.vector_store_idx %arg4[%add3A_933, %add3A_936], %broadcast_in_dim3A_5 : memref<200x128xi32, #tpu.memory_space<vmem>>[vector<16xi32>, vector<16xi32>], vector<16xi32>,
      %mul3A_937 = arith.constant 2 : i32
      %mul3A_938 = arith.muli %mul3A_937, %add3A_681 : i32
      %add3A_939 = arith.constant 0 : i32
      %add3A_940 = arith.addi %mul3A_938, %add3A_939 : i32
      %get3A_941 = arith.index_cast %add3A_940 : i32 to index
      %get3A_942 = arith.constant 48 : index
      %get3A_943 = tpu.vector_load %arg6[%get3A_941, %get3A_942] {strides = array<i32>} : memref<26x128xi32, #tpu.memory_space<vmem>>, vector<16xi32>,
      %add3A_944 = arith.constant 0 : i32
      %add3A_945 = vector.broadcast %add3A_944 : i32 to vector<16xi32>
      %add3A_946 = arith.addi %get3A_943, %add3A_945 : vector<16xi32>
      %add3A_947 = arith.constant 48 : i32
      %add3A_948 = vector.broadcast %add3A_947 : i32 to vector<16xi32>
      %add3A_949 = arith.addi %iota3A, %add3A_948 : vector<16xi32>
      tpu.vector_store_idx %arg4[%add3A_946, %add3A_949], %broadcast_in_dim3A_5 : memref<200x128xi32, #tpu.memory_space<vmem>>[vector<16xi32>, vector<16xi32>], vector<16xi32>,
      %mul3A_950 = arith.constant 2 : i32
      %mul3A_951 = arith.muli %mul3A_950, %add3A_681 : i32
      %add3A_952 = arith.constant 0 : i32
      %add3A_953 = arith.addi %mul3A_951, %add3A_952 : i32
      %get3A_954 = arith.index_cast %add3A_953 : i32 to index
      %get3A_955 = arith.constant 64 : index
      %get3A_956 = tpu.vector_load %arg6[%get3A_954, %get3A_955] {strides = array<i32>} : memref<26x128xi32, #tpu.memory_space<vmem>>, vector<16xi32>,
      %add3A_957 = arith.constant 0 : i32
      %add3A_958 = vector.broadcast %add3A_957 : i32 to vector<16xi32>
      %add3A_959 = arith.addi %get3A_956, %add3A_958 : vector<16xi32>
      %add3A_960 = arith.constant 64 : i32
      %add3A_961 = vector.broadcast %add3A_960 : i32 to vector<16xi32>
      %add3A_962 = arith.addi %iota3A, %add3A_961 : vector<16xi32>
      tpu.vector_store_idx %arg4[%add3A_959, %add3A_962], %broadcast_in_dim3A_5 : memref<200x128xi32, #tpu.memory_space<vmem>>[vector<16xi32>, vector<16xi32>], vector<16xi32>,
      %mul3A_963 = arith.constant 2 : i32
      %mul3A_964 = arith.muli %mul3A_963, %add3A_681 : i32
      %add3A_965 = arith.constant 0 : i32
      %add3A_966 = arith.addi %mul3A_964, %add3A_965 : i32
      %get3A_967 = arith.index_cast %add3A_966 : i32 to index
      %get3A_968 = arith.constant 80 : index
      %get3A_969 = tpu.vector_load %arg6[%get3A_967, %get3A_968] {strides = array<i32>} : memref<26x128xi32, #tpu.memory_space<vmem>>, vector<16xi32>,
      %add3A_970 = arith.constant 0 : i32
      %add3A_971 = vector.broadcast %add3A_970 : i32 to vector<16xi32>
      %add3A_972 = arith.addi %get3A_969, %add3A_971 : vector<16xi32>
      %add3A_973 = arith.constant 80 : i32
      %add3A_974 = vector.broadcast %add3A_973 : i32 to vector<16xi32>
      %add3A_975 = arith.addi %iota3A, %add3A_974 : vector<16xi32>
      tpu.vector_store_idx %arg4[%add3A_972, %add3A_975], %broadcast_in_dim3A_5 : memref<200x128xi32, #tpu.memory_space<vmem>>[vector<16xi32>, vector<16xi32>], vector<16xi32>,
      %mul3A_976 = arith.constant 2 : i32
      %mul3A_977 = arith.muli %mul3A_976, %add3A_681 : i32
      %add3A_978 = arith.constant 0 : i32
      %add3A_979 = arith.addi %mul3A_977, %add3A_978 : i32
      %get3A_980 = arith.index_cast %add3A_979 : i32 to index
      %get3A_981 = arith.constant 96 : index
      %get3A_982 = tpu.vector_load %arg6[%get3A_980, %get3A_981] {strides = array<i32>} : memref<26x128xi32, #tpu.memory_space<vmem>>, vector<16xi32>,
      %add3A_983 = arith.constant 0 : i32
      %add3A_984 = vector.broadcast %add3A_983 : i32 to vector<16xi32>
      %add3A_985 = arith.addi %get3A_982, %add3A_984 : vector<16xi32>
      %add3A_986 = arith.constant 96 : i32
      %add3A_987 = vector.broadcast %add3A_986 : i32 to vector<16xi32>
      %add3A_988 = arith.addi %iota3A, %add3A_987 : vector<16xi32>
      tpu.vector_store_idx %arg4[%add3A_985, %add3A_988], %broadcast_in_dim3A_5 : memref<200x128xi32, #tpu.memory_space<vmem>>[vector<16xi32>, vector<16xi32>], vector<16xi32>,
      %mul3A_989 = arith.constant 2 : i32
      %mul3A_990 = arith.muli %mul3A_989, %add3A_681 : i32
      %add3A_991 = arith.constant 0 : i32
      %add3A_992 = arith.addi %mul3A_990, %add3A_991 : i32
      %get3A_993 = arith.index_cast %add3A_992 : i32 to index
      %get3A_994 = arith.constant 112 : index
      %get3A_995 = tpu.vector_load %arg6[%get3A_993, %get3A_994] {strides = array<i32>} : memref<26x128xi32, #tpu.memory_space<vmem>>, vector<16xi32>,
      %add3A_996 = arith.constant 0 : i32
      %add3A_997 = vector.broadcast %add3A_996 : i32 to vector<16xi32>
      %add3A_998 = arith.addi %get3A_995, %add3A_997 : vector<16xi32>
      %add3A_999 = arith.constant 112 : i32
      %add3A_1000 = vector.broadcast %add3A_999 : i32 to vector<16xi32>
      %add3A_1001 = arith.addi %iota3A, %add3A_1000 : vector<16xi32>
      tpu.vector_store_idx %arg4[%add3A_998, %add3A_1001], %broadcast_in_dim3A_5 : memref<200x128xi32, #tpu.memory_space<vmem>>[vector<16xi32>, vector<16xi32>], vector<16xi32>,
      %mul3A_1002 = arith.constant 2 : i32
      %mul3A_1003 = arith.muli %mul3A_1002, %add3A_681 : i32
      %add3A_1004 = arith.constant 1 : i32
      %add3A_1005 = arith.addi %mul3A_1003, %add3A_1004 : i32
      %get3A_1006 = arith.index_cast %add3A_1005 : i32 to index
      %get3A_1007 = arith.constant 0 : index
      %get3A_1008 = tpu.vector_load %arg6[%get3A_1006, %get3A_1007] {strides = array<i32>} : memref<26x128xi32, #tpu.memory_space<vmem>>, vector<16xi32>,
      %add3A_1009 = arith.constant 100 : i32
      %add3A_1010 = vector.broadcast %add3A_1009 : i32 to vector<16xi32>
      %add3A_1011 = arith.addi %get3A_1008, %add3A_1010 : vector<16xi32>
      %add3A_1012 = arith.constant 0 : i32
      %add3A_1013 = vector.broadcast %add3A_1012 : i32 to vector<16xi32>
      %add3A_1014 = arith.addi %iota3A, %add3A_1013 : vector<16xi32>
      tpu.vector_store_idx %arg4[%add3A_1011, %add3A_1014], %broadcast_in_dim3A_5 : memref<200x128xi32, #tpu.memory_space<vmem>>[vector<16xi32>, vector<16xi32>], vector<16xi32>,
      %mul3A_1015 = arith.constant 2 : i32
      %mul3A_1016 = arith.muli %mul3A_1015, %add3A_681 : i32
      %add3A_1017 = arith.constant 1 : i32
      %add3A_1018 = arith.addi %mul3A_1016, %add3A_1017 : i32
      %get3A_1019 = arith.index_cast %add3A_1018 : i32 to index
      %get3A_1020 = arith.constant 16 : index
      %get3A_1021 = tpu.vector_load %arg6[%get3A_1019, %get3A_1020] {strides = array<i32>} : memref<26x128xi32, #tpu.memory_space<vmem>>, vector<16xi32>,
      %add3A_1022 = arith.constant 100 : i32
      %add3A_1023 = vector.broadcast %add3A_1022 : i32 to vector<16xi32>
      %add3A_1024 = arith.addi %get3A_1021, %add3A_1023 : vector<16xi32>
      %add3A_1025 = arith.constant 16 : i32
      %add3A_1026 = vector.broadcast %add3A_1025 : i32 to vector<16xi32>
      %add3A_1027 = arith.addi %iota3A, %add3A_1026 : vector<16xi32>
      tpu.vector_store_idx %arg4[%add3A_1024, %add3A_1027], %broadcast_in_dim3A_5 : memref<200x128xi32, #tpu.memory_space<vmem>>[vector<16xi32>, vector<16xi32>], vector<16xi32>,
      %mul3A_1028 = arith.constant 2 : i32
      %mul3A_1029 = arith.muli %mul3A_1028, %add3A_681 : i32
      %add3A_1030 = arith.constant 1 : i32
      %add3A_1031 = arith.addi %mul3A_1029, %add3A_1030 : i32
      %get3A_1032 = arith.index_cast %add3A_1031 : i32 to index
      %get3A_1033 = arith.constant 32 : index
      %get3A_1034 = tpu.vector_load %arg6[%get3A_1032, %get3A_1033] {strides = array<i32>} : memref<26x128xi32, #tpu.memory_space<vmem>>, vector<16xi32>,
      %add3A_1035 = arith.constant 100 : i32
      %add3A_1036 = vector.broadcast %add3A_1035 : i32 to vector<16xi32>
      %add3A_1037 = arith.addi %get3A_1034, %add3A_1036 : vector<16xi32>
      %add3A_1038 = arith.constant 32 : i32
      %add3A_1039 = vector.broadcast %add3A_1038 : i32 to vector<16xi32>
      %add3A_1040 = arith.addi %iota3A, %add3A_1039 : vector<16xi32>
      tpu.vector_store_idx %arg4[%add3A_1037, %add3A_1040], %broadcast_in_dim3A_5 : memref<200x128xi32, #tpu.memory_space<vmem>>[vector<16xi32>, vector<16xi32>], vector<16xi32>,
      %mul3A_1041 = arith.constant 2 : i32
      %mul3A_1042 = arith.muli %mul3A_1041, %add3A_681 : i32
      %add3A_1043 = arith.constant 1 : i32
      %add3A_1044 = arith.addi %mul3A_1042, %add3A_1043 : i32
      %get3A_1045 = arith.index_cast %add3A_1044 : i32 to index
      %get3A_1046 = arith.constant 48 : index
      %get3A_1047 = tpu.vector_load %arg6[%get3A_1045, %get3A_1046] {strides = array<i32>} : memref<26x128xi32, #tpu.memory_space<vmem>>, vector<16xi32>,
      %add3A_1048 = arith.constant 100 : i32
      %add3A_1049 = vector.broadcast %add3A_1048 : i32 to vector<16xi32>
      %add3A_1050 = arith.addi %get3A_1047, %add3A_1049 : vector<16xi32>
      %add3A_1051 = arith.constant 48 : i32
      %add3A_1052 = vector.broadcast %add3A_1051 : i32 to vector<16xi32>
      %add3A_1053 = arith.addi %iota3A, %add3A_1052 : vector<16xi32>
      tpu.vector_store_idx %arg4[%add3A_1050, %add3A_1053], %broadcast_in_dim3A_5 : memref<200x128xi32, #tpu.memory_space<vmem>>[vector<16xi32>, vector<16xi32>], vector<16xi32>,
      %mul3A_1054 = arith.constant 2 : i32
      %mul3A_1055 = arith.muli %mul3A_1054, %add3A_681 : i32
      %add3A_1056 = arith.constant 1 : i32
      %add3A_1057 = arith.addi %mul3A_1055, %add3A_1056 : i32
      %get3A_1058 = arith.index_cast %add3A_1057 : i32 to index
      %get3A_1059 = arith.constant 64 : index
      %get3A_1060 = tpu.vector_load %arg6[%get3A_1058, %get3A_1059] {strides = array<i32>} : memref<26x128xi32, #tpu.memory_space<vmem>>, vector<16xi32>,
      %add3A_1061 = arith.constant 100 : i32
      %add3A_1062 = vector.broadcast %add3A_1061 : i32 to vector<16xi32>
      %add3A_1063 = arith.addi %get3A_1060, %add3A_1062 : vector<16xi32>
      %add3A_1064 = arith.constant 64 : i32
      %add3A_1065 = vector.broadcast %add3A_1064 : i32 to vector<16xi32>
      %add3A_1066 = arith.addi %iota3A, %add3A_1065 : vector<16xi32>
      tpu.vector_store_idx %arg4[%add3A_1063, %add3A_1066], %broadcast_in_dim3A_5 : memref<200x128xi32, #tpu.memory_space<vmem>>[vector<16xi32>, vector<16xi32>], vector<16xi32>,
      %mul3A_1067 = arith.constant 2 : i32
      %mul3A_1068 = arith.muli %mul3A_1067, %add3A_681 : i32
      %add3A_1069 = arith.constant 1 : i32
      %add3A_1070 = arith.addi %mul3A_1068, %add3A_1069 : i32
      %get3A_1071 = arith.index_cast %add3A_1070 : i32 to index
      %get3A_1072 = arith.constant 80 : index
      %get3A_1073 = tpu.vector_load %arg6[%get3A_1071, %get3A_1072] {strides = array<i32>} : memref<26x128xi32, #tpu.memory_space<vmem>>, vector<16xi32>,
      %add3A_1074 = arith.constant 100 : i32
      %add3A_1075 = vector.broadcast %add3A_1074 : i32 to vector<16xi32>
      %add3A_1076 = arith.addi %get3A_1073, %add3A_1075 : vector<16xi32>
      %add3A_1077 = arith.constant 80 : i32
      %add3A_1078 = vector.broadcast %add3A_1077 : i32 to vector<16xi32>
      %add3A_1079 = arith.addi %iota3A, %add3A_1078 : vector<16xi32>
      tpu.vector_store_idx %arg4[%add3A_1076, %add3A_1079], %broadcast_in_dim3A_5 : memref<200x128xi32, #tpu.memory_space<vmem>>[vector<16xi32>, vector<16xi32>], vector<16xi32>,
      %mul3A_1080 = arith.constant 2 : i32
      %mul3A_1081 = arith.muli %mul3A_1080, %add3A_681 : i32
      %add3A_1082 = arith.constant 1 : i32
      %add3A_1083 = arith.addi %mul3A_1081, %add3A_1082 : i32
      %get3A_1084 = arith.index_cast %add3A_1083 : i32 to index
      %get3A_1085 = arith.constant 96 : index
      %get3A_1086 = tpu.vector_load %arg6[%get3A_1084, %get3A_1085] {strides = array<i32>} : memref<26x128xi32, #tpu.memory_space<vmem>>, vector<16xi32>,
      %add3A_1087 = arith.constant 100 : i32
      %add3A_1088 = vector.broadcast %add3A_1087 : i32 to vector<16xi32>
      %add3A_1089 = arith.addi %get3A_1086, %add3A_1088 : vector<16xi32>
      %add3A_1090 = arith.constant 96 : i32
      %add3A_1091 = vector.broadcast %add3A_1090 : i32 to vector<16xi32>
      %add3A_1092 = arith.addi %iota3A, %add3A_1091 : vector<16xi32>
      tpu.vector_store_idx %arg4[%add3A_1089, %add3A_1092], %broadcast_in_dim3A_5 : memref<200x128xi32, #tpu.memory_space<vmem>>[vector<16xi32>, vector<16xi32>], vector<16xi32>,
      %mul3A_1093 = arith.constant 2 : i32
      %mul3A_1094 = arith.muli %mul3A_1093, %add3A_681 : i32
      %add3A_1095 = arith.constant 1 : i32
      %add3A_1096 = arith.addi %mul3A_1094, %add3A_1095 : i32
      %get3A_1097 = arith.index_cast %add3A_1096 : i32 to index
      %get3A_1098 = arith.constant 112 : index
      %get3A_1099 = tpu.vector_load %arg6[%get3A_1097, %get3A_1098] {strides = array<i32>} : memref<26x128xi32, #tpu.memory_space<vmem>>, vector<16xi32>,
      %add3A_1100 = arith.constant 100 : i32
      %add3A_1101 = vector.broadcast %add3A_1100 : i32 to vector<16xi32>
      %add3A_1102 = arith.addi %get3A_1099, %add3A_1101 : vector<16xi32>
      %add3A_1103 = arith.constant 112 : i32
      %add3A_1104 = vector.broadcast %add3A_1103 : i32 to vector<16xi32>
      %add3A_1105 = arith.addi %iota3A, %add3A_1104 : vector<16xi32>
      tpu.vector_store_idx %arg4[%add3A_1102, %add3A_1105], %broadcast_in_dim3A_5 : memref<200x128xi32, #tpu.memory_space<vmem>>[vector<16xi32>, vector<16xi32>], vector<16xi32>,
      %mul3A_1106 = arith.constant 200 : i32
      %mul3A_1107 = arith.muli %add3A_681, %mul3A_1106 : i32
      %multiple_of3A_1108 = tpu.assume_multiple %mul3A_1107, 200 : i32
      %dma_start3A_1109 = tpu.memref_slice %arg3[%multiple_of3A_1108, %mul3A_2] : memref<2600x4096xi32, #tpu.memory_space<hbm>> -> memref<200x128xi32, #tpu.memory_space<hbm>>
      %dma_start3A_1110 = tpu.memref_slice %arg3[%multiple_of3A_1108, %mul3A_2] : memref<2600x4096xi32, #tpu.memory_space<hbm>> -> memref<200x128xi32, #tpu.memory_space<hbm>>
      tpu.enqueue_dma source(%arg4 : memref<200x128xi32, #tpu.memory_space<vmem>>) target(%dma_start3A_1110 : memref<200x128xi32, #tpu.memory_space<hbm>>) target_semaphore(%arg7 : memref<!tpu.dma_semaphore, #tpu.memory_space<semaphore_mem>>)
      %mul3A_1111 = arith.constant 2 : i32
      %mul3A_1112 = arith.muli %mul3A_1111, %scan3A_677 : i32
      %add3A_1113 = arith.constant 3 : i32
      %add3A_1114 = arith.addi %mul3A_1112, %add3A_1113 : i32
      %sub3A_1115 = arith.constant 2 : i32
      %sub3A_1116 = arith.subi %add3A_1114, %sub3A_1115 : i32
      %mul3A_1117 = arith.constant 200 : i32
      %mul3A_1118 = arith.muli %sub3A_1116, %mul3A_1117 : i32
      %multiple_of3A_1119 = tpu.assume_multiple %mul3A_1118, 200 : i32
      %dma_wait3A_1120 = tpu.memref_slice %arg3[%multiple_of3A_1119, %mul3A_2] : memref<2600x4096xi32, #tpu.memory_space<hbm>> -> memref<200x128xi32, #tpu.memory_space<hbm>>
      %dma_wait3A_1121 = tpu.memref_slice %arg3[%multiple_of3A_1119, %mul3A_2] : memref<2600x4096xi32, #tpu.memory_space<hbm>> -> memref<200x128xi32, #tpu.memory_space<hbm>>
      tpu.wait_dma2 semaphore(%arg8 : memref<!tpu.dma_semaphore, #tpu.memory_space<semaphore_mem>>) src(%arg5 : memref<200x128xi32, #tpu.memory_space<vmem>>) dst(%dma_wait3A_1121 : memref<200x128xi32, #tpu.memory_space<hbm>>)
      %sub3A_1122 = arith.constant 2 : i32
      %sub3A_1123 = arith.subi %add3A_1114, %sub3A_1122 : i32
      %mul3A_1124 = arith.constant 2 : i32
      %mul3A_1125 = arith.muli %mul3A_1124, %sub3A_1123 : i32
      %add3A_1126 = arith.constant 0 : i32
      %add3A_1127 = arith.addi %mul3A_1125, %add3A_1126 : i32
      %get3A_1128 = arith.index_cast %add3A_1127 : i32 to index
      %get3A_1129 = arith.constant 0 : index
      %get3A_1130 = tpu.vector_load %arg6[%get3A_1128, %get3A_1129] {strides = array<i32>} : memref<26x128xi32, #tpu.memory_space<vmem>>, vector<16xi32>,
      %add3A_1131 = arith.constant 0 : i32
      %add3A_1132 = vector.broadcast %add3A_1131 : i32 to vector<16xi32>
      %add3A_1133 = arith.addi %get3A_1130, %add3A_1132 : vector<16xi32>
      %add3A_1134 = arith.constant 0 : i32
      %add3A_1135 = vector.broadcast %add3A_1134 : i32 to vector<16xi32>
      %add3A_1136 = arith.addi %iota3A, %add3A_1135 : vector<16xi32>
      tpu.vector_store_idx %arg5[%add3A_1133, %add3A_1136], %broadcast_in_dim3A_3 : memref<200x128xi32, #tpu.memory_space<vmem>>[vector<16xi32>, vector<16xi32>], vector<16xi32>,
      %mul3A_1137 = arith.constant 2 : i32
      %mul3A_1138 = arith.muli %mul3A_1137, %sub3A_1123 : i32
      %add3A_1139 = arith.constant 0 : i32
      %add3A_1140 = arith.addi %mul3A_1138, %add3A_1139 : i32
      %get3A_1141 = arith.index_cast %add3A_1140 : i32 to index
      %get3A_1142 = arith.constant 16 : index
      %get3A_1143 = tpu.vector_load %arg6[%get3A_1141, %get3A_1142] {strides = array<i32>} : memref<26x128xi32, #tpu.memory_space<vmem>>, vector<16xi32>,
      %add3A_1144 = arith.constant 0 : i32
      %add3A_1145 = vector.broadcast %add3A_1144 : i32 to vector<16xi32>
      %add3A_1146 = arith.addi %get3A_1143, %add3A_1145 : vector<16xi32>
      %add3A_1147 = arith.constant 16 : i32
      %add3A_1148 = vector.broadcast %add3A_1147 : i32 to vector<16xi32>
      %add3A_1149 = arith.addi %iota3A, %add3A_1148 : vector<16xi32>
      tpu.vector_store_idx %arg5[%add3A_1146, %add3A_1149], %broadcast_in_dim3A_3 : memref<200x128xi32, #tpu.memory_space<vmem>>[vector<16xi32>, vector<16xi32>], vector<16xi32>,
      %mul3A_1150 = arith.constant 2 : i32
      %mul3A_1151 = arith.muli %mul3A_1150, %sub3A_1123 : i32
      %add3A_1152 = arith.constant 0 : i32
      %add3A_1153 = arith.addi %mul3A_1151, %add3A_1152 : i32
      %get3A_1154 = arith.index_cast %add3A_1153 : i32 to index
      %get3A_1155 = arith.constant 32 : index
      %get3A_1156 = tpu.vector_load %arg6[%get3A_1154, %get3A_1155] {strides = array<i32>} : memref<26x128xi32, #tpu.memory_space<vmem>>, vector<16xi32>,
      %add3A_1157 = arith.constant 0 : i32
      %add3A_1158 = vector.broadcast %add3A_1157 : i32 to vector<16xi32>
      %add3A_1159 = arith.addi %get3A_1156, %add3A_1158 : vector<16xi32>
      %add3A_1160 = arith.constant 32 : i32
      %add3A_1161 = vector.broadcast %add3A_1160 : i32 to vector<16xi32>
      %add3A_1162 = arith.addi %iota3A, %add3A_1161 : vector<16xi32>
      tpu.vector_store_idx %arg5[%add3A_1159, %add3A_1162], %broadcast_in_dim3A_3 : memref<200x128xi32, #tpu.memory_space<vmem>>[vector<16xi32>, vector<16xi32>], vector<16xi32>,
      %mul3A_1163 = arith.constant 2 : i32
      %mul3A_1164 = arith.muli %mul3A_1163, %sub3A_1123 : i32
      %add3A_1165 = arith.constant 0 : i32
      %add3A_1166 = arith.addi %mul3A_1164, %add3A_1165 : i32
      %get3A_1167 = arith.index_cast %add3A_1166 : i32 to index
      %get3A_1168 = arith.constant 48 : index
      %get3A_1169 = tpu.vector_load %arg6[%get3A_1167, %get3A_1168] {strides = array<i32>} : memref<26x128xi32, #tpu.memory_space<vmem>>, vector<16xi32>,
      %add3A_1170 = arith.constant 0 : i32
      %add3A_1171 = vector.broadcast %add3A_1170 : i32 to vector<16xi32>
      %add3A_1172 = arith.addi %get3A_1169, %add3A_1171 : vector<16xi32>
      %add3A_1173 = arith.constant 48 : i32
      %add3A_1174 = vector.broadcast %add3A_1173 : i32 to vector<16xi32>
      %add3A_1175 = arith.addi %iota3A, %add3A_1174 : vector<16xi32>
      tpu.vector_store_idx %arg5[%add3A_1172, %add3A_1175], %broadcast_in_dim3A_3 : memref<200x128xi32, #tpu.memory_space<vmem>>[vector<16xi32>, vector<16xi32>], vector<16xi32>,
      %mul3A_1176 = arith.constant 2 : i32
      %mul3A_1177 = arith.muli %mul3A_1176, %sub3A_1123 : i32
      %add3A_1178 = arith.constant 0 : i32
      %add3A_1179 = arith.addi %mul3A_1177, %add3A_1178 : i32
      %get3A_1180 = arith.index_cast %add3A_1179 : i32 to index
      %get3A_1181 = arith.constant 64 : index
      %get3A_1182 = tpu.vector_load %arg6[%get3A_1180, %get3A_1181] {strides = array<i32>} : memref<26x128xi32, #tpu.memory_space<vmem>>, vector<16xi32>,
      %add3A_1183 = arith.constant 0 : i32
      %add3A_1184 = vector.broadcast %add3A_1183 : i32 to vector<16xi32>
      %add3A_1185 = arith.addi %get3A_1182, %add3A_1184 : vector<16xi32>
      %add3A_1186 = arith.constant 64 : i32
      %add3A_1187 = vector.broadcast %add3A_1186 : i32 to vector<16xi32>
      %add3A_1188 = arith.addi %iota3A, %add3A_1187 : vector<16xi32>
      tpu.vector_store_idx %arg5[%add3A_1185, %add3A_1188], %broadcast_in_dim3A_3 : memref<200x128xi32, #tpu.memory_space<vmem>>[vector<16xi32>, vector<16xi32>], vector<16xi32>,
      %mul3A_1189 = arith.constant 2 : i32
      %mul3A_1190 = arith.muli %mul3A_1189, %sub3A_1123 : i32
      %add3A_1191 = arith.constant 0 : i32
      %add3A_1192 = arith.addi %mul3A_1190, %add3A_1191 : i32
      %get3A_1193 = arith.index_cast %add3A_1192 : i32 to index
      %get3A_1194 = arith.constant 80 : index
      %get3A_1195 = tpu.vector_load %arg6[%get3A_1193, %get3A_1194] {strides = array<i32>} : memref<26x128xi32, #tpu.memory_space<vmem>>, vector<16xi32>,
      %add3A_1196 = arith.constant 0 : i32
      %add3A_1197 = vector.broadcast %add3A_1196 : i32 to vector<16xi32>
      %add3A_1198 = arith.addi %get3A_1195, %add3A_1197 : vector<16xi32>
      %add3A_1199 = arith.constant 80 : i32
      %add3A_1200 = vector.broadcast %add3A_1199 : i32 to vector<16xi32>
      %add3A_1201 = arith.addi %iota3A, %add3A_1200 : vector<16xi32>
      tpu.vector_store_idx %arg5[%add3A_1198, %add3A_1201], %broadcast_in_dim3A_3 : memref<200x128xi32, #tpu.memory_space<vmem>>[vector<16xi32>, vector<16xi32>], vector<16xi32>,
      %mul3A_1202 = arith.constant 2 : i32
      %mul3A_1203 = arith.muli %mul3A_1202, %sub3A_1123 : i32
      %add3A_1204 = arith.constant 0 : i32
      %add3A_1205 = arith.addi %mul3A_1203, %add3A_1204 : i32
      %get3A_1206 = arith.index_cast %add3A_1205 : i32 to index
      %get3A_1207 = arith.constant 96 : index
      %get3A_1208 = tpu.vector_load %arg6[%get3A_1206, %get3A_1207] {strides = array<i32>} : memref<26x128xi32, #tpu.memory_space<vmem>>, vector<16xi32>,
      %add3A_1209 = arith.constant 0 : i32
      %add3A_1210 = vector.broadcast %add3A_1209 : i32 to vector<16xi32>
      %add3A_1211 = arith.addi %get3A_1208, %add3A_1210 : vector<16xi32>
      %add3A_1212 = arith.constant 96 : i32
      %add3A_1213 = vector.broadcast %add3A_1212 : i32 to vector<16xi32>
      %add3A_1214 = arith.addi %iota3A, %add3A_1213 : vector<16xi32>
      tpu.vector_store_idx %arg5[%add3A_1211, %add3A_1214], %broadcast_in_dim3A_3 : memref<200x128xi32, #tpu.memory_space<vmem>>[vector<16xi32>, vector<16xi32>], vector<16xi32>,
      %mul3A_1215 = arith.constant 2 : i32
      %mul3A_1216 = arith.muli %mul3A_1215, %sub3A_1123 : i32
      %add3A_1217 = arith.constant 0 : i32
      %add3A_1218 = arith.addi %mul3A_1216, %add3A_1217 : i32
      %get3A_1219 = arith.index_cast %add3A_1218 : i32 to index
      %get3A_1220 = arith.constant 112 : index
      %get3A_1221 = tpu.vector_load %arg6[%get3A_1219, %get3A_1220] {strides = array<i32>} : memref<26x128xi32, #tpu.memory_space<vmem>>, vector<16xi32>,
      %add3A_1222 = arith.constant 0 : i32
      %add3A_1223 = vector.broadcast %add3A_1222 : i32 to vector<16xi32>
      %add3A_1224 = arith.addi %get3A_1221, %add3A_1223 : vector<16xi32>
      %add3A_1225 = arith.constant 112 : i32
      %add3A_1226 = vector.broadcast %add3A_1225 : i32 to vector<16xi32>
      %add3A_1227 = arith.addi %iota3A, %add3A_1226 : vector<16xi32>
      tpu.vector_store_idx %arg5[%add3A_1224, %add3A_1227], %broadcast_in_dim3A_3 : memref<200x128xi32, #tpu.memory_space<vmem>>[vector<16xi32>, vector<16xi32>], vector<16xi32>,
      %mul3A_1228 = arith.constant 2 : i32
      %mul3A_1229 = arith.muli %mul3A_1228, %sub3A_1123 : i32
      %add3A_1230 = arith.constant 1 : i32
      %add3A_1231 = arith.addi %mul3A_1229, %add3A_1230 : i32
      %get3A_1232 = arith.index_cast %add3A_1231 : i32 to index
      %get3A_1233 = arith.constant 0 : index
      %get3A_1234 = tpu.vector_load %arg6[%get3A_1232, %get3A_1233] {strides = array<i32>} : memref<26x128xi32, #tpu.memory_space<vmem>>, vector<16xi32>,
      %add3A_1235 = arith.constant 100 : i32
      %add3A_1236 = vector.broadcast %add3A_1235 : i32 to vector<16xi32>
      %add3A_1237 = arith.addi %get3A_1234, %add3A_1236 : vector<16xi32>
      %add3A_1238 = arith.constant 0 : i32
      %add3A_1239 = vector.broadcast %add3A_1238 : i32 to vector<16xi32>
      %add3A_1240 = arith.addi %iota3A, %add3A_1239 : vector<16xi32>
      tpu.vector_store_idx %arg5[%add3A_1237, %add3A_1240], %broadcast_in_dim3A_3 : memref<200x128xi32, #tpu.memory_space<vmem>>[vector<16xi32>, vector<16xi32>], vector<16xi32>,
      %mul3A_1241 = arith.constant 2 : i32
      %mul3A_1242 = arith.muli %mul3A_1241, %sub3A_1123 : i32
      %add3A_1243 = arith.constant 1 : i32
      %add3A_1244 = arith.addi %mul3A_1242, %add3A_1243 : i32
      %get3A_1245 = arith.index_cast %add3A_1244 : i32 to index
      %get3A_1246 = arith.constant 16 : index
      %get3A_1247 = tpu.vector_load %arg6[%get3A_1245, %get3A_1246] {strides = array<i32>} : memref<26x128xi32, #tpu.memory_space<vmem>>, vector<16xi32>,
      %add3A_1248 = arith.constant 100 : i32
      %add3A_1249 = vector.broadcast %add3A_1248 : i32 to vector<16xi32>
      %add3A_1250 = arith.addi %get3A_1247, %add3A_1249 : vector<16xi32>
      %add3A_1251 = arith.constant 16 : i32
      %add3A_1252 = vector.broadcast %add3A_1251 : i32 to vector<16xi32>
      %add3A_1253 = arith.addi %iota3A, %add3A_1252 : vector<16xi32>
      tpu.vector_store_idx %arg5[%add3A_1250, %add3A_1253], %broadcast_in_dim3A_3 : memref<200x128xi32, #tpu.memory_space<vmem>>[vector<16xi32>, vector<16xi32>], vector<16xi32>,
      %mul3A_1254 = arith.constant 2 : i32
      %mul3A_1255 = arith.muli %mul3A_1254, %sub3A_1123 : i32
      %add3A_1256 = arith.constant 1 : i32
      %add3A_1257 = arith.addi %mul3A_1255, %add3A_1256 : i32
      %get3A_1258 = arith.index_cast %add3A_1257 : i32 to index
      %get3A_1259 = arith.constant 32 : index
      %get3A_1260 = tpu.vector_load %arg6[%get3A_1258, %get3A_1259] {strides = array<i32>} : memref<26x128xi32, #tpu.memory_space<vmem>>, vector<16xi32>,
      %add3A_1261 = arith.constant 100 : i32
      %add3A_1262 = vector.broadcast %add3A_1261 : i32 to vector<16xi32>
      %add3A_1263 = arith.addi %get3A_1260, %add3A_1262 : vector<16xi32>
      %add3A_1264 = arith.constant 32 : i32
      %add3A_1265 = vector.broadcast %add3A_1264 : i32 to vector<16xi32>
      %add3A_1266 = arith.addi %iota3A, %add3A_1265 : vector<16xi32>
      tpu.vector_store_idx %arg5[%add3A_1263, %add3A_1266], %broadcast_in_dim3A_3 : memref<200x128xi32, #tpu.memory_space<vmem>>[vector<16xi32>, vector<16xi32>], vector<16xi32>,
      %mul3A_1267 = arith.constant 2 : i32
      %mul3A_1268 = arith.muli %mul3A_1267, %sub3A_1123 : i32
      %add3A_1269 = arith.constant 1 : i32
      %add3A_1270 = arith.addi %mul3A_1268, %add3A_1269 : i32
      %get3A_1271 = arith.index_cast %add3A_1270 : i32 to index
      %get3A_1272 = arith.constant 48 : index
      %get3A_1273 = tpu.vector_load %arg6[%get3A_1271, %get3A_1272] {strides = array<i32>} : memref<26x128xi32, #tpu.memory_space<vmem>>, vector<16xi32>,
      %add3A_1274 = arith.constant 100 : i32
      %add3A_1275 = vector.broadcast %add3A_1274 : i32 to vector<16xi32>
      %add3A_1276 = arith.addi %get3A_1273, %add3A_1275 : vector<16xi32>
      %add3A_1277 = arith.constant 48 : i32
      %add3A_1278 = vector.broadcast %add3A_1277 : i32 to vector<16xi32>
      %add3A_1279 = arith.addi %iota3A, %add3A_1278 : vector<16xi32>
      tpu.vector_store_idx %arg5[%add3A_1276, %add3A_1279], %broadcast_in_dim3A_3 : memref<200x128xi32, #tpu.memory_space<vmem>>[vector<16xi32>, vector<16xi32>], vector<16xi32>,
      %mul3A_1280 = arith.constant 2 : i32
      %mul3A_1281 = arith.muli %mul3A_1280, %sub3A_1123 : i32
      %add3A_1282 = arith.constant 1 : i32
      %add3A_1283 = arith.addi %mul3A_1281, %add3A_1282 : i32
      %get3A_1284 = arith.index_cast %add3A_1283 : i32 to index
      %get3A_1285 = arith.constant 64 : index
      %get3A_1286 = tpu.vector_load %arg6[%get3A_1284, %get3A_1285] {strides = array<i32>} : memref<26x128xi32, #tpu.memory_space<vmem>>, vector<16xi32>,
      %add3A_1287 = arith.constant 100 : i32
      %add3A_1288 = vector.broadcast %add3A_1287 : i32 to vector<16xi32>
      %add3A_1289 = arith.addi %get3A_1286, %add3A_1288 : vector<16xi32>
      %add3A_1290 = arith.constant 64 : i32
      %add3A_1291 = vector.broadcast %add3A_1290 : i32 to vector<16xi32>
      %add3A_1292 = arith.addi %iota3A, %add3A_1291 : vector<16xi32>
      tpu.vector_store_idx %arg5[%add3A_1289, %add3A_1292], %broadcast_in_dim3A_3 : memref<200x128xi32, #tpu.memory_space<vmem>>[vector<16xi32>, vector<16xi32>], vector<16xi32>,
      %mul3A_1293 = arith.constant 2 : i32
      %mul3A_1294 = arith.muli %mul3A_1293, %sub3A_1123 : i32
      %add3A_1295 = arith.constant 1 : i32
      %add3A_1296 = arith.addi %mul3A_1294, %add3A_1295 : i32
      %get3A_1297 = arith.index_cast %add3A_1296 : i32 to index
      %get3A_1298 = arith.constant 80 : index
      %get3A_1299 = tpu.vector_load %arg6[%get3A_1297, %get3A_1298] {strides = array<i32>} : memref<26x128xi32, #tpu.memory_space<vmem>>, vector<16xi32>,
      %add3A_1300 = arith.constant 100 : i32
      %add3A_1301 = vector.broadcast %add3A_1300 : i32 to vector<16xi32>
      %add3A_1302 = arith.addi %get3A_1299, %add3A_1301 : vector<16xi32>
      %add3A_1303 = arith.constant 80 : i32
      %add3A_1304 = vector.broadcast %add3A_1303 : i32 to vector<16xi32>
      %add3A_1305 = arith.addi %iota3A, %add3A_1304 : vector<16xi32>
      tpu.vector_store_idx %arg5[%add3A_1302, %add3A_1305], %broadcast_in_dim3A_3 : memref<200x128xi32, #tpu.memory_space<vmem>>[vector<16xi32>, vector<16xi32>], vector<16xi32>,
      %mul3A_1306 = arith.constant 2 : i32
      %mul3A_1307 = arith.muli %mul3A_1306, %sub3A_1123 : i32
      %add3A_1308 = arith.constant 1 : i32
      %add3A_1309 = arith.addi %mul3A_1307, %add3A_1308 : i32
      %get3A_1310 = arith.index_cast %add3A_1309 : i32 to index
      %get3A_1311 = arith.constant 96 : index
      %get3A_1312 = tpu.vector_load %arg6[%get3A_1310, %get3A_1311] {strides = array<i32>} : memref<26x128xi32, #tpu.memory_space<vmem>>, vector<16xi32>,
      %add3A_1313 = arith.constant 100 : i32
      %add3A_1314 = vector.broadcast %add3A_1313 : i32 to vector<16xi32>
      %add3A_1315 = arith.addi %get3A_1312, %add3A_1314 : vector<16xi32>
      %add3A_1316 = arith.constant 96 : i32
      %add3A_1317 = vector.broadcast %add3A_1316 : i32 to vector<16xi32>
      %add3A_1318 = arith.addi %iota3A, %add3A_1317 : vector<16xi32>
      tpu.vector_store_idx %arg5[%add3A_1315, %add3A_1318], %broadcast_in_dim3A_3 : memref<200x128xi32, #tpu.memory_space<vmem>>[vector<16xi32>, vector<16xi32>], vector<16xi32>,
      %mul3A_1319 = arith.constant 2 : i32
      %mul3A_1320 = arith.muli %mul3A_1319, %sub3A_1123 : i32
      %add3A_1321 = arith.constant 1 : i32
      %add3A_1322 = arith.addi %mul3A_1320, %add3A_1321 : i32
      %get3A_1323 = arith.index_cast %add3A_1322 : i32 to index
      %get3A_1324 = arith.constant 112 : index
      %get3A_1325 = tpu.vector_load %arg6[%get3A_1323, %get3A_1324] {strides = array<i32>} : memref<26x128xi32, #tpu.memory_space<vmem>>, vector<16xi32>,
      %add3A_1326 = arith.constant 100 : i32
      %add3A_1327 = vector.broadcast %add3A_1326 : i32 to vector<16xi32>
      %add3A_1328 = arith.addi %get3A_1325, %add3A_1327 : vector<16xi32>
      %add3A_1329 = arith.constant 112 : i32
      %add3A_1330 = vector.broadcast %add3A_1329 : i32 to vector<16xi32>
      %add3A_1331 = arith.addi %iota3A, %add3A_1330 : vector<16xi32>
      tpu.vector_store_idx %arg5[%add3A_1328, %add3A_1331], %broadcast_in_dim3A_3 : memref<200x128xi32, #tpu.memory_space<vmem>>[vector<16xi32>, vector<16xi32>], vector<16xi32>,
      %mul3A_1332 = arith.constant 2 : i32
      %mul3A_1333 = arith.muli %mul3A_1332, %add3A_1114 : i32
      %add3A_1334 = arith.constant 0 : i32
      %add3A_1335 = arith.addi %mul3A_1333, %add3A_1334 : i32
      %get3A_1336 = arith.index_cast %add3A_1335 : i32 to index
      %get3A_1337 = arith.constant 0 : index
      %get3A_1338 = tpu.vector_load %arg6[%get3A_1336, %get3A_1337] {strides = array<i32>} : memref<26x128xi32, #tpu.memory_space<vmem>>, vector<16xi32>,
      %add3A_1339 = arith.constant 0 : i32
      %add3A_1340 = vector.broadcast %add3A_1339 : i32 to vector<16xi32>
      %add3A_1341 = arith.addi %get3A_1338, %add3A_1340 : vector<16xi32>
      %add3A_1342 = arith.constant 0 : i32
      %add3A_1343 = vector.broadcast %add3A_1342 : i32 to vector<16xi32>
      %add3A_1344 = arith.addi %iota3A, %add3A_1343 : vector<16xi32>
      tpu.vector_store_idx %arg5[%add3A_1341, %add3A_1344], %broadcast_in_dim3A_5 : memref<200x128xi32, #tpu.memory_space<vmem>>[vector<16xi32>, vector<16xi32>], vector<16xi32>,
      %mul3A_1345 = arith.constant 2 : i32
      %mul3A_1346 = arith.muli %mul3A_1345, %add3A_1114 : i32
      %add3A_1347 = arith.constant 0 : i32
      %add3A_1348 = arith.addi %mul3A_1346, %add3A_1347 : i32
      %get3A_1349 = arith.index_cast %add3A_1348 : i32 to index
      %get3A_1350 = arith.constant 16 : index
      %get3A_1351 = tpu.vector_load %arg6[%get3A_1349, %get3A_1350] {strides = array<i32>} : memref<26x128xi32, #tpu.memory_space<vmem>>, vector<16xi32>,
      %add3A_1352 = arith.constant 0 : i32
      %add3A_1353 = vector.broadcast %add3A_1352 : i32 to vector<16xi32>
      %add3A_1354 = arith.addi %get3A_1351, %add3A_1353 : vector<16xi32>
      %add3A_1355 = arith.constant 16 : i32
      %add3A_1356 = vector.broadcast %add3A_1355 : i32 to vector<16xi32>
      %add3A_1357 = arith.addi %iota3A, %add3A_1356 : vector<16xi32>
      tpu.vector_store_idx %arg5[%add3A_1354, %add3A_1357], %broadcast_in_dim3A_5 : memref<200x128xi32, #tpu.memory_space<vmem>>[vector<16xi32>, vector<16xi32>], vector<16xi32>,
      %mul3A_1358 = arith.constant 2 : i32
      %mul3A_1359 = arith.muli %mul3A_1358, %add3A_1114 : i32
      %add3A_1360 = arith.constant 0 : i32
      %add3A_1361 = arith.addi %mul3A_1359, %add3A_1360 : i32
      %get3A_1362 = arith.index_cast %add3A_1361 : i32 to index
      %get3A_1363 = arith.constant 32 : index
      %get3A_1364 = tpu.vector_load %arg6[%get3A_1362, %get3A_1363] {strides = array<i32>} : memref<26x128xi32, #tpu.memory_space<vmem>>, vector<16xi32>,
      %add3A_1365 = arith.constant 0 : i32
      %add3A_1366 = vector.broadcast %add3A_1365 : i32 to vector<16xi32>
      %add3A_1367 = arith.addi %get3A_1364, %add3A_1366 : vector<16xi32>
      %add3A_1368 = arith.constant 32 : i32
      %add3A_1369 = vector.broadcast %add3A_1368 : i32 to vector<16xi32>
      %add3A_1370 = arith.addi %iota3A, %add3A_1369 : vector<16xi32>
      tpu.vector_store_idx %arg5[%add3A_1367, %add3A_1370], %broadcast_in_dim3A_5 : memref<200x128xi32, #tpu.memory_space<vmem>>[vector<16xi32>, vector<16xi32>], vector<16xi32>,
      %mul3A_1371 = arith.constant 2 : i32
      %mul3A_1372 = arith.muli %mul3A_1371, %add3A_1114 : i32
      %add3A_1373 = arith.constant 0 : i32
      %add3A_1374 = arith.addi %mul3A_1372, %add3A_1373 : i32
      %get3A_1375 = arith.index_cast %add3A_1374 : i32 to index
      %get3A_1376 = arith.constant 48 : index
      %get3A_1377 = tpu.vector_load %arg6[%get3A_1375, %get3A_1376] {strides = array<i32>} : memref<26x128xi32, #tpu.memory_space<vmem>>, vector<16xi32>,
      %add3A_1378 = arith.constant 0 : i32
      %add3A_1379 = vector.broadcast %add3A_1378 : i32 to vector<16xi32>
      %add3A_1380 = arith.addi %get3A_1377, %add3A_1379 : vector<16xi32>
      %add3A_1381 = arith.constant 48 : i32
      %add3A_1382 = vector.broadcast %add3A_1381 : i32 to vector<16xi32>
      %add3A_1383 = arith.addi %iota3A, %add3A_1382 : vector<16xi32>
      tpu.vector_store_idx %arg5[%add3A_1380, %add3A_1383], %broadcast_in_dim3A_5 : memref<200x128xi32, #tpu.memory_space<vmem>>[vector<16xi32>, vector<16xi32>], vector<16xi32>,
      %mul3A_1384 = arith.constant 2 : i32
      %mul3A_1385 = arith.muli %mul3A_1384, %add3A_1114 : i32
      %add3A_1386 = arith.constant 0 : i32
      %add3A_1387 = arith.addi %mul3A_1385, %add3A_1386 : i32
      %get3A_1388 = arith.index_cast %add3A_1387 : i32 to index
      %get3A_1389 = arith.constant 64 : index
      %get3A_1390 = tpu.vector_load %arg6[%get3A_1388, %get3A_1389] {strides = array<i32>} : memref<26x128xi32, #tpu.memory_space<vmem>>, vector<16xi32>,
      %add3A_1391 = arith.constant 0 : i32
      %add3A_1392 = vector.broadcast %add3A_1391 : i32 to vector<16xi32>
      %add3A_1393 = arith.addi %get3A_1390, %add3A_1392 : vector<16xi32>
      %add3A_1394 = arith.constant 64 : i32
      %add3A_1395 = vector.broadcast %add3A_1394 : i32 to vector<16xi32>
      %add3A_1396 = arith.addi %iota3A, %add3A_1395 : vector<16xi32>
      tpu.vector_store_idx %arg5[%add3A_1393, %add3A_1396], %broadcast_in_dim3A_5 : memref<200x128xi32, #tpu.memory_space<vmem>>[vector<16xi32>, vector<16xi32>], vector<16xi32>,
      %mul3A_1397 = arith.constant 2 : i32
      %mul3A_1398 = arith.muli %mul3A_1397, %add3A_1114 : i32
      %add3A_1399 = arith.constant 0 : i32
      %add3A_1400 = arith.addi %mul3A_1398, %add3A_1399 : i32
      %get3A_1401 = arith.index_cast %add3A_1400 : i32 to index
      %get3A_1402 = arith.constant 80 : index
      %get3A_1403 = tpu.vector_load %arg6[%get3A_1401, %get3A_1402] {strides = array<i32>} : memref<26x128xi32, #tpu.memory_space<vmem>>, vector<16xi32>,
      %add3A_1404 = arith.constant 0 : i32
      %add3A_1405 = vector.broadcast %add3A_1404 : i32 to vector<16xi32>
      %add3A_1406 = arith.addi %get3A_1403, %add3A_1405 : vector<16xi32>
      %add3A_1407 = arith.constant 80 : i32
      %add3A_1408 = vector.broadcast %add3A_1407 : i32 to vector<16xi32>
      %add3A_1409 = arith.addi %iota3A, %add3A_1408 : vector<16xi32>
      tpu.vector_store_idx %arg5[%add3A_1406, %add3A_1409], %broadcast_in_dim3A_5 : memref<200x128xi32, #tpu.memory_space<vmem>>[vector<16xi32>, vector<16xi32>], vector<16xi32>,
      %mul3A_1410 = arith.constant 2 : i32
      %mul3A_1411 = arith.muli %mul3A_1410, %add3A_1114 : i32
      %add3A_1412 = arith.constant 0 : i32
      %add3A_1413 = arith.addi %mul3A_1411, %add3A_1412 : i32
      %get3A_1414 = arith.index_cast %add3A_1413 : i32 to index
      %get3A_1415 = arith.constant 96 : index
      %get3A_1416 = tpu.vector_load %arg6[%get3A_1414, %get3A_1415] {strides = array<i32>} : memref<26x128xi32, #tpu.memory_space<vmem>>, vector<16xi32>,
      %add3A_1417 = arith.constant 0 : i32
      %add3A_1418 = vector.broadcast %add3A_1417 : i32 to vector<16xi32>
      %add3A_1419 = arith.addi %get3A_1416, %add3A_1418 : vector<16xi32>
      %add3A_1420 = arith.constant 96 : i32
      %add3A_1421 = vector.broadcast %add3A_1420 : i32 to vector<16xi32>
      %add3A_1422 = arith.addi %iota3A, %add3A_1421 : vector<16xi32>
      tpu.vector_store_idx %arg5[%add3A_1419, %add3A_1422], %broadcast_in_dim3A_5 : memref<200x128xi32, #tpu.memory_space<vmem>>[vector<16xi32>, vector<16xi32>], vector<16xi32>,
      %mul3A_1423 = arith.constant 2 : i32
      %mul3A_1424 = arith.muli %mul3A_1423, %add3A_1114 : i32
      %add3A_1425 = arith.constant 0 : i32
      %add3A_1426 = arith.addi %mul3A_1424, %add3A_1425 : i32
      %get3A_1427 = arith.index_cast %add3A_1426 : i32 to index
      %get3A_1428 = arith.constant 112 : index
      %get3A_1429 = tpu.vector_load %arg6[%get3A_1427, %get3A_1428] {strides = array<i32>} : memref<26x128xi32, #tpu.memory_space<vmem>>, vector<16xi32>,
      %add3A_1430 = arith.constant 0 : i32
      %add3A_1431 = vector.broadcast %add3A_1430 : i32 to vector<16xi32>
      %add3A_1432 = arith.addi %get3A_1429, %add3A_1431 : vector<16xi32>
      %add3A_1433 = arith.constant 112 : i32
      %add3A_1434 = vector.broadcast %add3A_1433 : i32 to vector<16xi32>
      %add3A_1435 = arith.addi %iota3A, %add3A_1434 : vector<16xi32>
      tpu.vector_store_idx %arg5[%add3A_1432, %add3A_1435], %broadcast_in_dim3A_5 : memref<200x128xi32, #tpu.memory_space<vmem>>[vector<16xi32>, vector<16xi32>], vector<16xi32>,
      %mul3A_1436 = arith.constant 2 : i32
      %mul3A_1437 = arith.muli %mul3A_1436, %add3A_1114 : i32
      %add3A_1438 = arith.constant 1 : i32
      %add3A_1439 = arith.addi %mul3A_1437, %add3A_1438 : i32
      %get3A_1440 = arith.index_cast %add3A_1439 : i32 to index
      %get3A_1441 = arith.constant 0 : index
      %get3A_1442 = tpu.vector_load %arg6[%get3A_1440, %get3A_1441] {strides = array<i32>} : memref<26x128xi32, #tpu.memory_space<vmem>>, vector<16xi32>,
      %add3A_1443 = arith.constant 100 : i32
      %add3A_1444 = vector.broadcast %add3A_1443 : i32 to vector<16xi32>
      %add3A_1445 = arith.addi %get3A_1442, %add3A_1444 : vector<16xi32>
      %add3A_1446 = arith.constant 0 : i32
      %add3A_1447 = vector.broadcast %add3A_1446 : i32 to vector<16xi32>
      %add3A_1448 = arith.addi %iota3A, %add3A_1447 : vector<16xi32>
      tpu.vector_store_idx %arg5[%add3A_1445, %add3A_1448], %broadcast_in_dim3A_5 : memref<200x128xi32, #tpu.memory_space<vmem>>[vector<16xi32>, vector<16xi32>], vector<16xi32>,
      %mul3A_1449 = arith.constant 2 : i32
      %mul3A_1450 = arith.muli %mul3A_1449, %add3A_1114 : i32
      %add3A_1451 = arith.constant 1 : i32
      %add3A_1452 = arith.addi %mul3A_1450, %add3A_1451 : i32
      %get3A_1453 = arith.index_cast %add3A_1452 : i32 to index
      %get3A_1454 = arith.constant 16 : index
      %get3A_1455 = tpu.vector_load %arg6[%get3A_1453, %get3A_1454] {strides = array<i32>} : memref<26x128xi32, #tpu.memory_space<vmem>>, vector<16xi32>,
      %add3A_1456 = arith.constant 100 : i32
      %add3A_1457 = vector.broadcast %add3A_1456 : i32 to vector<16xi32>
      %add3A_1458 = arith.addi %get3A_1455, %add3A_1457 : vector<16xi32>
      %add3A_1459 = arith.constant 16 : i32
      %add3A_1460 = vector.broadcast %add3A_1459 : i32 to vector<16xi32>
      %add3A_1461 = arith.addi %iota3A, %add3A_1460 : vector<16xi32>
      tpu.vector_store_idx %arg5[%add3A_1458, %add3A_1461], %broadcast_in_dim3A_5 : memref<200x128xi32, #tpu.memory_space<vmem>>[vector<16xi32>, vector<16xi32>], vector<16xi32>,
      %mul3A_1462 = arith.constant 2 : i32
      %mul3A_1463 = arith.muli %mul3A_1462, %add3A_1114 : i32
      %add3A_1464 = arith.constant 1 : i32
      %add3A_1465 = arith.addi %mul3A_1463, %add3A_1464 : i32
      %get3A_1466 = arith.index_cast %add3A_1465 : i32 to index
      %get3A_1467 = arith.constant 32 : index
      %get3A_1468 = tpu.vector_load %arg6[%get3A_1466, %get3A_1467] {strides = array<i32>} : memref<26x128xi32, #tpu.memory_space<vmem>>, vector<16xi32>,
      %add3A_1469 = arith.constant 100 : i32
      %add3A_1470 = vector.broadcast %add3A_1469 : i32 to vector<16xi32>
      %add3A_1471 = arith.addi %get3A_1468, %add3A_1470 : vector<16xi32>
      %add3A_1472 = arith.constant 32 : i32
      %add3A_1473 = vector.broadcast %add3A_1472 : i32 to vector<16xi32>
      %add3A_1474 = arith.addi %iota3A, %add3A_1473 : vector<16xi32>
      tpu.vector_store_idx %arg5[%add3A_1471, %add3A_1474], %broadcast_in_dim3A_5 : memref<200x128xi32, #tpu.memory_space<vmem>>[vector<16xi32>, vector<16xi32>], vector<16xi32>,
      %mul3A_1475 = arith.constant 2 : i32
      %mul3A_1476 = arith.muli %mul3A_1475, %add3A_1114 : i32
      %add3A_1477 = arith.constant 1 : i32
      %add3A_1478 = arith.addi %mul3A_1476, %add3A_1477 : i32
      %get3A_1479 = arith.index_cast %add3A_1478 : i32 to index
      %get3A_1480 = arith.constant 48 : index
      %get3A_1481 = tpu.vector_load %arg6[%get3A_1479, %get3A_1480] {strides = array<i32>} : memref<26x128xi32, #tpu.memory_space<vmem>>, vector<16xi32>,
      %add3A_1482 = arith.constant 100 : i32
      %add3A_1483 = vector.broadcast %add3A_1482 : i32 to vector<16xi32>
      %add3A_1484 = arith.addi %get3A_1481, %add3A_1483 : vector<16xi32>
      %add3A_1485 = arith.constant 48 : i32
      %add3A_1486 = vector.broadcast %add3A_1485 : i32 to vector<16xi32>
      %add3A_1487 = arith.addi %iota3A, %add3A_1486 : vector<16xi32>
      tpu.vector_store_idx %arg5[%add3A_1484, %add3A_1487], %broadcast_in_dim3A_5 : memref<200x128xi32, #tpu.memory_space<vmem>>[vector<16xi32>, vector<16xi32>], vector<16xi32>,
      %mul3A_1488 = arith.constant 2 : i32
      %mul3A_1489 = arith.muli %mul3A_1488, %add3A_1114 : i32
      %add3A_1490 = arith.constant 1 : i32
      %add3A_1491 = arith.addi %mul3A_1489, %add3A_1490 : i32
      %get3A_1492 = arith.index_cast %add3A_1491 : i32 to index
      %get3A_1493 = arith.constant 64 : index
      %get3A_1494 = tpu.vector_load %arg6[%get3A_1492, %get3A_1493] {strides = array<i32>} : memref<26x128xi32, #tpu.memory_space<vmem>>, vector<16xi32>,
      %add3A_1495 = arith.constant 100 : i32
      %add3A_1496 = vector.broadcast %add3A_1495 : i32 to vector<16xi32>
      %add3A_1497 = arith.addi %get3A_1494, %add3A_1496 : vector<16xi32>
      %add3A_1498 = arith.constant 64 : i32
      %add3A_1499 = vector.broadcast %add3A_1498 : i32 to vector<16xi32>
      %add3A_1500 = arith.addi %iota3A, %add3A_1499 : vector<16xi32>
      tpu.vector_store_idx %arg5[%add3A_1497, %add3A_1500], %broadcast_in_dim3A_5 : memref<200x128xi32, #tpu.memory_space<vmem>>[vector<16xi32>, vector<16xi32>], vector<16xi32>,
      %mul3A_1501 = arith.constant 2 : i32
      %mul3A_1502 = arith.muli %mul3A_1501, %add3A_1114 : i32
      %add3A_1503 = arith.constant 1 : i32
      %add3A_1504 = arith.addi %mul3A_1502, %add3A_1503 : i32
      %get3A_1505 = arith.index_cast %add3A_1504 : i32 to index
      %get3A_1506 = arith.constant 80 : index
      %get3A_1507 = tpu.vector_load %arg6[%get3A_1505, %get3A_1506] {strides = array<i32>} : memref<26x128xi32, #tpu.memory_space<vmem>>, vector<16xi32>,
      %add3A_1508 = arith.constant 100 : i32
      %add3A_1509 = vector.broadcast %add3A_1508 : i32 to vector<16xi32>
      %add3A_1510 = arith.addi %get3A_1507, %add3A_1509 : vector<16xi32>
      %add3A_1511 = arith.constant 80 : i32
      %add3A_1512 = vector.broadcast %add3A_1511 : i32 to vector<16xi32>
      %add3A_1513 = arith.addi %iota3A, %add3A_1512 : vector<16xi32>
      tpu.vector_store_idx %arg5[%add3A_1510, %add3A_1513], %broadcast_in_dim3A_5 : memref<200x128xi32, #tpu.memory_space<vmem>>[vector<16xi32>, vector<16xi32>], vector<16xi32>,
      %mul3A_1514 = arith.constant 2 : i32
      %mul3A_1515 = arith.muli %mul3A_1514, %add3A_1114 : i32
      %add3A_1516 = arith.constant 1 : i32
      %add3A_1517 = arith.addi %mul3A_1515, %add3A_1516 : i32
      %get3A_1518 = arith.index_cast %add3A_1517 : i32 to index
      %get3A_1519 = arith.constant 96 : index
      %get3A_1520 = tpu.vector_load %arg6[%get3A_1518, %get3A_1519] {strides = array<i32>} : memref<26x128xi32, #tpu.memory_space<vmem>>, vector<16xi32>,
      %add3A_1521 = arith.constant 100 : i32
      %add3A_1522 = vector.broadcast %add3A_1521 : i32 to vector<16xi32>
      %add3A_1523 = arith.addi %get3A_1520, %add3A_1522 : vector<16xi32>
      %add3A_1524 = arith.constant 96 : i32
      %add3A_1525 = vector.broadcast %add3A_1524 : i32 to vector<16xi32>
      %add3A_1526 = arith.addi %iota3A, %add3A_1525 : vector<16xi32>
      tpu.vector_store_idx %arg5[%add3A_1523, %add3A_1526], %broadcast_in_dim3A_5 : memref<200x128xi32, #tpu.memory_space<vmem>>[vector<16xi32>, vector<16xi32>], vector<16xi32>,
      %mul3A_1527 = arith.constant 2 : i32
      %mul3A_1528 = arith.muli %mul3A_1527, %add3A_1114 : i32
      %add3A_1529 = arith.constant 1 : i32
      %add3A_1530 = arith.addi %mul3A_1528, %add3A_1529 : i32
      %get3A_1531 = arith.index_cast %add3A_1530 : i32 to index
      %get3A_1532 = arith.constant 112 : index
      %get3A_1533 = tpu.vector_load %arg6[%get3A_1531, %get3A_1532] {strides = array<i32>} : memref<26x128xi32, #tpu.memory_space<vmem>>, vector<16xi32>,
      %add3A_1534 = arith.constant 100 : i32
      %add3A_1535 = vector.broadcast %add3A_1534 : i32 to vector<16xi32>
      %add3A_1536 = arith.addi %get3A_1533, %add3A_1535 : vector<16xi32>
      %add3A_1537 = arith.constant 112 : i32
      %add3A_1538 = vector.broadcast %add3A_1537 : i32 to vector<16xi32>
      %add3A_1539 = arith.addi %iota3A, %add3A_1538 : vector<16xi32>
      tpu.vector_store_idx %arg5[%add3A_1536, %add3A_1539], %broadcast_in_dim3A_5 : memref<200x128xi32, #tpu.memory_space<vmem>>[vector<16xi32>, vector<16xi32>], vector<16xi32>,
      %mul3A_1540 = arith.constant 200 : i32
      %mul3A_1541 = arith.muli %add3A_1114, %mul3A_1540 : i32
      %multiple_of3A_1542 = tpu.assume_multiple %mul3A_1541, 200 : i32
      %dma_start3A_1543 = tpu.memref_slice %arg3[%multiple_of3A_1542, %mul3A_2] : memref<2600x4096xi32, #tpu.memory_space<hbm>> -> memref<200x128xi32, #tpu.memory_space<hbm>>
      %dma_start3A_1544 = tpu.memref_slice %arg3[%multiple_of3A_1542, %mul3A_2] : memref<2600x4096xi32, #tpu.memory_space<hbm>> -> memref<200x128xi32, #tpu.memory_space<hbm>>
      tpu.enqueue_dma source(%arg5 : memref<200x128xi32, #tpu.memory_space<vmem>>) target(%dma_start3A_1544 : memref<200x128xi32, #tpu.memory_space<hbm>>) target_semaphore(%arg8 : memref<!tpu.dma_semaphore, #tpu.memory_space<semaphore_mem>>)
    }
    %scan3A_341 = arith.constant 5 : i32
    %multiple_of3A_342 = arith.constant 2000 : i32
    %multiple_of3A_343 = tpu.assume_multiple %multiple_of3A_342, 200 : i32
    %dma_wait3A = tpu.memref_slice %arg3[%multiple_of3A_343, %mul3A_2] : memref<2600x4096xi32, #tpu.memory_space<hbm>> -> memref<200x128xi32, #tpu.memory_space<hbm>>
    %dma_wait3A_344 = tpu.memref_slice %arg3[%multiple_of3A_343, %mul3A_2] : memref<2600x4096xi32, #tpu.memory_space<hbm>> -> memref<200x128xi32, #tpu.memory_space<hbm>>
    tpu.wait_dma2 semaphore(%arg7 : memref<!tpu.dma_semaphore, #tpu.memory_space<semaphore_mem>>) src(%arg4 : memref<200x128xi32, #tpu.memory_space<vmem>>) dst(%dma_wait3A_344 : memref<200x128xi32, #tpu.memory_space<hbm>>)
    %get3A_345 = arith.constant 20 : i32
    %get3A_346 = arith.index_cast %get3A_345 : i32 to index
    %get3A_347 = arith.constant 0 : index
    %get3A_348 = tpu.vector_load %arg6[%get3A_346, %get3A_347] {strides = array<i32>} : memref<26x128xi32, #tpu.memory_space<vmem>>, vector<16xi32>,
    %add3A_349 = arith.constant 0 : i32
    %add3A_350 = vector.broadcast %add3A_349 : i32 to vector<16xi32>
    %add3A_351 = arith.addi %get3A_348, %add3A_350 : vector<16xi32>
    %add3A_352 = arith.constant 0 : i32
    %add3A_353 = vector.broadcast %add3A_352 : i32 to vector<16xi32>
    %add3A_354 = arith.addi %iota3A, %add3A_353 : vector<16xi32>
    tpu.vector_store_idx %arg4[%add3A_351, %add3A_354], %broadcast_in_dim3A_3 : memref<200x128xi32, #tpu.memory_space<vmem>>[vector<16xi32>, vector<16xi32>], vector<16xi32>,
    %get3A_355 = arith.constant 20 : i32
    %get3A_356 = arith.index_cast %get3A_355 : i32 to index
    %get3A_357 = arith.constant 16 : index
    %get3A_358 = tpu.vector_load %arg6[%get3A_356, %get3A_357] {strides = array<i32>} : memref<26x128xi32, #tpu.memory_space<vmem>>, vector<16xi32>,
    %add3A_359 = arith.constant 0 : i32
    %add3A_360 = vector.broadcast %add3A_359 : i32 to vector<16xi32>
    %add3A_361 = arith.addi %get3A_358, %add3A_360 : vector<16xi32>
    %add3A_362 = arith.constant 16 : i32
    %add3A_363 = vector.broadcast %add3A_362 : i32 to vector<16xi32>
    %add3A_364 = arith.addi %iota3A, %add3A_363 : vector<16xi32>
    tpu.vector_store_idx %arg4[%add3A_361, %add3A_364], %broadcast_in_dim3A_3 : memref<200x128xi32, #tpu.memory_space<vmem>>[vector<16xi32>, vector<16xi32>], vector<16xi32>,
    %get3A_365 = arith.constant 20 : i32
    %get3A_366 = arith.index_cast %get3A_365 : i32 to index
    %get3A_367 = arith.constant 32 : index
    %get3A_368 = tpu.vector_load %arg6[%get3A_366, %get3A_367] {strides = array<i32>} : memref<26x128xi32, #tpu.memory_space<vmem>>, vector<16xi32>,
    %add3A_369 = arith.constant 0 : i32
    %add3A_370 = vector.broadcast %add3A_369 : i32 to vector<16xi32>
    %add3A_371 = arith.addi %get3A_368, %add3A_370 : vector<16xi32>
    %add3A_372 = arith.constant 32 : i32
    %add3A_373 = vector.broadcast %add3A_372 : i32 to vector<16xi32>
    %add3A_374 = arith.addi %iota3A, %add3A_373 : vector<16xi32>
    tpu.vector_store_idx %arg4[%add3A_371, %add3A_374], %broadcast_in_dim3A_3 : memref<200x128xi32, #tpu.memory_space<vmem>>[vector<16xi32>, vector<16xi32>], vector<16xi32>,
    %get3A_375 = arith.constant 20 : i32
    %get3A_376 = arith.index_cast %get3A_375 : i32 to index
    %get3A_377 = arith.constant 48 : index
    %get3A_378 = tpu.vector_load %arg6[%get3A_376, %get3A_377] {strides = array<i32>} : memref<26x128xi32, #tpu.memory_space<vmem>>, vector<16xi32>,
    %add3A_379 = arith.constant 0 : i32
    %add3A_380 = vector.broadcast %add3A_379 : i32 to vector<16xi32>
    %add3A_381 = arith.addi %get3A_378, %add3A_380 : vector<16xi32>
    %add3A_382 = arith.constant 48 : i32
    %add3A_383 = vector.broadcast %add3A_382 : i32 to vector<16xi32>
    %add3A_384 = arith.addi %iota3A, %add3A_383 : vector<16xi32>
    tpu.vector_store_idx %arg4[%add3A_381, %add3A_384], %broadcast_in_dim3A_3 : memref<200x128xi32, #tpu.memory_space<vmem>>[vector<16xi32>, vector<16xi32>], vector<16xi32>,
    %get3A_385 = arith.constant 20 : i32
    %get3A_386 = arith.index_cast %get3A_385 : i32 to index
    %get3A_387 = arith.constant 64 : index
    %get3A_388 = tpu.vector_load %arg6[%get3A_386, %get3A_387] {strides = array<i32>} : memref<26x128xi32, #tpu.memory_space<vmem>>, vector<16xi32>,
    %add3A_389 = arith.constant 0 : i32
    %add3A_390 = vector.broadcast %add3A_389 : i32 to vector<16xi32>
    %add3A_391 = arith.addi %get3A_388, %add3A_390 : vector<16xi32>
    %add3A_392 = arith.constant 64 : i32
    %add3A_393 = vector.broadcast %add3A_392 : i32 to vector<16xi32>
    %add3A_394 = arith.addi %iota3A, %add3A_393 : vector<16xi32>
    tpu.vector_store_idx %arg4[%add3A_391, %add3A_394], %broadcast_in_dim3A_3 : memref<200x128xi32, #tpu.memory_space<vmem>>[vector<16xi32>, vector<16xi32>], vector<16xi32>,
    %get3A_395 = arith.constant 20 : i32
    %get3A_396 = arith.index_cast %get3A_395 : i32 to index
    %get3A_397 = arith.constant 80 : index
    %get3A_398 = tpu.vector_load %arg6[%get3A_396, %get3A_397] {strides = array<i32>} : memref<26x128xi32, #tpu.memory_space<vmem>>, vector<16xi32>,
    %add3A_399 = arith.constant 0 : i32
    %add3A_400 = vector.broadcast %add3A_399 : i32 to vector<16xi32>
    %add3A_401 = arith.addi %get3A_398, %add3A_400 : vector<16xi32>
    %add3A_402 = arith.constant 80 : i32
    %add3A_403 = vector.broadcast %add3A_402 : i32 to vector<16xi32>
    %add3A_404 = arith.addi %iota3A, %add3A_403 : vector<16xi32>
    tpu.vector_store_idx %arg4[%add3A_401, %add3A_404], %broadcast_in_dim3A_3 : memref<200x128xi32, #tpu.memory_space<vmem>>[vector<16xi32>, vector<16xi32>], vector<16xi32>,
    %get3A_405 = arith.constant 20 : i32
    %get3A_406 = arith.index_cast %get3A_405 : i32 to index
    %get3A_407 = arith.constant 96 : index
    %get3A_408 = tpu.vector_load %arg6[%get3A_406, %get3A_407] {strides = array<i32>} : memref<26x128xi32, #tpu.memory_space<vmem>>, vector<16xi32>,
    %add3A_409 = arith.constant 0 : i32
    %add3A_410 = vector.broadcast %add3A_409 : i32 to vector<16xi32>
    %add3A_411 = arith.addi %get3A_408, %add3A_410 : vector<16xi32>
    %add3A_412 = arith.constant 96 : i32
    %add3A_413 = vector.broadcast %add3A_412 : i32 to vector<16xi32>
    %add3A_414 = arith.addi %iota3A, %add3A_413 : vector<16xi32>
    tpu.vector_store_idx %arg4[%add3A_411, %add3A_414], %broadcast_in_dim3A_3 : memref<200x128xi32, #tpu.memory_space<vmem>>[vector<16xi32>, vector<16xi32>], vector<16xi32>,
    %get3A_415 = arith.constant 20 : i32
    %get3A_416 = arith.index_cast %get3A_415 : i32 to index
    %get3A_417 = arith.constant 112 : index
    %get3A_418 = tpu.vector_load %arg6[%get3A_416, %get3A_417] {strides = array<i32>} : memref<26x128xi32, #tpu.memory_space<vmem>>, vector<16xi32>,
    %add3A_419 = arith.constant 0 : i32
    %add3A_420 = vector.broadcast %add3A_419 : i32 to vector<16xi32>
    %add3A_421 = arith.addi %get3A_418, %add3A_420 : vector<16xi32>
    %add3A_422 = arith.constant 112 : i32
    %add3A_423 = vector.broadcast %add3A_422 : i32 to vector<16xi32>
    %add3A_424 = arith.addi %iota3A, %add3A_423 : vector<16xi32>
    tpu.vector_store_idx %arg4[%add3A_421, %add3A_424], %broadcast_in_dim3A_3 : memref<200x128xi32, #tpu.memory_space<vmem>>[vector<16xi32>, vector<16xi32>], vector<16xi32>,
    %get3A_425 = arith.constant 21 : i32
    %get3A_426 = arith.index_cast %get3A_425 : i32 to index
    %get3A_427 = arith.constant 0 : index
    %get3A_428 = tpu.vector_load %arg6[%get3A_426, %get3A_427] {strides = array<i32>} : memref<26x128xi32, #tpu.memory_space<vmem>>, vector<16xi32>,
    %add3A_429 = arith.constant 100 : i32
    %add3A_430 = vector.broadcast %add3A_429 : i32 to vector<16xi32>
    %add3A_431 = arith.addi %get3A_428, %add3A_430 : vector<16xi32>
    %add3A_432 = arith.constant 0 : i32
    %add3A_433 = vector.broadcast %add3A_432 : i32 to vector<16xi32>
    %add3A_434 = arith.addi %iota3A, %add3A_433 : vector<16xi32>
    tpu.vector_store_idx %arg4[%add3A_431, %add3A_434], %broadcast_in_dim3A_3 : memref<200x128xi32, #tpu.memory_space<vmem>>[vector<16xi32>, vector<16xi32>], vector<16xi32>,
    %get3A_435 = arith.constant 21 : i32
    %get3A_436 = arith.index_cast %get3A_435 : i32 to index
    %get3A_437 = arith.constant 16 : index
    %get3A_438 = tpu.vector_load %arg6[%get3A_436, %get3A_437] {strides = array<i32>} : memref<26x128xi32, #tpu.memory_space<vmem>>, vector<16xi32>,
    %add3A_439 = arith.constant 100 : i32
    %add3A_440 = vector.broadcast %add3A_439 : i32 to vector<16xi32>
    %add3A_441 = arith.addi %get3A_438, %add3A_440 : vector<16xi32>
    %add3A_442 = arith.constant 16 : i32
    %add3A_443 = vector.broadcast %add3A_442 : i32 to vector<16xi32>
    %add3A_444 = arith.addi %iota3A, %add3A_443 : vector<16xi32>
    tpu.vector_store_idx %arg4[%add3A_441, %add3A_444], %broadcast_in_dim3A_3 : memref<200x128xi32, #tpu.memory_space<vmem>>[vector<16xi32>, vector<16xi32>], vector<16xi32>,
    %get3A_445 = arith.constant 21 : i32
    %get3A_446 = arith.index_cast %get3A_445 : i32 to index
    %get3A_447 = arith.constant 32 : index
    %get3A_448 = tpu.vector_load %arg6[%get3A_446, %get3A_447] {strides = array<i32>} : memref<26x128xi32, #tpu.memory_space<vmem>>, vector<16xi32>,
    %add3A_449 = arith.constant 100 : i32
    %add3A_450 = vector.broadcast %add3A_449 : i32 to vector<16xi32>
    %add3A_451 = arith.addi %get3A_448, %add3A_450 : vector<16xi32>
    %add3A_452 = arith.constant 32 : i32
    %add3A_453 = vector.broadcast %add3A_452 : i32 to vector<16xi32>
    %add3A_454 = arith.addi %iota3A, %add3A_453 : vector<16xi32>
    tpu.vector_store_idx %arg4[%add3A_451, %add3A_454], %broadcast_in_dim3A_3 : memref<200x128xi32, #tpu.memory_space<vmem>>[vector<16xi32>, vector<16xi32>], vector<16xi32>,
    %get3A_455 = arith.constant 21 : i32
    %get3A_456 = arith.index_cast %get3A_455 : i32 to index
    %get3A_457 = arith.constant 48 : index
    %get3A_458 = tpu.vector_load %arg6[%get3A_456, %get3A_457] {strides = array<i32>} : memref<26x128xi32, #tpu.memory_space<vmem>>, vector<16xi32>,
    %add3A_459 = arith.constant 100 : i32
    %add3A_460 = vector.broadcast %add3A_459 : i32 to vector<16xi32>
    %add3A_461 = arith.addi %get3A_458, %add3A_460 : vector<16xi32>
    %add3A_462 = arith.constant 48 : i32
    %add3A_463 = vector.broadcast %add3A_462 : i32 to vector<16xi32>
    %add3A_464 = arith.addi %iota3A, %add3A_463 : vector<16xi32>
    tpu.vector_store_idx %arg4[%add3A_461, %add3A_464], %broadcast_in_dim3A_3 : memref<200x128xi32, #tpu.memory_space<vmem>>[vector<16xi32>, vector<16xi32>], vector<16xi32>,
    %get3A_465 = arith.constant 21 : i32
    %get3A_466 = arith.index_cast %get3A_465 : i32 to index
    %get3A_467 = arith.constant 64 : index
    %get3A_468 = tpu.vector_load %arg6[%get3A_466, %get3A_467] {strides = array<i32>} : memref<26x128xi32, #tpu.memory_space<vmem>>, vector<16xi32>,
    %add3A_469 = arith.constant 100 : i32
    %add3A_470 = vector.broadcast %add3A_469 : i32 to vector<16xi32>
    %add3A_471 = arith.addi %get3A_468, %add3A_470 : vector<16xi32>
    %add3A_472 = arith.constant 64 : i32
    %add3A_473 = vector.broadcast %add3A_472 : i32 to vector<16xi32>
    %add3A_474 = arith.addi %iota3A, %add3A_473 : vector<16xi32>
    tpu.vector_store_idx %arg4[%add3A_471, %add3A_474], %broadcast_in_dim3A_3 : memref<200x128xi32, #tpu.memory_space<vmem>>[vector<16xi32>, vector<16xi32>], vector<16xi32>,
    %get3A_475 = arith.constant 21 : i32
    %get3A_476 = arith.index_cast %get3A_475 : i32 to index
    %get3A_477 = arith.constant 80 : index
    %get3A_478 = tpu.vector_load %arg6[%get3A_476, %get3A_477] {strides = array<i32>} : memref<26x128xi32, #tpu.memory_space<vmem>>, vector<16xi32>,
    %add3A_479 = arith.constant 100 : i32
    %add3A_480 = vector.broadcast %add3A_479 : i32 to vector<16xi32>
    %add3A_481 = arith.addi %get3A_478, %add3A_480 : vector<16xi32>
    %add3A_482 = arith.constant 80 : i32
    %add3A_483 = vector.broadcast %add3A_482 : i32 to vector<16xi32>
    %add3A_484 = arith.addi %iota3A, %add3A_483 : vector<16xi32>
    tpu.vector_store_idx %arg4[%add3A_481, %add3A_484], %broadcast_in_dim3A_3 : memref<200x128xi32, #tpu.memory_space<vmem>>[vector<16xi32>, vector<16xi32>], vector<16xi32>,
    %get3A_485 = arith.constant 21 : i32
    %get3A_486 = arith.index_cast %get3A_485 : i32 to index
    %get3A_487 = arith.constant 96 : index
    %get3A_488 = tpu.vector_load %arg6[%get3A_486, %get3A_487] {strides = array<i32>} : memref<26x128xi32, #tpu.memory_space<vmem>>, vector<16xi32>,
    %add3A_489 = arith.constant 100 : i32
    %add3A_490 = vector.broadcast %add3A_489 : i32 to vector<16xi32>
    %add3A_491 = arith.addi %get3A_488, %add3A_490 : vector<16xi32>
    %add3A_492 = arith.constant 96 : i32
    %add3A_493 = vector.broadcast %add3A_492 : i32 to vector<16xi32>
    %add3A_494 = arith.addi %iota3A, %add3A_493 : vector<16xi32>
    tpu.vector_store_idx %arg4[%add3A_491, %add3A_494], %broadcast_in_dim3A_3 : memref<200x128xi32, #tpu.memory_space<vmem>>[vector<16xi32>, vector<16xi32>], vector<16xi32>,
    %get3A_495 = arith.constant 21 : i32
    %get3A_496 = arith.index_cast %get3A_495 : i32 to index
    %get3A_497 = arith.constant 112 : index
    %get3A_498 = tpu.vector_load %arg6[%get3A_496, %get3A_497] {strides = array<i32>} : memref<26x128xi32, #tpu.memory_space<vmem>>, vector<16xi32>,
    %add3A_499 = arith.constant 100 : i32
    %add3A_500 = vector.broadcast %add3A_499 : i32 to vector<16xi32>
    %add3A_501 = arith.addi %get3A_498, %add3A_500 : vector<16xi32>
    %add3A_502 = arith.constant 112 : i32
    %add3A_503 = vector.broadcast %add3A_502 : i32 to vector<16xi32>
    %add3A_504 = arith.addi %iota3A, %add3A_503 : vector<16xi32>
    tpu.vector_store_idx %arg4[%add3A_501, %add3A_504], %broadcast_in_dim3A_3 : memref<200x128xi32, #tpu.memory_space<vmem>>[vector<16xi32>, vector<16xi32>], vector<16xi32>,
    %get3A_505 = arith.constant 24 : i32
    %get3A_506 = arith.index_cast %get3A_505 : i32 to index
    %get3A_507 = arith.constant 0 : index
    %get3A_508 = tpu.vector_load %arg6[%get3A_506, %get3A_507] {strides = array<i32>} : memref<26x128xi32, #tpu.memory_space<vmem>>, vector<16xi32>,
    %add3A_509 = arith.constant 0 : i32
    %add3A_510 = vector.broadcast %add3A_509 : i32 to vector<16xi32>
    %add3A_511 = arith.addi %get3A_508, %add3A_510 : vector<16xi32>
    %add3A_512 = arith.constant 0 : i32
    %add3A_513 = vector.broadcast %add3A_512 : i32 to vector<16xi32>
    %add3A_514 = arith.addi %iota3A, %add3A_513 : vector<16xi32>
    tpu.vector_store_idx %arg4[%add3A_511, %add3A_514], %broadcast_in_dim3A_5 : memref<200x128xi32, #tpu.memory_space<vmem>>[vector<16xi32>, vector<16xi32>], vector<16xi32>,
    %get3A_515 = arith.constant 24 : i32
    %get3A_516 = arith.index_cast %get3A_515 : i32 to index
    %get3A_517 = arith.constant 16 : index
    %get3A_518 = tpu.vector_load %arg6[%get3A_516, %get3A_517] {strides = array<i32>} : memref<26x128xi32, #tpu.memory_space<vmem>>, vector<16xi32>,
    %add3A_519 = arith.constant 0 : i32
    %add3A_520 = vector.broadcast %add3A_519 : i32 to vector<16xi32>
    %add3A_521 = arith.addi %get3A_518, %add3A_520 : vector<16xi32>
    %add3A_522 = arith.constant 16 : i32
    %add3A_523 = vector.broadcast %add3A_522 : i32 to vector<16xi32>
    %add3A_524 = arith.addi %iota3A, %add3A_523 : vector<16xi32>
    tpu.vector_store_idx %arg4[%add3A_521, %add3A_524], %broadcast_in_dim3A_5 : memref<200x128xi32, #tpu.memory_space<vmem>>[vector<16xi32>, vector<16xi32>], vector<16xi32>,
    %get3A_525 = arith.constant 24 : i32
    %get3A_526 = arith.index_cast %get3A_525 : i32 to index
    %get3A_527 = arith.constant 32 : index
    %get3A_528 = tpu.vector_load %arg6[%get3A_526, %get3A_527] {strides = array<i32>} : memref<26x128xi32, #tpu.memory_space<vmem>>, vector<16xi32>,
    %add3A_529 = arith.constant 0 : i32
    %add3A_530 = vector.broadcast %add3A_529 : i32 to vector<16xi32>
    %add3A_531 = arith.addi %get3A_528, %add3A_530 : vector<16xi32>
    %add3A_532 = arith.constant 32 : i32
    %add3A_533 = vector.broadcast %add3A_532 : i32 to vector<16xi32>
    %add3A_534 = arith.addi %iota3A, %add3A_533 : vector<16xi32>
    tpu.vector_store_idx %arg4[%add3A_531, %add3A_534], %broadcast_in_dim3A_5 : memref<200x128xi32, #tpu.memory_space<vmem>>[vector<16xi32>, vector<16xi32>], vector<16xi32>,
    %get3A_535 = arith.constant 24 : i32
    %get3A_536 = arith.index_cast %get3A_535 : i32 to index
    %get3A_537 = arith.constant 48 : index
    %get3A_538 = tpu.vector_load %arg6[%get3A_536, %get3A_537] {strides = array<i32>} : memref<26x128xi32, #tpu.memory_space<vmem>>, vector<16xi32>,
    %add3A_539 = arith.constant 0 : i32
    %add3A_540 = vector.broadcast %add3A_539 : i32 to vector<16xi32>
    %add3A_541 = arith.addi %get3A_538, %add3A_540 : vector<16xi32>
    %add3A_542 = arith.constant 48 : i32
    %add3A_543 = vector.broadcast %add3A_542 : i32 to vector<16xi32>
    %add3A_544 = arith.addi %iota3A, %add3A_543 : vector<16xi32>
    tpu.vector_store_idx %arg4[%add3A_541, %add3A_544], %broadcast_in_dim3A_5 : memref<200x128xi32, #tpu.memory_space<vmem>>[vector<16xi32>, vector<16xi32>], vector<16xi32>,
    %get3A_545 = arith.constant 24 : i32
    %get3A_546 = arith.index_cast %get3A_545 : i32 to index
    %get3A_547 = arith.constant 64 : index
    %get3A_548 = tpu.vector_load %arg6[%get3A_546, %get3A_547] {strides = array<i32>} : memref<26x128xi32, #tpu.memory_space<vmem>>, vector<16xi32>,
    %add3A_549 = arith.constant 0 : i32
    %add3A_550 = vector.broadcast %add3A_549 : i32 to vector<16xi32>
    %add3A_551 = arith.addi %get3A_548, %add3A_550 : vector<16xi32>
    %add3A_552 = arith.constant 64 : i32
    %add3A_553 = vector.broadcast %add3A_552 : i32 to vector<16xi32>
    %add3A_554 = arith.addi %iota3A, %add3A_553 : vector<16xi32>
    tpu.vector_store_idx %arg4[%add3A_551, %add3A_554], %broadcast_in_dim3A_5 : memref<200x128xi32, #tpu.memory_space<vmem>>[vector<16xi32>, vector<16xi32>], vector<16xi32>,
    %get3A_555 = arith.constant 24 : i32
    %get3A_556 = arith.index_cast %get3A_555 : i32 to index
    %get3A_557 = arith.constant 80 : index
    %get3A_558 = tpu.vector_load %arg6[%get3A_556, %get3A_557] {strides = array<i32>} : memref<26x128xi32, #tpu.memory_space<vmem>>, vector<16xi32>,
    %add3A_559 = arith.constant 0 : i32
    %add3A_560 = vector.broadcast %add3A_559 : i32 to vector<16xi32>
    %add3A_561 = arith.addi %get3A_558, %add3A_560 : vector<16xi32>
    %add3A_562 = arith.constant 80 : i32
    %add3A_563 = vector.broadcast %add3A_562 : i32 to vector<16xi32>
    %add3A_564 = arith.addi %iota3A, %add3A_563 : vector<16xi32>
    tpu.vector_store_idx %arg4[%add3A_561, %add3A_564], %broadcast_in_dim3A_5 : memref<200x128xi32, #tpu.memory_space<vmem>>[vector<16xi32>, vector<16xi32>], vector<16xi32>,
    %get3A_565 = arith.constant 24 : i32
    %get3A_566 = arith.index_cast %get3A_565 : i32 to index
    %get3A_567 = arith.constant 96 : index
    %get3A_568 = tpu.vector_load %arg6[%get3A_566, %get3A_567] {strides = array<i32>} : memref<26x128xi32, #tpu.memory_space<vmem>>, vector<16xi32>,
    %add3A_569 = arith.constant 0 : i32
    %add3A_570 = vector.broadcast %add3A_569 : i32 to vector<16xi32>
    %add3A_571 = arith.addi %get3A_568, %add3A_570 : vector<16xi32>
    %add3A_572 = arith.constant 96 : i32
    %add3A_573 = vector.broadcast %add3A_572 : i32 to vector<16xi32>
    %add3A_574 = arith.addi %iota3A, %add3A_573 : vector<16xi32>
    tpu.vector_store_idx %arg4[%add3A_571, %add3A_574], %broadcast_in_dim3A_5 : memref<200x128xi32, #tpu.memory_space<vmem>>[vector<16xi32>, vector<16xi32>], vector<16xi32>,
    %get3A_575 = arith.constant 24 : i32
    %get3A_576 = arith.index_cast %get3A_575 : i32 to index
    %get3A_577 = arith.constant 112 : index
    %get3A_578 = tpu.vector_load %arg6[%get3A_576, %get3A_577] {strides = array<i32>} : memref<26x128xi32, #tpu.memory_space<vmem>>, vector<16xi32>,
    %add3A_579 = arith.constant 0 : i32
    %add3A_580 = vector.broadcast %add3A_579 : i32 to vector<16xi32>
    %add3A_581 = arith.addi %get3A_578, %add3A_580 : vector<16xi32>
    %add3A_582 = arith.constant 112 : i32
    %add3A_583 = vector.broadcast %add3A_582 : i32 to vector<16xi32>
    %add3A_584 = arith.addi %iota3A, %add3A_583 : vector<16xi32>
    tpu.vector_store_idx %arg4[%add3A_581, %add3A_584], %broadcast_in_dim3A_5 : memref<200x128xi32, #tpu.memory_space<vmem>>[vector<16xi32>, vector<16xi32>], vector<16xi32>,
    %get3A_585 = arith.constant 25 : i32
    %get3A_586 = arith.index_cast %get3A_585 : i32 to index
    %get3A_587 = arith.constant 0 : index
    %get3A_588 = tpu.vector_load %arg6[%get3A_586, %get3A_587] {strides = array<i32>} : memref<26x128xi32, #tpu.memory_space<vmem>>, vector<16xi32>,
    %add3A_589 = arith.constant 100 : i32
    %add3A_590 = vector.broadcast %add3A_589 : i32 to vector<16xi32>
    %add3A_591 = arith.addi %get3A_588, %add3A_590 : vector<16xi32>
    %add3A_592 = arith.constant 0 : i32
    %add3A_593 = vector.broadcast %add3A_592 : i32 to vector<16xi32>
    %add3A_594 = arith.addi %iota3A, %add3A_593 : vector<16xi32>
    tpu.vector_store_idx %arg4[%add3A_591, %add3A_594], %broadcast_in_dim3A_5 : memref<200x128xi32, #tpu.memory_space<vmem>>[vector<16xi32>, vector<16xi32>], vector<16xi32>,
    %get3A_595 = arith.constant 25 : i32
    %get3A_596 = arith.index_cast %get3A_595 : i32 to index
    %get3A_597 = arith.constant 16 : index
    %get3A_598 = tpu.vector_load %arg6[%get3A_596, %get3A_597] {strides = array<i32>} : memref<26x128xi32, #tpu.memory_space<vmem>>, vector<16xi32>,
    %add3A_599 = arith.constant 100 : i32
    %add3A_600 = vector.broadcast %add3A_599 : i32 to vector<16xi32>
    %add3A_601 = arith.addi %get3A_598, %add3A_600 : vector<16xi32>
    %add3A_602 = arith.constant 16 : i32
    %add3A_603 = vector.broadcast %add3A_602 : i32 to vector<16xi32>
    %add3A_604 = arith.addi %iota3A, %add3A_603 : vector<16xi32>
    tpu.vector_store_idx %arg4[%add3A_601, %add3A_604], %broadcast_in_dim3A_5 : memref<200x128xi32, #tpu.memory_space<vmem>>[vector<16xi32>, vector<16xi32>], vector<16xi32>,
    %get3A_605 = arith.constant 25 : i32
    %get3A_606 = arith.index_cast %get3A_605 : i32 to index
    %get3A_607 = arith.constant 32 : index
    %get3A_608 = tpu.vector_load %arg6[%get3A_606, %get3A_607] {strides = array<i32>} : memref<26x128xi32, #tpu.memory_space<vmem>>, vector<16xi32>,
    %add3A_609 = arith.constant 100 : i32
    %add3A_610 = vector.broadcast %add3A_609 : i32 to vector<16xi32>
    %add3A_611 = arith.addi %get3A_608, %add3A_610 : vector<16xi32>
    %add3A_612 = arith.constant 32 : i32
    %add3A_613 = vector.broadcast %add3A_612 : i32 to vector<16xi32>
    %add3A_614 = arith.addi %iota3A, %add3A_613 : vector<16xi32>
    tpu.vector_store_idx %arg4[%add3A_611, %add3A_614], %broadcast_in_dim3A_5 : memref<200x128xi32, #tpu.memory_space<vmem>>[vector<16xi32>, vector<16xi32>], vector<16xi32>,
    %get3A_615 = arith.constant 25 : i32
    %get3A_616 = arith.index_cast %get3A_615 : i32 to index
    %get3A_617 = arith.constant 48 : index
    %get3A_618 = tpu.vector_load %arg6[%get3A_616, %get3A_617] {strides = array<i32>} : memref<26x128xi32, #tpu.memory_space<vmem>>, vector<16xi32>,
    %add3A_619 = arith.constant 100 : i32
    %add3A_620 = vector.broadcast %add3A_619 : i32 to vector<16xi32>
    %add3A_621 = arith.addi %get3A_618, %add3A_620 : vector<16xi32>
    %add3A_622 = arith.constant 48 : i32
    %add3A_623 = vector.broadcast %add3A_622 : i32 to vector<16xi32>
    %add3A_624 = arith.addi %iota3A, %add3A_623 : vector<16xi32>
    tpu.vector_store_idx %arg4[%add3A_621, %add3A_624], %broadcast_in_dim3A_5 : memref<200x128xi32, #tpu.memory_space<vmem>>[vector<16xi32>, vector<16xi32>], vector<16xi32>,
    %get3A_625 = arith.constant 25 : i32
    %get3A_626 = arith.index_cast %get3A_625 : i32 to index
    %get3A_627 = arith.constant 64 : index
    %get3A_628 = tpu.vector_load %arg6[%get3A_626, %get3A_627] {strides = array<i32>} : memref<26x128xi32, #tpu.memory_space<vmem>>, vector<16xi32>,
    %add3A_629 = arith.constant 100 : i32
    %add3A_630 = vector.broadcast %add3A_629 : i32 to vector<16xi32>
    %add3A_631 = arith.addi %get3A_628, %add3A_630 : vector<16xi32>
    %add3A_632 = arith.constant 64 : i32
    %add3A_633 = vector.broadcast %add3A_632 : i32 to vector<16xi32>
    %add3A_634 = arith.addi %iota3A, %add3A_633 : vector<16xi32>
    tpu.vector_store_idx %arg4[%add3A_631, %add3A_634], %broadcast_in_dim3A_5 : memref<200x128xi32, #tpu.memory_space<vmem>>[vector<16xi32>, vector<16xi32>], vector<16xi32>,
    %get3A_635 = arith.constant 25 : i32
    %get3A_636 = arith.index_cast %get3A_635 : i32 to index
    %get3A_637 = arith.constant 80 : index
    %get3A_638 = tpu.vector_load %arg6[%get3A_636, %get3A_637] {strides = array<i32>} : memref<26x128xi32, #tpu.memory_space<vmem>>, vector<16xi32>,
    %add3A_639 = arith.constant 100 : i32
    %add3A_640 = vector.broadcast %add3A_639 : i32 to vector<16xi32>
    %add3A_641 = arith.addi %get3A_638, %add3A_640 : vector<16xi32>
    %add3A_642 = arith.constant 80 : i32
    %add3A_643 = vector.broadcast %add3A_642 : i32 to vector<16xi32>
    %add3A_644 = arith.addi %iota3A, %add3A_643 : vector<16xi32>
    tpu.vector_store_idx %arg4[%add3A_641, %add3A_644], %broadcast_in_dim3A_5 : memref<200x128xi32, #tpu.memory_space<vmem>>[vector<16xi32>, vector<16xi32>], vector<16xi32>,
    %get3A_645 = arith.constant 25 : i32
    %get3A_646 = arith.index_cast %get3A_645 : i32 to index
    %get3A_647 = arith.constant 96 : index
    %get3A_648 = tpu.vector_load %arg6[%get3A_646, %get3A_647] {strides = array<i32>} : memref<26x128xi32, #tpu.memory_space<vmem>>, vector<16xi32>,
    %add3A_649 = arith.constant 100 : i32
    %add3A_650 = vector.broadcast %add3A_649 : i32 to vector<16xi32>
    %add3A_651 = arith.addi %get3A_648, %add3A_650 : vector<16xi32>
    %add3A_652 = arith.constant 96 : i32
    %add3A_653 = vector.broadcast %add3A_652 : i32 to vector<16xi32>
    %add3A_654 = arith.addi %iota3A, %add3A_653 : vector<16xi32>
    tpu.vector_store_idx %arg4[%add3A_651, %add3A_654], %broadcast_in_dim3A_5 : memref<200x128xi32, #tpu.memory_space<vmem>>[vector<16xi32>, vector<16xi32>], vector<16xi32>,
    %get3A_655 = arith.constant 25 : i32
    %get3A_656 = arith.index_cast %get3A_655 : i32 to index
    %get3A_657 = arith.constant 112 : index
    %get3A_658 = tpu.vector_load %arg6[%get3A_656, %get3A_657] {strides = array<i32>} : memref<26x128xi32, #tpu.memory_space<vmem>>, vector<16xi32>,
    %add3A_659 = arith.constant 100 : i32
    %add3A_660 = vector.broadcast %add3A_659 : i32 to vector<16xi32>
    %add3A_661 = arith.addi %get3A_658, %add3A_660 : vector<16xi32>
    %add3A_662 = arith.constant 112 : i32
    %add3A_663 = vector.broadcast %add3A_662 : i32 to vector<16xi32>
    %add3A_664 = arith.addi %iota3A, %add3A_663 : vector<16xi32>
    tpu.vector_store_idx %arg4[%add3A_661, %add3A_664], %broadcast_in_dim3A_5 : memref<200x128xi32, #tpu.memory_space<vmem>>[vector<16xi32>, vector<16xi32>], vector<16xi32>,
    %multiple_of3A_665 = arith.constant 2400 : i32
    %multiple_of3A_666 = tpu.assume_multiple %multiple_of3A_665, 200 : i32
    %dma_start3A_667 = tpu.memref_slice %arg3[%multiple_of3A_666, %mul3A_2] : memref<2600x4096xi32, #tpu.memory_space<hbm>> -> memref<200x128xi32, #tpu.memory_space<hbm>>
    %dma_start3A_668 = tpu.memref_slice %arg3[%multiple_of3A_666, %mul3A_2] : memref<2600x4096xi32, #tpu.memory_space<hbm>> -> memref<200x128xi32, #tpu.memory_space<hbm>>
    tpu.enqueue_dma source(%arg4 : memref<200x128xi32, #tpu.memory_space<vmem>>) target(%dma_start3A_668 : memref<200x128xi32, #tpu.memory_space<hbm>>) target_semaphore(%arg7 : memref<!tpu.dma_semaphore, #tpu.memory_space<semaphore_mem>>)
    %multiple_of3A_669 = arith.constant 2200 : i32
    %multiple_of3A_670 = tpu.assume_multiple %multiple_of3A_669, 200 : i32
    %dma_wait3A_671 = tpu.memref_slice %arg3[%multiple_of3A_670, %mul3A_2] : memref<2600x4096xi32, #tpu.memory_space<hbm>> -> memref<200x128xi32, #tpu.memory_space<hbm>>
    %dma_wait3A_672 = tpu.memref_slice %arg3[%multiple_of3A_670, %mul3A_2] : memref<2600x4096xi32, #tpu.memory_space<hbm>> -> memref<200x128xi32, #tpu.memory_space<hbm>>
    tpu.wait_dma2 semaphore(%arg8 : memref<!tpu.dma_semaphore, #tpu.memory_space<semaphore_mem>>) src(%arg5 : memref<200x128xi32, #tpu.memory_space<vmem>>) dst(%dma_wait3A_672 : memref<200x128xi32, #tpu.memory_space<hbm>>)
    %multiple_of3A_673 = arith.constant 2400 : i32
    %multiple_of3A_674 = tpu.assume_multiple %multiple_of3A_673, 200 : i32
    %dma_wait3A_675 = tpu.memref_slice %arg3[%multiple_of3A_674, %mul3A_2] : memref<2600x4096xi32, #tpu.memory_space<hbm>> -> memref<200x128xi32, #tpu.memory_space<hbm>>
    %dma_wait3A_676 = tpu.memref_slice %arg3[%multiple_of3A_674, %mul3A_2] : memref<2600x4096xi32, #tpu.memory_space<hbm>> -> memref<200x128xi32, #tpu.memory_space<hbm>>
    tpu.wait_dma2 semaphore(%arg7 : memref<!tpu.dma_semaphore, #tpu.memory_space<semaphore_mem>>) src(%arg4 : memref<200x128xi32, #tpu.memory_space<vmem>>) dst(%dma_wait3A_676 : memref<200x128xi32, #tpu.memory_space<hbm>>)
    return
  }
}

</mosaic_0001>

<sc_bundles>
// kernel: kernel.3.cloned.1.call-start
scs
__scs_entry_jumppad:
0x0: {  	(pc) =	sbr.rel $0x88, $3  }
0x1: {  	(tag) =	ssettag $0x0;
	lr =	simm.s32 $0x1  }
0x2: {  	[smem:$0x3FA0] =	sst lr;
	_ =	strace $0xD0000000  }
0x3: {  	_ = 	snop  }
0x4: {  	_ = 	snop  }
0x5: {  	_ = 	snop  }
0x6: {  	_ = 	snop  }
0x7: {  	_ = 	snop  }
__scs_overlays_trampoline_lowered:
0x8: {  	[smem:$0x3FAF] =	sst s0  }
0x9: {  	[smem:$0x3FB0] =	sst s1  }
0xa: {  	[smem:$0x3FB1] =	sst s2  }
0xb: {  	[smem:$0x3FB2] =	sst s3  }
0xc: {  	[smem:$0x3FB3] =	sst s4  }
0xd: {  	[smem:$0x3FB4] =	sst s5  }
0xe: {  	[smem:$0x3FB5] =	sst s6  }
0xf: {  	[smem:$0x3FB6] =	sst s7  }
0x10: {  	[smem:$0x3FB7] =	sst s8  }
0x11: {  	[smem:$0x3FB8] =	sst s9;
	s0 =	simm.s32 @!p0 $0x0  }
0x12: {  	s1 =	sld [smem:$0x3F9E];
	s0 =	simm.s32 @p0 $0x1  }
0x13: {  	[smem:$0x3FB9] =	sst s0;
	s0 =	simm.s32 @!p1 $0x0  }
0x14: {  	s2 =	sld [smem:$0x3F9D];
	s0 =	simm.s32 @p1 $0x1  }
0x15: {  	[smem:$0x3FBA] =	sst s0;
	s0 =	simm.s32 @!p2 $0x0  }
0x16: {  	s3 =	sld [smem:$0x3FDB];
	s0 =	simm.s32 @p2 $0x1  }
0x17: {  	s4 =	simm.s32 $0x1BF5;
	[smem:$0x3FBC] =	sst s0  }
0x18: {  	s0 =	sld [smem:$0x3F9F];
	_ =	swait.ge [sflag:s4], $0x0  }
0x19: {  	s7 =	sld [smem:$0x3FA0]  }
0x1a: {  	s8 =	sadd.s32 $0xFFFFE003, lr  }
0x1b: {  	s9 =	sadd.s32 $0xFFFFFEF7, lr;
	s5 =	simm.s32 $0xFFFFFFFF;
	p2 =	slt.u32 s8, $0xFFFFF086  }
0x1c: {  	p1 =	slt.u32 s9, $0xF7A;
	s5 =	simm.s32 @!p2 $0x0  }
0x1d: {  	s5 =	simm.s32 @p1 $0x1;
	p0 =	seq.s32 s7, s2  }
0x1e: {  	s7 =	smul.u32 @!p0 $0xF7A, s2;
	p2 =	seq.s32 @!p0 s5, $0x0  }
0x1f: {  	s9 =	smul.u32 $0xF7A, s1;
	s8 =	simm.s32 @!p0 $0x1BF5;
	p2 =	por !p2, p0  }
0x20: {  	[sflag:s8] =	ssyncset.s32 @!p0 $0xFFFFF086;
	s6 =	sadd.s32 @!p0 s3, s7;
	s7 =	simm.s32 @!p0 $0x108  }
0x21: {  	s3 =	sadd.s32 s3, s9;
	s6 =	sadd.s32 @!p0 $0x88, s6;
	s7 =	simm.s32 @p2 $0x1082  }
0x22: {  	[simem:s7], [sflag:s8] =	dma.local @!p0 [hbm:s6], $0xF7A  }
0x23: {  	s9 =	sor.u32 $0xD0000000, s2;
	s6 =	simm.s32 $0x108;
	_ =	swait.ge @!p0 [sflag:s8], $0x0  }
0x24: {  	s3 =	sadd.s32 $0x88, s3;
	s6 =	simm.s32 @!p1 $0x1082;
	[sflag:s4] =	ssyncset.s32 $0xFFFFF086  }
0x25: {  	[simem:s6], [sflag:s4] =	dma.local [hbm:s3], $0xF7A  }
0x26: {  	[smem:$0x3FA0] =	sst s1;
	(tag) =	ssettag s2;
	_ =	strace s9  }
0x27: {  	s1 =	sld [smem:$0x3FB0]  }
0x28: {  	s2 =	sld [smem:$0x3FB1]  }
0x29: {  	s4 =	sld [smem:$0x3FB3]  }
0x2a: {  	p0 =	seq.s32 s5, $0x0;
	s5 =	sld [smem:$0x3FB4]  }
0x2b: {  	s6 =	sld [smem:$0x3FB5]  }
0x2c: {  	s7 =	sld [smem:$0x3FB6]  }
0x2d: {  	s3 =	simm.s32 $0x108;
	s8 =	sld [smem:$0x3FB7]  }
0x2e: {  	s3 =	simm.s32 @!p0 $0x1082;
	s9 =	sld [smem:$0x3FB8]  }
0x2f: {  	lr =	sadd.s32 s0, s3;
	s0 =	sld [smem:$0x3FAF]  }
0x30: {  	s3 =	sld [smem:$0x3FB2]  }
0x31: {  	[smem:$0x3FBB] =	sst s10  }
0x32: {  	s10 =	sld [smem:$0x3FB9];
	_ =	sdelay $0x3  }
0x33: {  	p0 =	seq.s32 s10, $0x1;
	s10 =	sld [smem:$0x3FBB];
	_ =	sdelay $0x3  }
0x34: {  	[smem:$0x3FBB] =	sst s10  }
0x35: {  	s10 =	sld [smem:$0x3FBA];
	_ =	sdelay $0x3  }
0x36: {  	p1 =	seq.s32 s10, $0x1;
	s10 =	sld [smem:$0x3FBB];
	_ =	sdelay $0x3  }
0x37: {  	[smem:$0x3FBB] =	sst s10  }
0x38: {  	s10 =	sld [smem:$0x3FBC]  }
0x39: {  	_ = 	snop;
	(pc) =	sbr.ind lr, $3  }
0x3a: {  	_ = 	snop  }
0x3b: {  	_ = 	snop  }
0x3c: {  	p2 =	seq.s32 s10, $0x1;
	s10 =	sld [smem:$0x3FBB]  }
0x3d: {  	_ =	shalt  }
0x3e: {  	_ =	shalt  }
0x3f: {  	_ =	shalt  }
0x40: {  	_ =	shalt  }
0x41: {  	_ =	shalt  }
0x42: {  	_ =	shalt  }
0x43: {  	_ =	shalt  }
0x44: {  	_ =	shalt  }
0x45: {  	_ =	shalt  }
0x46: {  	_ =	shalt  }
0x47: {  	_ =	shalt  }
0x48: {  	_ =	shalt  }
0x49: {  	_ =	shalt  }
0x4a: {  	_ =	shalt  }
0x4b: {  	_ =	shalt  }
0x4c: {  	_ =	shalt  }
0x4d: {  	_ =	shalt  }
0x4e: {  	_ =	shalt  }
0x4f: {  	_ =	shalt  }
0x50: {  	_ =	shalt  }
0x51: {  	_ =	shalt  }
0x52: {  	_ =	shalt  }
0x53: {  	_ =	shalt  }
0x54: {  	_ =	shalt  }
0x55: {  	_ =	shalt  }
0x56: {  	_ =	shalt  }
0x57: {  	_ =	shalt  }
0x58: {  	_ =	shalt  }
0x59: {  	_ =	shalt  }
0x5a: {  	_ =	shalt  }
0x5b: {  	_ =	shalt  }
0x5c: {  	_ =	shalt  }
0x5d: {  	_ =	shalt  }
0x5e: {  	_ =	shalt  }
0x5f: {  	_ =	shalt  }
0x60: {  	_ =	shalt  }
0x61: {  	_ =	shalt  }
0x62: {  	_ =	shalt  }
0x63: {  	_ =	shalt  }
0x64: {  	_ =	shalt  }
0x65: {  	_ =	shalt  }
0x66: {  	_ =	shalt  }
0x67: {  	_ =	shalt  }
0x68: {  	_ =	shalt  }
0x69: {  	_ =	shalt  }
0x6a: {  	_ =	shalt  }
0x6b: {  	_ =	shalt  }
0x6c: {  	_ =	shalt  }
0x6d: {  	_ =	shalt  }
0x6e: {  	_ =	shalt  }
0x6f: {  	_ =	shalt  }
0x70: {  	_ =	shalt  }
0x71: {  	_ =	shalt  }
0x72: {  	_ =	shalt  }
0x73: {  	_ =	shalt  }
0x74: {  	_ =	shalt  }
0x75: {  	_ =	shalt  }
0x76: {  	_ =	shalt  }
0x77: {  	_ =	shalt  }
0x78: {  	_ =	shalt  }
0x79: {  	_ =	shalt  }
0x7a: {  	_ =	shalt  }
0x7b: {  	_ =	shalt  }
0x7c: {  	_ =	shalt  }
0x7d: {  	_ =	shalt  }
0x7e: {  	_ =	shalt  }
0x7f: {  	_ =	shalt  }
0x80: {  	_ =	shalt  }
0x81: {  	_ =	shalt  }
0x82: {  	_ =	shalt  }
0x83: {  	_ =	shalt  }
0x84: {  	_ =	shalt  }
0x85: {  	_ =	shalt  }
0x86: {  	_ =	shalt  }
0x87: {  	_ =	shalt  }
.Lfunc_end0:
.L_simem_size_0:
called_computation_lowered:
.L_overlay_start_0:
0x88: {  	s2 =	sld [smem:$0x3FD9]  }
0x89: {  	s3 =	sld [smem:$0x3FFE];
	_ =	sdelay $0x1  }
0x8a: {  	s1 =	srdreg.scid  }
0x8b: {  	s0 =	sand.u32 $0x1, s1  }
0x8c: {  	s18 =	sshll.u32 s0, $0xA;
	s2 =	sadd.s32 s3, s2  }
0x8d: {  	s2 =	sadd.s32 s2, s18  }
0x8e: {  	[smem:$0x3FC7] =	sst s2  }
0x8f: {  	_ = 	snop  }
0x90: {  	s2 =	sld [smem:$0x3FC9]  }
0x91: {  	s19 =	sld [smem:$0x3FD0];
	(tm) =	ssettm $0x1  }
0x92: {  	s4 =	sld [smem:$0x3FFB];
	_ =	sdelay $0x3  }
0x93: {  	_ =	strace s4  }
0x94: {  	s4 =	sld [smem:$0x3FFC];
	_ =	sdelay $0x3  }
0x95: {  	_ =	strace s4  }
0x96: {  	s4 =	sld [smem:$0x3FFD];
	_ =	sdelay $0x3  }
0x97: {  	_ =	strace s4  }
0x98: {  	_ =	strace $0x8FFFFFFF  }
0x99: {  	s20 =	sld [smem:$0x3FDB];
	_ =	sdelay $0x1  }
0x9a: {  	s5 =	simm.s32 $_scs_section_size  }
0x9b: {  	s6 =	simm.s32 $_size__tile_overlayer_lowered;
	s7 =	simm.s32 $_tile_overlayer_lowered  }
0x9c: {  	s23 =	simm.s32 $0x1BFF;
	s22 =	sshll.u32 s7, $0x1;
	s4 =	sadd.s32 s5, s20  }
0x9d: {  	s8 =	simm.s32 $0x0;
	s21 =	sshll.u32 s6, $0x1;
	s6 =	sadd.s32 s22, s4  }
0x9e: {  	[timem:s8], [sflag:s23] =	dma.local [hbm:s6], s21  }
0x9f: {  	_ =	swait.ge [sflag:s23], s21  }
0xa0: {  	s5 =	ssub.s32 $0x0, s21;
	[sflag:s23] =	ssyncset.done $0x0  }
0xa1: {  	[sflag:s23] =	ssyncadd.s32 s5;
	_ =	sdelay $0x1  }
0xa2: {  	s24 =	simm.s32 $0x1B8B  }
0xa3: {  	_ =	swait.ge [sflag:s24], $0x1  }
0xa4: {  	[sflag:s24] =	ssyncset.done $0x0  }
0xa5: {  	s25 =	simm.s32 $0x1B8E;
	[sflag:s24] =	ssyncadd.s32 $0xFFFFFFFF  }
0xa6: {  	s26 =	simm.s32 $execute0_lowered;
	[smem:$0x3FD2] =	sst s25  }
0xa7: {  	s5 =	sshll.u32 s26, $0x1;
	_ =	strace $0x80000046;
	[dreg:$0x1] =	wrdreg $0xFFFFFFFF  }
0xa8: {  	s28 =	simm.s32 $_size_execute0_lowered;
	s4 =	sadd.s32 s4, s5;
	[dreg:$0x0] =	wrdreg $0x0  }
0xa9: {  	s5 =	sshll.u32 s28, $0x1;
	[dreg:$0x2] =	wrdreg s4  }
0xaa: {  	[dreg:$0x3] =	wrdreg s5  }
0xab: {  	[dreg:$0x4] =	wrdreg $0xC0  }
0xac: {  	_ =	task [dreg:s8], $0x5FFFF  }
0xad: {  	[dreg:$0x1] =	wrdreg $0xFFFFFFFF  }
0xae: {  	[dreg:$0x0] =	wrdreg $0x60  }
0xaf: {  	[dreg:$0x2] =	wrdreg s2  }
0xb0: {  	[dreg:$0x3] =	wrdreg s19  }
0xb1: {  	[dreg:$0x4] =	wrdreg $0x9  }
0xb2: {  	_ =	task.clear_ibuf [dreg:s8], $0x5FFFF;
	_ =	strace $0x90000046  }
0xb3: {  	s29 =	simm.s32 $0x9;
	_ =	strace $0x80000048  }
0xb4: {  	_ =	swait.ge [sflag:s29], $0x1  }
0xb5: {  	[sflag:s29] =	ssyncadd.s32 $0xFFFFFFFF  }
0xb6: {  	_ =	strace $0x90000048  }
0xb7: {  	_ =	sfence  }
0xb8: {  	s30 =	sld [smem:$0x0];
	_ =	sdelay $0x2  }
0xb9: {  	s31 =	sshll.u32 s1, $0xD;
	s1 =	sshrl.u32 s1, $0x2  }
0xba: {  	s3 =	sand.u32 $0x4000, s31;
	s1 =	sadd.s32 s1, s30  }
0xbb: {  	s0 =	sor.u32 s3, s0;
	s1 =	sshll.u32 s1, $0x11  }
0xbc: {  	s0 =	sor.u32 s1, s0  }
0xbd: {  	s0 =	sadd.s32 $0x8F2B, s0  }
0xbe: {  	[sflag:s0] =	ssyncadd.remote.s32 $0x1  }
0xbf: {  	_ =	sfence.sel $0xFFFF  }
0xc0: {  	[dreg:$0x0] =	wrdreg $0xFFFFFFFF;
	(pc) =	sbr.abs _section_cstart, $3  }
0xc1: {  	[dreg:$0x1] =	wrdreg $0xFFFFFFFF  }
0xc2: {  	_ =	task.clear_ibuf [dreg:s8], $0x2FFFF;
	_ =	strace $0x9FFFFFFF  }
0xc3: {  	(tm) =	ssettm $0x7FFFFFFF  }
tec
execute0_lowered:
.L_overlay_start_1:
0x0: {  	(tag) =	ssettag $0x1  }
0x1: {  	s4 =	rddreg [dreg:$0x0];
	s0 =	srdreg.scid  }
0x2: {  	s2 =	rddreg [dreg:$0x1];
	s1 =	stileid.u32;
	s3 =	simm.s32 $0x0  }
0x3: {  	s12 =	simm.s32 $0x400;
	s13 =	simm.s32 $0x8000;
	s14 =	simm.s32 $0xC800  }
0x4: {  	s15 =	simm.s32 $0xD400;
	s16 =	simm.s32 $0x3;
	s17 =	simm.s32 $0x6400  }
0x5: {  	s18 =	simm.s32 $0x1;
	s19 =	simm.s32 $0x2;
	s20 =	simm.s32 $0x0  }
0x6: {  	s5 =	sand.u32 $0x1, s0;
	s0 =	rddreg [dreg:$0x2];
	s6 =	sshll.u32 s1, $0xB  }
0x7: {  	v0 =	vimm.s32 $0x0;
	v1 =	vlaneseq.u32;
	v2 =	vimm.s32 $0x1;
	[smem:$0x7FF] =	sst s3;
	s7 =	sshll.u32 s5, $0xA;
	s5 =	ssub.s32 $0x2, s5  }
0x8: {  	v3 =	vor.u32 $0x10, v1;
	v4 =	vor.u32 $0x20, v1;
	v5 =	vor.u32 $0x30, v1;
	_ =	strace $0x80000047;
	s11 =	sor.u32 s7, s6;
	s31 =	sshrl.u32 s5, $0x1  }
0x9: {  	v6 =	vor.u32 $0x40, v1;
	v7 =	vor.u32 $0x50, v1;
	v8 =	vor.u32 $0x60, v1;
	s7 =	sshrl.u32 s11, $0x3;
	s9 =	ssub.s32 s5, s31;
	s10 =	sor.u32 $0x258000, s11  }
0xa: {  	v9 =	vor.u32 $0x70, v1;
	v10 =	vor.u32 $0x3200, v1;
	v11 =	vor.u32 $0x3210, v1;
	s11 =	sor.u32 $0x190000, s11;
	s4 =	sadd.s32 s4, s7;
	s6 =	sadd.s32 s2, s7  }
0xb: {  	v12 =	vor.u32 $0x3220, v1;
	v13 =	vor.u32 $0x3230, v1;
	v14 =	vor.u32 $0x3240, v1;
	s10 =	sshrl.u32 s10, $0x3;
	s9 =	smax.u32 s9, $0x1;
	s5 =	sadd.s32 $0x3000, s4  }
0xc: {  	v15 =	vor.u32 $0x3250, v1;
	v16 =	vor.u32 $0x3260, v1;
	v17 =	vor.u32 $0x3270, v1;
	s7 =	sadd.s32 $0x19000, s6;
	s8 =	sadd.s32 $0x12C000, s6;
	s10 =	sadd.s32 s10, s2  }
.LBB2_1:
0xd: {  	[tilespmem:s14], [sflag:$0x3] =	stream.strided.gather [hbm4b:s4+s12], $0xC00, s13, s12, $0x38;
	[tilespmem:$0xD800] =	vst v63  }
0xe: {  	_ = 	snop  }
0xf: {  	[tilespmem:s15], [sflag:$0x3] =	stream.linear.gather [hbm4b:s5+s3], $0x100, $0x38;
	[tilespmem:$0xD800] =	vst v63  }
0x10: {  	_ =	swait.ge [sflag:s16], $0xD00  }
0x11: {  	[sflag:s16] =	ssyncset.done $0x0  }
0x12: {  	s21 =	simm.s32 $0x0;
	s22 =	simm.s32 $0x800;
	[sflag:s16] =	ssyncadd.s32 $0xFFFFF300  }
.LBB2_2:
0x13: {  	p0 =	sne.s32 s22, $0x18800;
	[tilespmem:s21+$0x65F0] =	vst v0  }
0x14: {  	[tilespmem:s21+$0x0] =	vst v0  }
0x15: {  	[tilespmem:s21+$0x6400] =	vst v0  }
0x16: {  	[tilespmem:s21+$0x10] =	vst v0  }
0x17: {  	[tilespmem:s21+$0x6410] =	vst v0  }
0x18: {  	[tilespmem:s21+$0x20] =	vst v0  }
0x19: {  	[tilespmem:s21+$0x6420] =	vst v0  }
0x1a: {  	[tilespmem:s21+$0x30] =	vst v0  }
0x1b: {  	[tilespmem:s21+$0x6430] =	vst v0  }
0x1c: {  	[tilespmem:s21+$0x40] =	vst v0  }
0x1d: {  	[tilespmem:s21+$0x6440] =	vst v0  }
0x1e: {  	[tilespmem:s21+$0x50] =	vst v0  }
0x1f: {  	[tilespmem:s21+$0x6450] =	vst v0  }
0x20: {  	[tilespmem:s21+$0x60] =	vst v0  }
0x21: {  	[tilespmem:s21+$0x6460] =	vst v0  }
0x22: {  	[tilespmem:s21+$0x70] =	vst v0  }
0x23: {  	[tilespmem:s21+$0x6470] =	vst v0  }
0x24: {  	[tilespmem:s21+$0x80] =	vst v0  }
0x25: {  	[tilespmem:s21+$0x6480] =	vst v0  }
0x26: {  	[tilespmem:s21+$0x90] =	vst v0  }
0x27: {  	[tilespmem:s21+$0x6490] =	vst v0  }
0x28: {  	[tilespmem:s21+$0xA0] =	vst v0  }
0x29: {  	[tilespmem:s21+$0x64A0] =	vst v0  }
0x2a: {  	[tilespmem:s21+$0xB0] =	vst v0  }
0x2b: {  	[tilespmem:s21+$0x64B0] =	vst v0  }
0x2c: {  	[tilespmem:s21+$0xC0] =	vst v0  }
0x2d: {  	[tilespmem:s21+$0x64C0] =	vst v0  }
0x2e: {  	[tilespmem:s21+$0xD0] =	vst v0  }
0x2f: {  	[tilespmem:s21+$0x64D0] =	vst v0  }
0x30: {  	[tilespmem:s21+$0xE0] =	vst v0  }
0x31: {  	[tilespmem:s21+$0x64E0] =	vst v0  }
0x32: {  	[tilespmem:s21+$0xF0] =	vst v0  }
0x33: {  	[tilespmem:s21+$0x64F0] =	vst v0  }
0x34: {  	[tilespmem:s21+$0x100] =	vst v0  }
0x35: {  	[tilespmem:s21+$0x6500] =	vst v0  }
0x36: {  	[tilespmem:s21+$0x110] =	vst v0  }
0x37: {  	[tilespmem:s21+$0x6510] =	vst v0  }
0x38: {  	[tilespmem:s21+$0x120] =	vst v0  }
0x39: {  	[tilespmem:s21+$0x6520] =	vst v0  }
0x3a: {  	[tilespmem:s21+$0x130] =	vst v0  }
0x3b: {  	[tilespmem:s21+$0x6530] =	vst v0  }
0x3c: {  	[tilespmem:s21+$0x140] =	vst v0  }
0x3d: {  	[tilespmem:s21+$0x6540] =	vst v0  }
0x3e: {  	[tilespmem:s21+$0x150] =	vst v0  }
0x3f: {  	[tilespmem:s21+$0x6550] =	vst v0  }
0x40: {  	[tilespmem:s21+$0x160] =	vst v0  }
0x41: {  	[tilespmem:s21+$0x6560] =	vst v0  }
0x42: {  	[tilespmem:s21+$0x170] =	vst v0  }
0x43: {  	[tilespmem:s21+$0x6570] =	vst v0  }
0x44: {  	[tilespmem:s21+$0x180] =	vst v0  }
0x45: {  	[tilespmem:s21+$0x6580] =	vst v0  }
0x46: {  	[tilespmem:s21+$0x190] =	vst v0  }
0x47: {  	[tilespmem:s21+$0x6590] =	vst v0  }
0x48: {  	[tilespmem:s21+$0x1A0] =	vst v0  }
0x49: {  	[tilespmem:s21+$0x65A0] =	vst v0  }
0x4a: {  	[tilespmem:s21+$0x1B0] =	vst v0  }
0x4b: {  	[tilespmem:s21+$0x65B0] =	vst v0  }
0x4c: {  	[tilespmem:s21+$0x1C0] =	vst v0  }
0x4d: {  	[tilespmem:s21+$0x65C0] =	vst v0  }
.Ltmp0:
0x4e: {  	[tilespmem:s21+$0x1D0] =	vst v0;
	(pc) =	sbr.rel @p0 .LBB2_2-.Ltmp0, $4  }
0x4f: {  	[tilespmem:s21+$0x65D0] =	vst v0  }
0x50: {  	[tilespmem:s21+$0x1E0] =	vst v0  }
0x51: {  	[tilespmem:s21+$0x65E0] =	vst v0  }
0x52: {  	[tilespmem:s21+$0x1F0] =	vst v0;
	s21 =	sshra.s32 s22, $0x2;
	s22 =	sadd.s32 $0x800, s22  }
0x53: {  	[tilespmem:s21+$0x65F0] =	vst v0  }
0x54: {  	[tilespmem:s21+$0x0] =	vst v0  }
0x55: {  	[tilespmem:s21+$0x6400] =	vst v0  }
0x56: {  	[tilespmem:s21+$0x10] =	vst v0  }
0x57: {  	[tilespmem:s21+$0x6410] =	vst v0  }
0x58: {  	[tilespmem:s21+$0x20] =	vst v0  }
0x59: {  	[tilespmem:s21+$0x6420] =	vst v0  }
0x5a: {  	[tilespmem:s21+$0x30] =	vst v0  }
0x5b: {  	[tilespmem:s21+$0x6430] =	vst v0  }
0x5c: {  	[tilespmem:s21+$0x40] =	vst v0  }
0x5d: {  	[tilespmem:s21+$0x6440] =	vst v0  }
0x5e: {  	[tilespmem:s21+$0x50] =	vst v0  }
0x5f: {  	[tilespmem:s21+$0x6450] =	vst v0  }
0x60: {  	[tilespmem:s21+$0x60] =	vst v0  }
0x61: {  	[tilespmem:s21+$0x6460] =	vst v0  }
0x62: {  	[tilespmem:s21+$0x70] =	vst v0  }
0x63: {  	[tilespmem:s21+$0x6470] =	vst v0  }
0x64: {  	[tilespmem:s21+$0x80] =	vst v0  }
0x65: {  	[tilespmem:s21+$0x6480] =	vst v0  }
0x66: {  	[tilespmem:s21+$0x90] =	vst v0  }
0x67: {  	[tilespmem:s21+$0x6490] =	vst v0  }
0x68: {  	[tilespmem:s21+$0xA0] =	vst v0  }
0x69: {  	[tilespmem:s21+$0x64A0] =	vst v0  }
0x6a: {  	[tilespmem:s21+$0xB0] =	vst v0  }
0x6b: {  	[tilespmem:s21+$0x64B0] =	vst v0  }
0x6c: {  	[tilespmem:s21+$0xC0] =	vst v0  }
0x6d: {  	[tilespmem:s21+$0x64C0] =	vst v0  }
0x6e: {  	[tilespmem:s21+$0xD0] =	vst v0  }
0x6f: {  	[tilespmem:s21+$0x64D0] =	vst v0  }
0x70: {  	[tilespmem:s21+$0xE0] =	vst v0  }
0x71: {  	[tilespmem:s21+$0x64E0] =	vst v0  }
0x72: {  	[tilespmem:s21+$0xF0] =	vst v0  }
0x73: {  	[tilespmem:s21+$0x64F0] =	vst v0  }
0x74: {  	[tilespmem:s21+$0x100] =	vst v0  }
0x75: {  	[tilespmem:s21+$0x6500] =	vst v0  }
0x76: {  	[tilespmem:s21+$0x110] =	vst v0  }
0x77: {  	[tilespmem:s21+$0x6510] =	vst v0  }
0x78: {  	[tilespmem:s21+$0x120] =	vst v0  }
0x79: {  	[tilespmem:s21+$0x6520] =	vst v0  }
0x7a: {  	[tilespmem:s21+$0x130] =	vst v0  }
0x7b: {  	[tilespmem:s21+$0x6530] =	vst v0  }
0x7c: {  	[tilespmem:s21+$0x140] =	vst v0  }
0x7d: {  	[tilespmem:s21+$0x6540] =	vst v0  }
0x7e: {  	[tilespmem:s21+$0x150] =	vst v0  }
0x7f: {  	[tilespmem:s21+$0x6550] =	vst v0  }
0x80: {  	[tilespmem:s21+$0x160] =	vst v0  }
0x81: {  	[tilespmem:s21+$0x6560] =	vst v0  }
0x82: {  	[tilespmem:s21+$0x170] =	vst v0  }
0x83: {  	[tilespmem:s21+$0x6570] =	vst v0  }
0x84: {  	[tilespmem:s21+$0x180] =	vst v0  }
0x85: {  	[tilespmem:s21+$0x6580] =	vst v0  }
0x86: {  	[tilespmem:s21+$0x190] =	vst v0  }
0x87: {  	[tilespmem:s21+$0x6590] =	vst v0  }
0x88: {  	[tilespmem:s21+$0x1A0] =	vst v0  }
0x89: {  	[tilespmem:s21+$0x65A0] =	vst v0  }
0x8a: {  	[tilespmem:s21+$0x1B0] =	vst v0  }
0x8b: {  	[tilespmem:s21+$0x65B0] =	vst v0  }
0x8c: {  	[tilespmem:s21+$0x1C0] =	vst v0  }
0x8d: {  	[tilespmem:s21+$0x65C0] =	vst v0  }
0x8e: {  	[tilespmem:s21+$0x1D0] =	vst v0  }
0x8f: {  	[tilespmem:s21+$0x65D0] =	vst v0  }
0x90: {  	[tilespmem:s21+$0x1E0] =	vst v0  }
0x91: {  	[tilespmem:s21+$0x65E0] =	vst v0  }
0x92: {  	[tilespmem:s21+$0x1F0] =	vst v0  }
0x93: {  	v18 =	vld [tilespmem:$0xC800];
	_ =	sdelay $0x4  }
0x94: {  	v18 =	vshll.u32 v18, $0x7  }
0x95: {  	v18 =	vor.u32 v1, v18;
	_ =	sdelay $0x3  }
0x96: {  	s21 =	simm.s32 $0x0  }
0x97: {  	[tilespmem:v18+s21+$0x0] =	vst.idx.msk $0xffff, v2  }
0x98: {  	v18 =	vld [tilespmem:$0xC810];
	_ =	sdelay $0x4  }
0x99: {  	v18 =	vshll.u32 v18, $0x7  }
0x9a: {  	v18 =	vor.u32 v3, v18;
	_ =	sdelay $0x4  }
0x9b: {  	[tilespmem:v18+s21+$0x0] =	vst.idx.msk $0xffff, v2  }
0x9c: {  	v18 =	vld [tilespmem:$0xC820];
	_ =	sdelay $0x4  }
0x9d: {  	v18 =	vshll.u32 v18, $0x7  }
0x9e: {  	v18 =	vor.u32 v4, v18;
	_ =	sdelay $0x4  }
0x9f: {  	[tilespmem:v18+s21+$0x0] =	vst.idx.msk $0xffff, v2  }
0xa0: {  	v18 =	vld [tilespmem:$0xC830];
	_ =	sdelay $0x4  }
0xa1: {  	v18 =	vshll.u32 v18, $0x7  }
0xa2: {  	v18 =	vor.u32 v5, v18;
	_ =	sdelay $0x4  }
0xa3: {  	[tilespmem:v18+s21+$0x0] =	vst.idx.msk $0xffff, v2  }
0xa4: {  	v18 =	vld [tilespmem:$0xC840];
	_ =	sdelay $0x4  }
0xa5: {  	v18 =	vshll.u32 v18, $0x7  }
0xa6: {  	v18 =	vor.u32 v6, v18;
	_ =	sdelay $0x4  }
0xa7: {  	[tilespmem:v18+s21+$0x0] =	vst.idx.msk $0xffff, v2  }
0xa8: {  	v18 =	vld [tilespmem:$0xC850];
	_ =	sdelay $0x4  }
0xa9: {  	v18 =	vshll.u32 v18, $0x7  }
0xaa: {  	v18 =	vor.u32 v7, v18;
	_ =	sdelay $0x4  }
0xab: {  	[tilespmem:v18+s21+$0x0] =	vst.idx.msk $0xffff, v2  }
0xac: {  	v18 =	vld [tilespmem:$0xC860];
	_ =	sdelay $0x4  }
0xad: {  	v18 =	vshll.u32 v18, $0x7  }
0xae: {  	v18 =	vor.u32 v8, v18;
	_ =	sdelay $0x4  }
0xaf: {  	[tilespmem:v18+s21+$0x0] =	vst.idx.msk $0xffff, v2  }
0xb0: {  	v18 =	vld [tilespmem:$0xC870];
	_ =	sdelay $0x4  }
0xb1: {  	v18 =	vshll.u32 v18, $0x7  }
0xb2: {  	v18 =	vor.u32 v9, v18;
	_ =	sdelay $0x4  }
0xb3: {  	[tilespmem:v18+s21+$0x0] =	vst.idx.msk $0xffff, v2  }
0xb4: {  	v18 =	vld [tilespmem:$0xC880];
	_ =	sdelay $0x4  }
0xb5: {  	v18 =	vshll.u32 v18, $0x7  }
0xb6: {  	v18 =	vadd.s32 v10, v18;
	_ =	sdelay $0x4  }
0xb7: {  	[tilespmem:v18+s21+$0x0] =	vst.idx.msk $0xffff, v2  }
0xb8: {  	v18 =	vld [tilespmem:$0xC890];
	_ =	sdelay $0x4  }
0xb9: {  	v18 =	vshll.u32 v18, $0x7  }
0xba: {  	v18 =	vadd.s32 v11, v18;
	_ =	sdelay $0x4  }
0xbb: {  	[tilespmem:v18+s21+$0x0] =	vst.idx.msk $0xffff, v2  }
0xbc: {  	v18 =	vld [tilespmem:$0xC8A0];
	_ =	sdelay $0x4  }
0xbd: {  	v18 =	vshll.u32 v18, $0x7  }
0xbe: {  	v18 =	vadd.s32 v12, v18;
	_ =	sdelay $0x4  }
0xbf: {  	[tilespmem:v18+s21+$0x0] =	vst.idx.msk $0xffff, v2  }
0xc0: {  	v18 =	vld [tilespmem:$0xC8B0];
	_ =	sdelay $0x4  }
0xc1: {  	v18 =	vshll.u32 v18, $0x7  }
0xc2: {  	v18 =	vadd.s32 v13, v18;
	_ =	sdelay $0x4  }
0xc3: {  	[tilespmem:v18+s21+$0x0] =	vst.idx.msk $0xffff, v2  }
0xc4: {  	v18 =	vld [tilespmem:$0xC8C0];
	_ =	sdelay $0x4  }
0xc5: {  	v18 =	vshll.u32 v18, $0x7  }
0xc6: {  	v18 =	vadd.s32 v14, v18;
	_ =	sdelay $0x4  }
0xc7: {  	[tilespmem:v18+s21+$0x0] =	vst.idx.msk $0xffff, v2  }
0xc8: {  	v18 =	vld [tilespmem:$0xC8D0];
	_ =	sdelay $0x4  }
0xc9: {  	v18 =	vshll.u32 v18, $0x7  }
0xca: {  	v18 =	vadd.s32 v15, v18;
	_ =	sdelay $0x4  }
0xcb: {  	[tilespmem:v18+s21+$0x0] =	vst.idx.msk $0xffff, v2  }
0xcc: {  	v18 =	vld [tilespmem:$0xC8E0];
	_ =	sdelay $0x4  }
0xcd: {  	v18 =	vshll.u32 v18, $0x7  }
0xce: {  	v18 =	vadd.s32 v16, v18;
	_ =	sdelay $0x4  }
0xcf: {  	[tilespmem:v18+s21+$0x0] =	vst.idx.msk $0xffff, v2  }
0xd0: {  	v18 =	vld [tilespmem:$0xC8F0];
	_ =	sdelay $0x4  }
0xd1: {  	v18 =	vshll.u32 v18, $0x7  }
0xd2: {  	v18 =	vadd.s32 v17, v18;
	_ =	sdelay $0x4  }
0xd3: {  	[tilespmem:v18+s21+$0x0] =	vst.idx.msk $0xffff, v2  }
0xd4: {  	[hbm4b:s6+s12] =	stream.strided.scatter [tilespmem:s21], [sflag:$0x1], $0x6400, s13, s12, $0x38;
	[tilespmem:$0xD800] =	vst v63  }
0xd5: {  	v18 =	vld [tilespmem:$0xC900];
	_ =	sdelay $0x4  }
0xd6: {  	v18 =	vshll.u32 v18, $0x7  }
0xd7: {  	v18 =	vor.u32 v1, v18;
	_ =	sdelay $0x4  }
0xd8: {  	[tilespmem:v18+s17+$0x0] =	vst.idx.msk $0xffff, v2  }
0xd9: {  	v18 =	vld [tilespmem:$0xC910];
	_ =	sdelay $0x4  }
0xda: {  	v18 =	vshll.u32 v18, $0x7  }
0xdb: {  	v18 =	vor.u32 v3, v18;
	_ =	sdelay $0x4  }
0xdc: {  	[tilespmem:v18+s17+$0x0] =	vst.idx.msk $0xffff, v2  }
0xdd: {  	v18 =	vld [tilespmem:$0xC920];
	_ =	sdelay $0x4  }
0xde: {  	v18 =	vshll.u32 v18, $0x7  }
0xdf: {  	v18 =	vor.u32 v4, v18;
	_ =	sdelay $0x4  }
0xe0: {  	[tilespmem:v18+s17+$0x0] =	vst.idx.msk $0xffff, v2  }
0xe1: {  	v18 =	vld [tilespmem:$0xC930];
	_ =	sdelay $0x4  }
0xe2: {  	v18 =	vshll.u32 v18, $0x7  }
0xe3: {  	v18 =	vor.u32 v5, v18;
	_ =	sdelay $0x4  }
0xe4: {  	[tilespmem:v18+s17+$0x0] =	vst.idx.msk $0xffff, v2  }
0xe5: {  	v18 =	vld [tilespmem:$0xC940];
	_ =	sdelay $0x4  }
0xe6: {  	v18 =	vshll.u32 v18, $0x7  }
0xe7: {  	v18 =	vor.u32 v6, v18;
	_ =	sdelay $0x4  }
0xe8: {  	[tilespmem:v18+s17+$0x0] =	vst.idx.msk $0xffff, v2  }
0xe9: {  	v18 =	vld [tilespmem:$0xC950];
	_ =	sdelay $0x4  }
0xea: {  	v18 =	vshll.u32 v18, $0x7  }
0xeb: {  	v18 =	vor.u32 v7, v18;
	_ =	sdelay $0x4  }
0xec: {  	[tilespmem:v18+s17+$0x0] =	vst.idx.msk $0xffff, v2  }
0xed: {  	v18 =	vld [tilespmem:$0xC960];
	_ =	sdelay $0x4  }
0xee: {  	v18 =	vshll.u32 v18, $0x7  }
0xef: {  	v18 =	vor.u32 v8, v18;
	_ =	sdelay $0x4  }
0xf0: {  	[tilespmem:v18+s17+$0x0] =	vst.idx.msk $0xffff, v2  }
0xf1: {  	v18 =	vld [tilespmem:$0xC970];
	_ =	sdelay $0x4  }
0xf2: {  	v18 =	vshll.u32 v18, $0x7  }
0xf3: {  	v18 =	vor.u32 v9, v18;
	_ =	sdelay $0x4  }
0xf4: {  	[tilespmem:v18+s17+$0x0] =	vst.idx.msk $0xffff, v2  }
0xf5: {  	v18 =	vld [tilespmem:$0xC980];
	_ =	sdelay $0x4  }
0xf6: {  	v18 =	vshll.u32 v18, $0x7  }
0xf7: {  	v18 =	vadd.s32 v10, v18;
	_ =	sdelay $0x4  }
0xf8: {  	[tilespmem:v18+s17+$0x0] =	vst.idx.msk $0xffff, v2  }
0xf9: {  	v18 =	vld [tilespmem:$0xC990];
	_ =	sdelay $0x4  }
0xfa: {  	v18 =	vshll.u32 v18, $0x7  }
0xfb: {  	v18 =	vadd.s32 v11, v18;
	_ =	sdelay $0x4  }
0xfc: {  	[tilespmem:v18+s17+$0x0] =	vst.idx.msk $0xffff, v2  }
0xfd: {  	v18 =	vld [tilespmem:$0xC9A0];
	_ =	sdelay $0x4  }
0xfe: {  	v18 =	vshll.u32 v18, $0x7  }
0xff: {  	v18 =	vadd.s32 v12, v18;
	_ =	sdelay $0x4  }
0x100: {  	[tilespmem:v18+s17+$0x0] =	vst.idx.msk $0xffff, v2  }
0x101: {  	v18 =	vld [tilespmem:$0xC9B0];
	_ =	sdelay $0x4  }
0x102: {  	v18 =	vshll.u32 v18, $0x7  }
0x103: {  	v18 =	vadd.s32 v13, v18;
	_ =	sdelay $0x4  }
0x104: {  	[tilespmem:v18+s17+$0x0] =	vst.idx.msk $0xffff, v2  }
0x105: {  	v18 =	vld [tilespmem:$0xC9C0];
	_ =	sdelay $0x4  }
0x106: {  	v18 =	vshll.u32 v18, $0x7  }
0x107: {  	v18 =	vadd.s32 v14, v18;
	_ =	sdelay $0x4  }
0x108: {  	[tilespmem:v18+s17+$0x0] =	vst.idx.msk $0xffff, v2  }
0x109: {  	v18 =	vld [tilespmem:$0xC9D0];
	_ =	sdelay $0x4  }
0x10a: {  	v18 =	vshll.u32 v18, $0x7  }
0x10b: {  	v18 =	vadd.s32 v15, v18;
	_ =	sdelay $0x4  }
0x10c: {  	[tilespmem:v18+s17+$0x0] =	vst.idx.msk $0xffff, v2  }
0x10d: {  	v18 =	vld [tilespmem:$0xC9E0];
	_ =	sdelay $0x4  }
0x10e: {  	v18 =	vshll.u32 v18, $0x7  }
0x10f: {  	v18 =	vadd.s32 v16, v18;
	_ =	sdelay $0x4  }
0x110: {  	[tilespmem:v18+s17+$0x0] =	vst.idx.msk $0xffff, v2  }
0x111: {  	v18 =	vld [tilespmem:$0xC9F0];
	_ =	sdelay $0x4  }
0x112: {  	v18 =	vshll.u32 v18, $0x7  }
0x113: {  	v18 =	vadd.s32 v17, v18;
	_ =	sdelay $0x4  }
0x114: {  	s22 =	simm.s32 $0xCA00;
	s23 =	smov.u32 s11;
	[tilespmem:v18+s17+$0x0] =	vst.idx.msk $0xffff, v2  }
0x115: {  	[hbm4b:s7+s12] =	stream.strided.scatter [tilespmem:s17], [sflag:$0x2], $0x6400, s13, s12, $0x38;
	[tilespmem:$0xD800] =	vst v63  }
.LBB2_4:
0x116: {  	_ =	swait.ge [sflag:s18], $0x6400  }
0x117: {  	[sflag:s18] =	ssyncset.done $0x0  }
0x118: {  	[sflag:s18] =	ssyncadd.s32 $0xFFFF9C00  }
0x119: {  	v18 =	vld [tilespmem:s22+$0xFFFFFE00];
	_ =	sdelay $0x4  }
0x11a: {  	v18 =	vshll.u32 v18, $0x7  }
0x11b: {  	v18 =	vor.u32 v1, v18;
	_ =	sdelay $0x4  }
0x11c: {  	[tilespmem:v18+s3+$0x0] =	vst.idx.msk $0xffff, v0  }
0x11d: {  	v18 =	vld [tilespmem:s22+$0xFFFFFE10];
	_ =	sdelay $0x4  }
0x11e: {  	v18 =	vshll.u32 v18, $0x7  }
0x11f: {  	v18 =	vor.u32 v3, v18;
	_ =	sdelay $0x4  }
0x120: {  	[tilespmem:v18+s3+$0x0] =	vst.idx.msk $0xffff, v0  }
0x121: {  	v18 =	vld [tilespmem:s22+$0xFFFFFE20];
	_ =	sdelay $0x4  }
0x122: {  	v18 =	vshll.u32 v18, $0x7  }
0x123: {  	v18 =	vor.u32 v4, v18;
	_ =	sdelay $0x4  }
0x124: {  	[tilespmem:v18+s3+$0x0] =	vst.idx.msk $0xffff, v0  }
0x125: {  	v18 =	vld [tilespmem:s22+$0xFFFFFE30];
	_ =	sdelay $0x4  }
0x126: {  	v18 =	vshll.u32 v18, $0x7  }
0x127: {  	v18 =	vor.u32 v5, v18;
	_ =	sdelay $0x4  }
0x128: {  	[tilespmem:v18+s3+$0x0] =	vst.idx.msk $0xffff, v0  }
0x129: {  	v18 =	vld [tilespmem:s22+$0xFFFFFE40];
	_ =	sdelay $0x4  }
0x12a: {  	v18 =	vshll.u32 v18, $0x7  }
0x12b: {  	v18 =	vor.u32 v6, v18;
	_ =	sdelay $0x4  }
0x12c: {  	[tilespmem:v18+s3+$0x0] =	vst.idx.msk $0xffff, v0  }
0x12d: {  	v18 =	vld [tilespmem:s22+$0xFFFFFE50];
	_ =	sdelay $0x4  }
0x12e: {  	v18 =	vshll.u32 v18, $0x7  }
0x12f: {  	v18 =	vor.u32 v7, v18;
	_ =	sdelay $0x4  }
0x130: {  	[tilespmem:v18+s3+$0x0] =	vst.idx.msk $0xffff, v0  }
0x131: {  	v18 =	vld [tilespmem:s22+$0xFFFFFE60];
	_ =	sdelay $0x4  }
0x132: {  	v18 =	vshll.u32 v18, $0x7  }
0x133: {  	v18 =	vor.u32 v8, v18;
	_ =	sdelay $0x4  }
0x134: {  	[tilespmem:v18+s3+$0x0] =	vst.idx.msk $0xffff, v0  }
0x135: {  	v18 =	vld [tilespmem:s22+$0xFFFFFE70];
	_ =	sdelay $0x4  }
0x136: {  	v18 =	vshll.u32 v18, $0x7  }
0x137: {  	v18 =	vor.u32 v9, v18;
	_ =	sdelay $0x4  }
0x138: {  	[tilespmem:v18+s3+$0x0] =	vst.idx.msk $0xffff, v0  }
0x139: {  	v18 =	vld [tilespmem:s22+$0xFFFFFE80];
	_ =	sdelay $0x4  }
0x13a: {  	v18 =	vshll.u32 v18, $0x7  }
0x13b: {  	v18 =	vadd.s32 v10, v18;
	_ =	sdelay $0x4  }
0x13c: {  	[tilespmem:v18+s3+$0x0] =	vst.idx.msk $0xffff, v0  }
0x13d: {  	v18 =	vld [tilespmem:s22+$0xFFFFFE90];
	_ =	sdelay $0x4  }
0x13e: {  	v18 =	vshll.u32 v18, $0x7  }
0x13f: {  	v18 =	vadd.s32 v11, v18;
	_ =	sdelay $0x4  }
0x140: {  	[tilespmem:v18+s3+$0x0] =	vst.idx.msk $0xffff, v0  }
0x141: {  	v18 =	vld [tilespmem:s22+$0xFFFFFEA0];
	_ =	sdelay $0x4  }
0x142: {  	v18 =	vshll.u32 v18, $0x7  }
0x143: {  	v18 =	vadd.s32 v12, v18;
	_ =	sdelay $0x4  }
0x144: {  	[tilespmem:v18+s3+$0x0] =	vst.idx.msk $0xffff, v0  }
0x145: {  	v18 =	vld [tilespmem:s22+$0xFFFFFEB0];
	_ =	sdelay $0x4  }
0x146: {  	v18 =	vshll.u32 v18, $0x7  }
0x147: {  	v18 =	vadd.s32 v13, v18;
	_ =	sdelay $0x4  }
0x148: {  	[tilespmem:v18+s3+$0x0] =	vst.idx.msk $0xffff, v0  }
0x149: {  	v18 =	vld [tilespmem:s22+$0xFFFFFEC0];
	_ =	sdelay $0x4  }
0x14a: {  	v18 =	vshll.u32 v18, $0x7  }
0x14b: {  	v18 =	vadd.s32 v14, v18;
	_ =	sdelay $0x4  }
0x14c: {  	[tilespmem:v18+s3+$0x0] =	vst.idx.msk $0xffff, v0  }
0x14d: {  	v18 =	vld [tilespmem:s22+$0xFFFFFED0];
	_ =	sdelay $0x4  }
0x14e: {  	v18 =	vshll.u32 v18, $0x7  }
0x14f: {  	v18 =	vadd.s32 v15, v18;
	_ =	sdelay $0x4  }
0x150: {  	[tilespmem:v18+s3+$0x0] =	vst.idx.msk $0xffff, v0  }
0x151: {  	v18 =	vld [tilespmem:s22+$0xFFFFFEE0];
	_ =	sdelay $0x4  }
0x152: {  	v18 =	vshll.u32 v18, $0x7  }
0x153: {  	v18 =	vadd.s32 v16, v18;
	_ =	sdelay $0x4  }
0x154: {  	[tilespmem:v18+s3+$0x0] =	vst.idx.msk $0xffff, v0  }
0x155: {  	v18 =	vld [tilespmem:s22+$0xFFFFFEF0];
	_ =	sdelay $0x4  }
0x156: {  	v18 =	vshll.u32 v18, $0x7  }
0x157: {  	v18 =	vadd.s32 v17, v18;
	_ =	sdelay $0x4  }
0x158: {  	[tilespmem:v18+s3+$0x0] =	vst.idx.msk $0xffff, v0  }
0x159: {  	v18 =	vld [tilespmem:s22+$0x0];
	_ =	sdelay $0x4  }
0x15a: {  	v18 =	vshll.u32 v18, $0x7  }
0x15b: {  	v18 =	vor.u32 v1, v18;
	_ =	sdelay $0x4  }
0x15c: {  	[tilespmem:v18+s3+$0x0] =	vst.idx.msk $0xffff, v2  }
0x15d: {  	v18 =	vld [tilespmem:s22+$0x10];
	_ =	sdelay $0x4  }
0x15e: {  	v18 =	vshll.u32 v18, $0x7  }
0x15f: {  	v18 =	vor.u32 v3, v18;
	_ =	sdelay $0x4  }
0x160: {  	[tilespmem:v18+s3+$0x0] =	vst.idx.msk $0xffff, v2  }
0x161: {  	v18 =	vld [tilespmem:s22+$0x20];
	_ =	sdelay $0x4  }
0x162: {  	v18 =	vshll.u32 v18, $0x7  }
0x163: {  	v18 =	vor.u32 v4, v18;
	_ =	sdelay $0x4  }
0x164: {  	[tilespmem:v18+s3+$0x0] =	vst.idx.msk $0xffff, v2  }
0x165: {  	v18 =	vld [tilespmem:s22+$0x30];
	_ =	sdelay $0x4  }
0x166: {  	v18 =	vshll.u32 v18, $0x7  }
0x167: {  	v18 =	vor.u32 v5, v18;
	_ =	sdelay $0x4  }
0x168: {  	[tilespmem:v18+s3+$0x0] =	vst.idx.msk $0xffff, v2  }
0x169: {  	v18 =	vld [tilespmem:s22+$0x40];
	_ =	sdelay $0x4  }
0x16a: {  	v18 =	vshll.u32 v18, $0x7  }
0x16b: {  	v18 =	vor.u32 v6, v18;
	_ =	sdelay $0x4  }
0x16c: {  	[tilespmem:v18+s3+$0x0] =	vst.idx.msk $0xffff, v2  }
0x16d: {  	v18 =	vld [tilespmem:s22+$0x50];
	_ =	sdelay $0x4  }
0x16e: {  	v18 =	vshll.u32 v18, $0x7  }
0x16f: {  	v18 =	vor.u32 v7, v18;
	_ =	sdelay $0x4  }
0x170: {  	[tilespmem:v18+s3+$0x0] =	vst.idx.msk $0xffff, v2  }
0x171: {  	v18 =	vld [tilespmem:s22+$0x60];
	_ =	sdelay $0x4  }
0x172: {  	v18 =	vshll.u32 v18, $0x7  }
0x173: {  	v18 =	vor.u32 v8, v18;
	_ =	sdelay $0x4  }
0x174: {  	[tilespmem:v18+s3+$0x0] =	vst.idx.msk $0xffff, v2  }
0x175: {  	v18 =	vld [tilespmem:s22+$0x70];
	_ =	sdelay $0x4  }
0x176: {  	v18 =	vshll.u32 v18, $0x7  }
0x177: {  	v18 =	vor.u32 v9, v18;
	_ =	sdelay $0x4  }
0x178: {  	[tilespmem:v18+s3+$0x0] =	vst.idx.msk $0xffff, v2  }
0x179: {  	v18 =	vld [tilespmem:s22+$0x80];
	_ =	sdelay $0x4  }
0x17a: {  	v18 =	vshll.u32 v18, $0x7  }
0x17b: {  	v18 =	vadd.s32 v10, v18;
	_ =	sdelay $0x4  }
0x17c: {  	[tilespmem:v18+s3+$0x0] =	vst.idx.msk $0xffff, v2  }
0x17d: {  	v18 =	vld [tilespmem:s22+$0x90];
	_ =	sdelay $0x4  }
0x17e: {  	v18 =	vshll.u32 v18, $0x7  }
0x17f: {  	v18 =	vadd.s32 v11, v18;
	_ =	sdelay $0x4  }
0x180: {  	[tilespmem:v18+s3+$0x0] =	vst.idx.msk $0xffff, v2  }
0x181: {  	v18 =	vld [tilespmem:s22+$0xA0];
	_ =	sdelay $0x4  }
0x182: {  	v18 =	vshll.u32 v18, $0x7  }
0x183: {  	v18 =	vadd.s32 v12, v18;
	_ =	sdelay $0x4  }
0x184: {  	[tilespmem:v18+s3+$0x0] =	vst.idx.msk $0xffff, v2  }
0x185: {  	v18 =	vld [tilespmem:s22+$0xB0];
	_ =	sdelay $0x4  }
0x186: {  	v18 =	vshll.u32 v18, $0x7  }
0x187: {  	v18 =	vadd.s32 v13, v18;
	_ =	sdelay $0x4  }
0x188: {  	[tilespmem:v18+s3+$0x0] =	vst.idx.msk $0xffff, v2  }
0x189: {  	v18 =	vld [tilespmem:s22+$0xC0];
	_ =	sdelay $0x4  }
0x18a: {  	v18 =	vshll.u32 v18, $0x7  }
0x18b: {  	v18 =	vadd.s32 v14, v18;
	_ =	sdelay $0x4  }
0x18c: {  	[tilespmem:v18+s3+$0x0] =	vst.idx.msk $0xffff, v2  }
0x18d: {  	v18 =	vld [tilespmem:s22+$0xD0];
	_ =	sdelay $0x4  }
0x18e: {  	v18 =	vshll.u32 v18, $0x7  }
0x18f: {  	v18 =	vadd.s32 v15, v18;
	_ =	sdelay $0x4  }
0x190: {  	[tilespmem:v18+s3+$0x0] =	vst.idx.msk $0xffff, v2  }
0x191: {  	v18 =	vld [tilespmem:s22+$0xE0];
	_ =	sdelay $0x4  }
0x192: {  	v18 =	vshll.u32 v18, $0x7  }
0x193: {  	v18 =	vadd.s32 v16, v18;
	_ =	sdelay $0x4  }
0x194: {  	[tilespmem:v18+s3+$0x0] =	vst.idx.msk $0xffff, v2  }
0x195: {  	v18 =	vld [tilespmem:s22+$0xF0];
	_ =	sdelay $0x4  }
0x196: {  	v18 =	vshll.u32 v18, $0x7  }
0x197: {  	v18 =	vadd.s32 v17, v18;
	_ =	sdelay $0x3  }
0x198: {  	s24 =	sshrl.u32 s23, $0x3  }
0x199: {  	s24 =	sadd.s32 s2, s24;
	[tilespmem:v18+s3+$0x0] =	vst.idx.msk $0xffff, v2  }
0x19a: {  	[hbm4b:s24+s12] =	stream.strided.scatter [tilespmem:s3], [sflag:$0x1], $0x6400, s13, s12, $0x38;
	[tilespmem:$0xD800] =	vst v63  }
0x19b: {  	_ =	swait.ge [sflag:s19], $0x6400  }
0x19c: {  	[sflag:s19] =	ssyncset.done $0x0  }
0x19d: {  	[sflag:s19] =	ssyncadd.s32 $0xFFFF9C00  }
0x19e: {  	v18 =	vld [tilespmem:s22+$0xFFFFFF00];
	_ =	sdelay $0x4  }
0x19f: {  	v18 =	vshll.u32 v18, $0x7  }
0x1a0: {  	v18 =	vor.u32 v1, v18;
	_ =	sdelay $0x4  }
0x1a1: {  	[tilespmem:v18+s17+$0x0] =	vst.idx.msk $0xffff, v0  }
0x1a2: {  	v18 =	vld [tilespmem:s22+$0xFFFFFF10];
	_ =	sdelay $0x4  }
0x1a3: {  	v18 =	vshll.u32 v18, $0x7  }
0x1a4: {  	v18 =	vor.u32 v3, v18;
	_ =	sdelay $0x4  }
0x1a5: {  	[tilespmem:v18+s17+$0x0] =	vst.idx.msk $0xffff, v0  }
0x1a6: {  	v18 =	vld [tilespmem:s22+$0xFFFFFF20];
	_ =	sdelay $0x4  }
0x1a7: {  	v18 =	vshll.u32 v18, $0x7  }
0x1a8: {  	v18 =	vor.u32 v4, v18;
	_ =	sdelay $0x4  }
0x1a9: {  	[tilespmem:v18+s17+$0x0] =	vst.idx.msk $0xffff, v0  }
0x1aa: {  	v18 =	vld [tilespmem:s22+$0xFFFFFF30];
	_ =	sdelay $0x4  }
0x1ab: {  	v18 =	vshll.u32 v18, $0x7  }
0x1ac: {  	v18 =	vor.u32 v5, v18;
	_ =	sdelay $0x4  }
0x1ad: {  	[tilespmem:v18+s17+$0x0] =	vst.idx.msk $0xffff, v0  }
0x1ae: {  	v18 =	vld [tilespmem:s22+$0xFFFFFF40];
	_ =	sdelay $0x4  }
0x1af: {  	v18 =	vshll.u32 v18, $0x7  }
0x1b0: {  	v18 =	vor.u32 v6, v18;
	_ =	sdelay $0x4  }
0x1b1: {  	[tilespmem:v18+s17+$0x0] =	vst.idx.msk $0xffff, v0  }
0x1b2: {  	v18 =	vld [tilespmem:s22+$0xFFFFFF50];
	_ =	sdelay $0x4  }
0x1b3: {  	v18 =	vshll.u32 v18, $0x7  }
0x1b4: {  	v18 =	vor.u32 v7, v18;
	_ =	sdelay $0x4  }
0x1b5: {  	[tilespmem:v18+s17+$0x0] =	vst.idx.msk $0xffff, v0  }
0x1b6: {  	v18 =	vld [tilespmem:s22+$0xFFFFFF60];
	_ =	sdelay $0x4  }
0x1b7: {  	v18 =	vshll.u32 v18, $0x7  }
0x1b8: {  	v18 =	vor.u32 v8, v18;
	_ =	sdelay $0x4  }
0x1b9: {  	[tilespmem:v18+s17+$0x0] =	vst.idx.msk $0xffff, v0  }
0x1ba: {  	v18 =	vld [tilespmem:s22+$0xFFFFFF70];
	_ =	sdelay $0x4  }
0x1bb: {  	v18 =	vshll.u32 v18, $0x7  }
0x1bc: {  	v18 =	vor.u32 v9, v18;
	_ =	sdelay $0x4  }
0x1bd: {  	[tilespmem:v18+s17+$0x0] =	vst.idx.msk $0xffff, v0  }
0x1be: {  	v18 =	vld [tilespmem:s22+$0xFFFFFF80];
	_ =	sdelay $0x4  }
0x1bf: {  	v18 =	vshll.u32 v18, $0x7  }
0x1c0: {  	v18 =	vadd.s32 v10, v18;
	_ =	sdelay $0x4  }
0x1c1: {  	[tilespmem:v18+s17+$0x0] =	vst.idx.msk $0xffff, v0  }
0x1c2: {  	v18 =	vld [tilespmem:s22+$0xFFFFFF90];
	_ =	sdelay $0x4  }
0x1c3: {  	v18 =	vshll.u32 v18, $0x7  }
0x1c4: {  	v18 =	vadd.s32 v11, v18;
	_ =	sdelay $0x4  }
0x1c5: {  	[tilespmem:v18+s17+$0x0] =	vst.idx.msk $0xffff, v0  }
0x1c6: {  	v18 =	vld [tilespmem:s22+$0xFFFFFFA0];
	_ =	sdelay $0x4  }
0x1c7: {  	v18 =	vshll.u32 v18, $0x7  }
0x1c8: {  	v18 =	vadd.s32 v12, v18;
	_ =	sdelay $0x4  }
0x1c9: {  	[tilespmem:v18+s17+$0x0] =	vst.idx.msk $0xffff, v0  }
0x1ca: {  	v18 =	vld [tilespmem:s22+$0xFFFFFFB0];
	_ =	sdelay $0x4  }
0x1cb: {  	v18 =	vshll.u32 v18, $0x7  }
0x1cc: {  	v18 =	vadd.s32 v13, v18;
	_ =	sdelay $0x4  }
0x1cd: {  	[tilespmem:v18+s17+$0x0] =	vst.idx.msk $0xffff, v0  }
0x1ce: {  	v18 =	vld [tilespmem:s22+$0xFFFFFFC0];
	_ =	sdelay $0x4  }
0x1cf: {  	v18 =	vshll.u32 v18, $0x7  }
0x1d0: {  	v18 =	vadd.s32 v14, v18;
	_ =	sdelay $0x4  }
0x1d1: {  	[tilespmem:v18+s17+$0x0] =	vst.idx.msk $0xffff, v0  }
0x1d2: {  	v18 =	vld [tilespmem:s22+$0xFFFFFFD0];
	_ =	sdelay $0x4  }
0x1d3: {  	v18 =	vshll.u32 v18, $0x7  }
0x1d4: {  	v18 =	vadd.s32 v15, v18;
	_ =	sdelay $0x4  }
0x1d5: {  	[tilespmem:v18+s17+$0x0] =	vst.idx.msk $0xffff, v0  }
0x1d6: {  	v18 =	vld [tilespmem:s22+$0xFFFFFFE0];
	_ =	sdelay $0x4  }
0x1d7: {  	v18 =	vshll.u32 v18, $0x7  }
0x1d8: {  	v18 =	vadd.s32 v16, v18;
	_ =	sdelay $0x4  }
0x1d9: {  	[tilespmem:v18+s17+$0x0] =	vst.idx.msk $0xffff, v0  }
0x1da: {  	v18 =	vld [tilespmem:s22+$0xFFFFFFF0];
	_ =	sdelay $0x4  }
0x1db: {  	v18 =	vshll.u32 v18, $0x7  }
0x1dc: {  	v18 =	vadd.s32 v17, v18;
	_ =	sdelay $0x4  }
0x1dd: {  	[tilespmem:v18+s17+$0x0] =	vst.idx.msk $0xffff, v0  }
0x1de: {  	v18 =	vld [tilespmem:s22+$0x100];
	_ =	sdelay $0x4  }
0x1df: {  	v18 =	vshll.u32 v18, $0x7  }
0x1e0: {  	v18 =	vor.u32 v1, v18;
	_ =	sdelay $0x4  }
0x1e1: {  	[tilespmem:v18+s17+$0x0] =	vst.idx.msk $0xffff, v2  }
0x1e2: {  	v18 =	vld [tilespmem:s22+$0x110];
	_ =	sdelay $0x4  }
0x1e3: {  	v18 =	vshll.u32 v18, $0x7  }
0x1e4: {  	v18 =	vor.u32 v3, v18;
	_ =	sdelay $0x4  }
0x1e5: {  	[tilespmem:v18+s17+$0x0] =	vst.idx.msk $0xffff, v2  }
0x1e6: {  	v18 =	vld [tilespmem:s22+$0x120];
	_ =	sdelay $0x4  }
0x1e7: {  	v18 =	vshll.u32 v18, $0x7  }
0x1e8: {  	v18 =	vor.u32 v4, v18;
	_ =	sdelay $0x4  }
0x1e9: {  	[tilespmem:v18+s17+$0x0] =	vst.idx.msk $0xffff, v2  }
0x1ea: {  	v18 =	vld [tilespmem:s22+$0x130];
	_ =	sdelay $0x4  }
0x1eb: {  	v18 =	vshll.u32 v18, $0x7  }
0x1ec: {  	v18 =	vor.u32 v5, v18;
	_ =	sdelay $0x4  }
0x1ed: {  	[tilespmem:v18+s17+$0x0] =	vst.idx.msk $0xffff, v2  }
0x1ee: {  	v18 =	vld [tilespmem:s22+$0x140];
	_ =	sdelay $0x4  }
0x1ef: {  	v18 =	vshll.u32 v18, $0x7  }
0x1f0: {  	v18 =	vor.u32 v6, v18;
	_ =	sdelay $0x4  }
0x1f1: {  	[tilespmem:v18+s17+$0x0] =	vst.idx.msk $0xffff, v2  }
0x1f2: {  	v18 =	vld [tilespmem:s22+$0x150];
	_ =	sdelay $0x4  }
0x1f3: {  	v18 =	vshll.u32 v18, $0x7  }
0x1f4: {  	v18 =	vor.u32 v7, v18;
	_ =	sdelay $0x4  }
0x1f5: {  	[tilespmem:v18+s17+$0x0] =	vst.idx.msk $0xffff, v2  }
0x1f6: {  	v18 =	vld [tilespmem:s22+$0x160];
	_ =	sdelay $0x4  }
0x1f7: {  	v18 =	vshll.u32 v18, $0x7  }
0x1f8: {  	v18 =	vor.u32 v8, v18;
	_ =	sdelay $0x4  }
0x1f9: {  	[tilespmem:v18+s17+$0x0] =	vst.idx.msk $0xffff, v2  }
0x1fa: {  	v18 =	vld [tilespmem:s22+$0x170];
	_ =	sdelay $0x4  }
0x1fb: {  	v18 =	vshll.u32 v18, $0x7  }
0x1fc: {  	v18 =	vor.u32 v9, v18;
	_ =	sdelay $0x4  }
0x1fd: {  	[tilespmem:v18+s17+$0x0] =	vst.idx.msk $0xffff, v2  }
0x1fe: {  	v18 =	vld [tilespmem:s22+$0x180];
	_ =	sdelay $0x4  }
0x1ff: {  	v18 =	vshll.u32 v18, $0x7  }
0x200: {  	v18 =	vadd.s32 v10, v18;
	_ =	sdelay $0x4  }
0x201: {  	[tilespmem:v18+s17+$0x0] =	vst.idx.msk $0xffff, v2  }
0x202: {  	v18 =	vld [tilespmem:s22+$0x190];
	_ =	sdelay $0x4  }
0x203: {  	v18 =	vshll.u32 v18, $0x7  }
0x204: {  	v18 =	vadd.s32 v11, v18;
	_ =	sdelay $0x4  }
0x205: {  	[tilespmem:v18+s17+$0x0] =	vst.idx.msk $0xffff, v2  }
0x206: {  	v18 =	vld [tilespmem:s22+$0x1A0];
	_ =	sdelay $0x4  }
0x207: {  	v18 =	vshll.u32 v18, $0x7  }
0x208: {  	v18 =	vadd.s32 v12, v18;
	_ =	sdelay $0x4  }
0x209: {  	[tilespmem:v18+s17+$0x0] =	vst.idx.msk $0xffff, v2  }
0x20a: {  	v18 =	vld [tilespmem:s22+$0x1B0];
	_ =	sdelay $0x4  }
0x20b: {  	v18 =	vshll.u32 v18, $0x7  }
0x20c: {  	v18 =	vadd.s32 v13, v18;
	_ =	sdelay $0x4  }
0x20d: {  	[tilespmem:v18+s17+$0x0] =	vst.idx.msk $0xffff, v2  }
0x20e: {  	v18 =	vld [tilespmem:s22+$0x1C0];
	_ =	sdelay $0x4  }
0x20f: {  	v18 =	vshll.u32 v18, $0x7  }
0x210: {  	v18 =	vadd.s32 v14, v18;
	_ =	sdelay $0x4  }
0x211: {  	[tilespmem:v18+s17+$0x0] =	vst.idx.msk $0xffff, v2  }
0x212: {  	v18 =	vld [tilespmem:s22+$0x1D0];
	_ =	sdelay $0x4  }
0x213: {  	v18 =	vshll.u32 v18, $0x7  }
0x214: {  	v18 =	vadd.s32 v15, v18;
	_ =	sdelay $0x4  }
0x215: {  	[tilespmem:v18+s17+$0x0] =	vst.idx.msk $0xffff, v2  }
0x216: {  	v18 =	vld [tilespmem:s22+$0x1E0];
	_ =	sdelay $0x4  }
0x217: {  	v18 =	vshll.u32 v18, $0x7  }
0x218: {  	v18 =	vadd.s32 v16, v18;
	_ =	sdelay $0x4  }
0x219: {  	[tilespmem:v18+s17+$0x0] =	vst.idx.msk $0xffff, v2  }
0x21a: {  	v18 =	vld [tilespmem:s22+$0x1F0];
	_ =	sdelay $0x4  }
0x21b: {  	v18 =	vshll.u32 v18, $0x7  }
0x21c: {  	v18 =	vadd.s32 v17, v18  }
0x21d: {  	p0 =	sne.s32 s21, $0xC8000  }
.Ltmp1:
0x21e: {  	_ = 	snop;
	(pc) =	sbr.rel @p0 .LBB2_4-.Ltmp1, $4  }
0x21f: {  	_ = 	snop  }
0x220: {  	s31 =	sadd.s32 s21, s10  }
0x221: {  	s23 =	sadd.s32 $0x190000, s23;
	s21 =	sadd.s32 $0x32000, s21;
	s22 =	sadd.s32 $0x200, s22;
	[tilespmem:v18+s17+$0x0] =	vst.idx.msk $0xffff, v2  }
0x222: {  	[hbm4b:s31+s12] =	stream.strided.scatter [tilespmem:s17], [sflag:$0x2], $0x6400, s13, s12, $0x38;
	[tilespmem:$0xD800] =	vst v63  }
0x223: {  	_ =	swait.ge [sflag:s18], $0x6400  }
0x224: {  	[sflag:s18] =	ssyncset.done $0x0  }
0x225: {  	[sflag:s18] =	ssyncadd.s32 $0xFFFF9C00  }
0x226: {  	v18 =	vld [tilespmem:$0xD200];
	_ =	sdelay $0x4  }
0x227: {  	v18 =	vshll.u32 v18, $0x7  }
0x228: {  	v18 =	vor.u32 v1, v18;
	_ =	sdelay $0x4  }
0x229: {  	[tilespmem:v18+s3+$0x0] =	vst.idx.msk $0xffff, v0  }
0x22a: {  	v18 =	vld [tilespmem:$0xD210];
	_ =	sdelay $0x4  }
0x22b: {  	v18 =	vshll.u32 v18, $0x7  }
0x22c: {  	v18 =	vor.u32 v3, v18;
	_ =	sdelay $0x4  }
0x22d: {  	[tilespmem:v18+s3+$0x0] =	vst.idx.msk $0xffff, v0  }
0x22e: {  	v18 =	vld [tilespmem:$0xD220];
	_ =	sdelay $0x4  }
0x22f: {  	v18 =	vshll.u32 v18, $0x7  }
0x230: {  	v18 =	vor.u32 v4, v18;
	_ =	sdelay $0x4  }
0x231: {  	[tilespmem:v18+s3+$0x0] =	vst.idx.msk $0xffff, v0  }
0x232: {  	v18 =	vld [tilespmem:$0xD230];
	_ =	sdelay $0x4  }
0x233: {  	v18 =	vshll.u32 v18, $0x7  }
0x234: {  	v18 =	vor.u32 v5, v18;
	_ =	sdelay $0x4  }
0x235: {  	[tilespmem:v18+s3+$0x0] =	vst.idx.msk $0xffff, v0  }
0x236: {  	v18 =	vld [tilespmem:$0xD240];
	_ =	sdelay $0x4  }
0x237: {  	v18 =	vshll.u32 v18, $0x7  }
0x238: {  	v18 =	vor.u32 v6, v18;
	_ =	sdelay $0x4  }
0x239: {  	[tilespmem:v18+s3+$0x0] =	vst.idx.msk $0xffff, v0  }
0x23a: {  	v18 =	vld [tilespmem:$0xD250];
	_ =	sdelay $0x4  }
0x23b: {  	v18 =	vshll.u32 v18, $0x7  }
0x23c: {  	v18 =	vor.u32 v7, v18;
	_ =	sdelay $0x4  }
0x23d: {  	[tilespmem:v18+s3+$0x0] =	vst.idx.msk $0xffff, v0  }
0x23e: {  	v18 =	vld [tilespmem:$0xD260];
	_ =	sdelay $0x4  }
0x23f: {  	v18 =	vshll.u32 v18, $0x7  }
0x240: {  	v18 =	vor.u32 v8, v18;
	_ =	sdelay $0x4  }
0x241: {  	[tilespmem:v18+s3+$0x0] =	vst.idx.msk $0xffff, v0  }
0x242: {  	v18 =	vld [tilespmem:$0xD270];
	_ =	sdelay $0x4  }
0x243: {  	v18 =	vshll.u32 v18, $0x7  }
0x244: {  	v18 =	vor.u32 v9, v18;
	_ =	sdelay $0x4  }
0x245: {  	[tilespmem:v18+s3+$0x0] =	vst.idx.msk $0xffff, v0  }
0x246: {  	v18 =	vld [tilespmem:$0xD280];
	_ =	sdelay $0x4  }
0x247: {  	v18 =	vshll.u32 v18, $0x7  }
0x248: {  	v18 =	vadd.s32 v10, v18;
	_ =	sdelay $0x4  }
0x249: {  	[tilespmem:v18+s3+$0x0] =	vst.idx.msk $0xffff, v0  }
0x24a: {  	v18 =	vld [tilespmem:$0xD290];
	_ =	sdelay $0x4  }
0x24b: {  	v18 =	vshll.u32 v18, $0x7  }
0x24c: {  	v18 =	vadd.s32 v11, v18;
	_ =	sdelay $0x4  }
0x24d: {  	[tilespmem:v18+s3+$0x0] =	vst.idx.msk $0xffff, v0  }
0x24e: {  	v18 =	vld [tilespmem:$0xD2A0];
	_ =	sdelay $0x4  }
0x24f: {  	v18 =	vshll.u32 v18, $0x7  }
0x250: {  	v18 =	vadd.s32 v12, v18;
	_ =	sdelay $0x4  }
0x251: {  	[tilespmem:v18+s3+$0x0] =	vst.idx.msk $0xffff, v0  }
0x252: {  	v18 =	vld [tilespmem:$0xD2B0];
	_ =	sdelay $0x4  }
0x253: {  	v18 =	vshll.u32 v18, $0x7  }
0x254: {  	v18 =	vadd.s32 v13, v18;
	_ =	sdelay $0x4  }
0x255: {  	[tilespmem:v18+s3+$0x0] =	vst.idx.msk $0xffff, v0  }
0x256: {  	v18 =	vld [tilespmem:$0xD2C0];
	_ =	sdelay $0x4  }
0x257: {  	v18 =	vshll.u32 v18, $0x7  }
0x258: {  	v18 =	vadd.s32 v14, v18;
	_ =	sdelay $0x4  }
0x259: {  	[tilespmem:v18+s3+$0x0] =	vst.idx.msk $0xffff, v0  }
0x25a: {  	v18 =	vld [tilespmem:$0xD2D0];
	_ =	sdelay $0x4  }
0x25b: {  	v18 =	vshll.u32 v18, $0x7  }
0x25c: {  	v18 =	vadd.s32 v15, v18;
	_ =	sdelay $0x4  }
0x25d: {  	[tilespmem:v18+s3+$0x0] =	vst.idx.msk $0xffff, v0  }
0x25e: {  	v18 =	vld [tilespmem:$0xD2E0];
	_ =	sdelay $0x4  }
0x25f: {  	v18 =	vshll.u32 v18, $0x7  }
0x260: {  	v18 =	vadd.s32 v16, v18;
	_ =	sdelay $0x4  }
0x261: {  	[tilespmem:v18+s3+$0x0] =	vst.idx.msk $0xffff, v0  }
0x262: {  	v18 =	vld [tilespmem:$0xD2F0];
	_ =	sdelay $0x4  }
0x263: {  	v18 =	vshll.u32 v18, $0x7  }
0x264: {  	v18 =	vadd.s32 v17, v18;
	_ =	sdelay $0x4  }
0x265: {  	[tilespmem:v18+s3+$0x0] =	vst.idx.msk $0xffff, v0  }
0x266: {  	v18 =	vld [tilespmem:$0xD400];
	_ =	sdelay $0x4  }
0x267: {  	v18 =	vshll.u32 v18, $0x7  }
0x268: {  	v18 =	vor.u32 v1, v18;
	_ =	sdelay $0x4  }
0x269: {  	[tilespmem:v18+s3+$0x0] =	vst.idx.msk $0xffff, v2  }
0x26a: {  	v18 =	vld [tilespmem:$0xD410];
	_ =	sdelay $0x4  }
0x26b: {  	v18 =	vshll.u32 v18, $0x7  }
0x26c: {  	v18 =	vor.u32 v3, v18;
	_ =	sdelay $0x4  }
0x26d: {  	[tilespmem:v18+s3+$0x0] =	vst.idx.msk $0xffff, v2  }
0x26e: {  	v18 =	vld [tilespmem:$0xD420];
	_ =	sdelay $0x4  }
0x26f: {  	v18 =	vshll.u32 v18, $0x7  }
0x270: {  	v18 =	vor.u32 v4, v18;
	_ =	sdelay $0x4  }
0x271: {  	[tilespmem:v18+s3+$0x0] =	vst.idx.msk $0xffff, v2  }
0x272: {  	v18 =	vld [tilespmem:$0xD430];
	_ =	sdelay $0x4  }
0x273: {  	v18 =	vshll.u32 v18, $0x7  }
0x274: {  	v18 =	vor.u32 v5, v18;
	_ =	sdelay $0x4  }
0x275: {  	[tilespmem:v18+s3+$0x0] =	vst.idx.msk $0xffff, v2  }
0x276: {  	v18 =	vld [tilespmem:$0xD440];
	_ =	sdelay $0x4  }
0x277: {  	v18 =	vshll.u32 v18, $0x7  }
0x278: {  	v18 =	vor.u32 v6, v18;
	_ =	sdelay $0x4  }
0x279: {  	[tilespmem:v18+s3+$0x0] =	vst.idx.msk $0xffff, v2  }
0x27a: {  	v18 =	vld [tilespmem:$0xD450];
	_ =	sdelay $0x4  }
0x27b: {  	v18 =	vshll.u32 v18, $0x7  }
0x27c: {  	v18 =	vor.u32 v7, v18;
	_ =	sdelay $0x4  }
0x27d: {  	[tilespmem:v18+s3+$0x0] =	vst.idx.msk $0xffff, v2  }
0x27e: {  	v18 =	vld [tilespmem:$0xD460];
	_ =	sdelay $0x4  }
0x27f: {  	v18 =	vshll.u32 v18, $0x7  }
0x280: {  	v18 =	vor.u32 v8, v18;
	_ =	sdelay $0x4  }
0x281: {  	[tilespmem:v18+s3+$0x0] =	vst.idx.msk $0xffff, v2  }
0x282: {  	v18 =	vld [tilespmem:$0xD470];
	_ =	sdelay $0x4  }
0x283: {  	v18 =	vshll.u32 v18, $0x7  }
0x284: {  	v18 =	vor.u32 v9, v18;
	_ =	sdelay $0x4  }
0x285: {  	[tilespmem:v18+s3+$0x0] =	vst.idx.msk $0xffff, v2  }
0x286: {  	v18 =	vld [tilespmem:$0xD480];
	_ =	sdelay $0x4  }
0x287: {  	v18 =	vshll.u32 v18, $0x7  }
0x288: {  	v18 =	vadd.s32 v10, v18;
	_ =	sdelay $0x4  }
0x289: {  	[tilespmem:v18+s3+$0x0] =	vst.idx.msk $0xffff, v2  }
0x28a: {  	v18 =	vld [tilespmem:$0xD490];
	_ =	sdelay $0x4  }
0x28b: {  	v18 =	vshll.u32 v18, $0x7  }
0x28c: {  	v18 =	vadd.s32 v11, v18;
	_ =	sdelay $0x4  }
0x28d: {  	[tilespmem:v18+s3+$0x0] =	vst.idx.msk $0xffff, v2  }
0x28e: {  	v18 =	vld [tilespmem:$0xD4A0];
	_ =	sdelay $0x4  }
0x28f: {  	v18 =	vshll.u32 v18, $0x7  }
0x290: {  	v18 =	vadd.s32 v12, v18;
	_ =	sdelay $0x4  }
0x291: {  	[tilespmem:v18+s3+$0x0] =	vst.idx.msk $0xffff, v2  }
0x292: {  	v18 =	vld [tilespmem:$0xD4B0];
	_ =	sdelay $0x4  }
0x293: {  	v18 =	vshll.u32 v18, $0x7  }
0x294: {  	v18 =	vadd.s32 v13, v18;
	_ =	sdelay $0x4  }
0x295: {  	[tilespmem:v18+s3+$0x0] =	vst.idx.msk $0xffff, v2  }
0x296: {  	v18 =	vld [tilespmem:$0xD4C0];
	_ =	sdelay $0x4  }
0x297: {  	v18 =	vshll.u32 v18, $0x7  }
0x298: {  	v18 =	vadd.s32 v14, v18;
	_ =	sdelay $0x4  }
0x299: {  	[tilespmem:v18+s3+$0x0] =	vst.idx.msk $0xffff, v2  }
0x29a: {  	v18 =	vld [tilespmem:$0xD4D0];
	_ =	sdelay $0x4  }
0x29b: {  	v18 =	vshll.u32 v18, $0x7  }
0x29c: {  	v18 =	vadd.s32 v15, v18;
	_ =	sdelay $0x4  }
0x29d: {  	[tilespmem:v18+s3+$0x0] =	vst.idx.msk $0xffff, v2  }
0x29e: {  	v18 =	vld [tilespmem:$0xD4E0];
	_ =	sdelay $0x4  }
0x29f: {  	v18 =	vshll.u32 v18, $0x7  }
0x2a0: {  	v18 =	vadd.s32 v16, v18;
	_ =	sdelay $0x4  }
0x2a1: {  	[tilespmem:v18+s3+$0x0] =	vst.idx.msk $0xffff, v2  }
0x2a2: {  	v18 =	vld [tilespmem:$0xD4F0];
	_ =	sdelay $0x4  }
0x2a3: {  	v18 =	vshll.u32 v18, $0x7  }
0x2a4: {  	v18 =	vadd.s32 v17, v18;
	_ =	sdelay $0x4  }
0x2a5: {  	s20 =	sadd.s32 $0x1, s20;
	[tilespmem:v18+s3+$0x0] =	vst.idx.msk $0xffff, v2  }
0x2a6: {  	[hbm4b:s8+s12] =	stream.strided.scatter [tilespmem:s3], [sflag:$0x1], $0x6400, s13, s12, $0x38;
	[tilespmem:$0xD800] =	vst v63  }
0x2a7: {  	p0 =	sne.s32 s20, s9;
	_ =	swait.ge [sflag:s19], $0x6400  }
.Ltmp2:
0x2a8: {  	[sflag:s19] =	ssyncset.done $0x0;
	(pc) =	sbr.rel @p0 .LBB2_1-.Ltmp2, $4  }
0x2a9: {  	[sflag:s19] =	ssyncadd.s32 $0xFFFF9C00  }
0x2aa: {  	_ =	swait.ge [sflag:s18], $0x6400  }
0x2ab: {  	[sflag:s18] =	ssyncset.done $0x0  }
0x2ac: {  	[sflag:s18] =	ssyncadd.s32 $0xFFFF9C00  }
0x2ad: {  	_ =	sfence.sel $0x180000  }
0x2ae: {  	[bflag:$0x0] =	sbarrier.arrive $0xFFFF  }
0x2af: {  	p0 =	sne.s32 s1, $0x0;
	_ =	strace $0x90000047  }
0x2b0: {  	s0 =	sadd.s32 @!p0 $0x100000, s0;
	[bflag:$0x2] =	sbarrier.arrive $0xFFFF  }
0x2b1: {  	[sflag:s0] =	ssyncadd.tile.s32 @!p0 $0x1;
	_ =	shalt  }
.Lfunc_end2:
_tile_overlayer_lowered:
.L_overlay_start_2:
0x2b2: {  	(tag) =	ssettag $0x2  }
0x2b3: {  	s0 =	rddreg [dreg:$0x0];
	s2 =	stileid.u32  }
0x2b4: {  	s1 =	rddreg [dreg:$0x1];
	p0 =	sne.s32 s2, $0x0  }
0x2b5: {  	s3 =	rddreg [dreg:$0x2];
	[bflag:$0x3] =	sbarrier.arrive $0xFFFF;
	s2 =	simm.s32 @!p0 $0x1C03  }
0x2b6: {  	[timem:s3], [sflag:s2] =	dma.local @!p0 [hbm:s0], s1  }
0x2b7: {  	s0 =	simm.s32 @!p0 $0x3  }
0x2b8: {  	_ =	swait.ge @!p0 [sflag:s0], s1  }
0x2b9: {  	s1 =	ssub.s32 @!p0 $0x0, s1;
	[sflag:s0] =	ssyncset.done @!p0 $0x0  }
0x2ba: {  	[sflag:s0] =	ssyncadd.s32 @!p0 s1  }
0x2bb: {  	[bflag:$0x3] =	sbarrier.arrive $0xFFFF  }
0x2bc: {  	_ =	shalt  }

</sc_bundles>
